<compile_context>
chip_gen: v7x
topology: tpu7x:2x2x1
jax: 0.10.2.dev20260603
libtpu: 0.0.44.dev20260713+nightly
codegen_flags: <defaults>
</compile_context>

<pallas_src>
import functools

import jax
import jax.numpy as jnp
from jax import lax
from jax.experimental import pallas as pl
from jax.experimental.pallas import tpu as pltpu
from jax.experimental.pallas import tpu_sc as plsc

N = 16384
M = 4096
K = 16
C_IN = 32
C_OUT = 64
NW = 32
QPW = M // NW
NCHUNK = N // 16
BIG = 3.0e38



def _fps_body(px_ref, py_ref, pz_ref, idx_ref, mind_ref):
    i32 = jnp.int32
    colio1 = lax.broadcasted_iota(i32, (1, 128), 1)
    rowio = lax.broadcasted_iota(i32, (128, 128), 0)
    colio = lax.broadcasted_iota(i32, (128, 128), 1)
    flat = rowio * 128 + colio

    def rmin2(a):
        return jnp.min(jnp.min(a, axis=0, keepdims=True), axis=1,
                       keepdims=True)

    idx_ref[0] = 0
    cm0 = colio1 == 0
    row0x = jnp.where(cm0, px_ref[pl.ds(0, 1), :], BIG)
    row0y = jnp.where(cm0, py_ref[pl.ds(0, 1), :], BIG)
    row0z = jnp.where(cm0, pz_ref[pl.ds(0, 1), :], BIG)
    qx0 = jnp.min(row0x, axis=1, keepdims=True).reshape(1, 1)
    qy0 = jnp.min(row0y, axis=1, keepdims=True).reshape(1, 1)
    qz0 = jnp.min(row0z, axis=1, keepdims=True).reshape(1, 1)
    mind_ref[...] = jnp.full((128, 128), BIG, jnp.float32)

    def step(i, carry):
        qx, qy, qz = carry
        dx = px_ref[...] - qx
        dy = py_ref[...] - qy
        dz = pz_ref[...] - qz
        nmd = jnp.minimum(mind_ref[...], (dx * dx + dy * dy) + dz * dz)
        mind_ref[...] = nmd
        m = jnp.max(jnp.max(nmd, axis=0, keepdims=True), axis=1,
                    keepdims=True)
        nxt = rmin2(jnp.where(nmd == m, flat, i32(2**30)))
        idx_ref[i] = nxt[0, 0]
        sel = flat == nxt
        nqx = rmin2(jnp.where(sel, px_ref[...], BIG))
        nqy = rmin2(jnp.where(sel, py_ref[...], BIG))
        nqz = rmin2(jnp.where(sel, pz_ref[...], BIG))
        return (nqx, nqy, nqz)

    lax.fori_loop(1, M, step, (qx0, qy0, qz0))


def _fps(px2, py2, pz2):
    return pl.pallas_call(
        _fps_body,
        out_shape=jax.ShapeDtypeStruct((M,), jnp.int32),
        in_specs=[pl.BlockSpec(memory_space=pltpu.VMEM)] * 3,
        out_specs=pl.BlockSpec(memory_space=pltpu.SMEM),
        scratch_shapes=[pltpu.VMEM((128, 128), jnp.float32)],
    )(px2, py2, pz2)



def _prep_body(x_ref, p1_ref, p1t_ref, wx_ref, wp_ref, b_ref, a_ref, aux_ref):
    xw = jnp.dot(x_ref[...].astype(jnp.bfloat16),
                 wx_ref[...].astype(jnp.bfloat16),
                 preferred_element_type=jnp.float32)
    pxc = p1_ref[:, 0:1]
    pyc = p1_ref[:, 1:2]
    pzc = p1_ref[:, 2:3]
    pw = (pxc * wp_ref[0:1, :] + pyc * wp_ref[1:2, :]) + pzc * wp_ref[2:3, :]
    a_ref[...] = (xw + pw) + b_ref[...]
    pxr = p1t_ref[0:1, :]
    pyr = p1t_ref[1:2, :]
    pzr = p1t_ref[2:3, :]
    aux_ref[0:1, :] = pxr.astype(jnp.bfloat16).astype(jnp.float32)
    aux_ref[1:2, :] = pyr.astype(jnp.bfloat16).astype(jnp.float32)
    aux_ref[2:3, :] = pzr.astype(jnp.bfloat16).astype(jnp.float32)
    aux_ref[3:4, :] = (pxr * pxr + pyr * pyr) + pzr * pzr


def _prep(x, p1, p1t, wx, wp, b_row):
    blk = 2048
    return pl.pallas_call(
        _prep_body,
        grid=(N // blk,),
        out_shape=[
            jax.ShapeDtypeStruct((N, C_OUT), jnp.float32),
            jax.ShapeDtypeStruct((4, N), jnp.float32),
        ],
        in_specs=[
            pl.BlockSpec((blk, C_IN), lambda i: (i, 0)),
            pl.BlockSpec((blk, 3), lambda i: (i, 0)),
            pl.BlockSpec((3, blk), lambda i: (0, i)),
            pl.BlockSpec((C_IN, C_OUT), lambda i: (0, 0)),
            pl.BlockSpec((3, C_OUT), lambda i: (0, 0)),
            pl.BlockSpec((1, C_OUT), lambda i: (0, 0)),
        ],
        out_specs=[
            pl.BlockSpec((blk, C_OUT), lambda i: (i, 0)),
            pl.BlockSpec((4, blk), lambda i: (0, i)),
        ],
    )(x, p1, p1t, wx, wp, b_row)



def _sc_knn(px, py, pz, aux, fidx, a_tab, wpf):
    mesh = plsc.VectorSubcoreMesh(core_axis_name="c", subcore_axis_name="s")

    @functools.partial(
        pl.kernel,
        mesh=mesh,
        compiler_params=pltpu.CompilerParams(
            needs_layout_passes=False, use_tc_tiling_on_sc=False),
        out_type=[
            jax.ShapeDtypeStruct((M * C_OUT,), jnp.float32),
            jax.ShapeDtypeStruct((3 * M,), jnp.float32),
        ],
        scratch_types=[
            pltpu.VMEM((N,), jnp.float32),
            pltpu.VMEM((N,), jnp.float32),
            pltpu.VMEM((N,), jnp.float32),
            pltpu.VMEM((N,), jnp.float32),
            pltpu.VMEM((QPW,), jnp.int32),
            pltpu.VMEM((192,), jnp.float32),
            pltpu.VMEM((K, C_OUT), jnp.float32),
            pltpu.VMEM((QPW * C_OUT,), jnp.float32),
            pltpu.VMEM((QPW,), jnp.float32),
            pltpu.VMEM((QPW,), jnp.float32),
            pltpu.VMEM((QPW,), jnp.float32),
            pltpu.VMEM((16,), jnp.float32),
            pltpu.VMEM((16,), jnp.float32),
            pltpu.VMEM((16,), jnp.int32),
            pltpu.SMEM((1,), jnp.float32),
            pltpu.SemaphoreType.DMA,
        ],
    )
    def body(px_h, py_h, pz_h, aux_h, fidx_h, a_h, wpf_h, y_h, fc_h,
             pxb_v, pyb_v, pzb_v, p2_v, fidx_v, wpf_v, arows_v, orow_v,
             qx_v, qy_v, qz_v, qg_v, td_v, ti_v, thr_s, sem):
        i32 = jnp.int32
        cid = lax.axis_index("c")
        sid = lax.axis_index("s")
        wid = sid * 2 + cid
        base = wid * QPW

        pltpu.sync_copy(aux_h.at[pl.ds(0 * N, N)], pxb_v)
        pltpu.sync_copy(aux_h.at[pl.ds(1 * N, N)], pyb_v)
        pltpu.sync_copy(aux_h.at[pl.ds(2 * N, N)], pzb_v)
        pltpu.sync_copy(aux_h.at[pl.ds(3 * N, N)], p2_v)
        pltpu.sync_copy(fidx_h.at[pl.ds(base, QPW)], fidx_v)
        pltpu.sync_copy(wpf_h, wpf_v)

        lanes = lax.iota(i32, 16)

        def group(g, carry):
            goff = g * 16
            qidx = fidx_v[pl.ds(goff, 16)]
            pltpu.async_copy(px_h.at[qidx], qg_v, sem).wait()
            qx16 = qg_v[...]
            pltpu.async_copy(py_h.at[qidx], qg_v, sem).wait()
            qy16 = qg_v[...]
            pltpu.async_copy(pz_h.at[qidx], qg_v, sem).wait()
            qz16 = qg_v[...]
            qx_v[pl.ds(goff, 16)] = qx16
            qy_v[pl.ds(goff, 16)] = qy16
            qz_v[pl.ds(goff, 16)] = qz16
            pltpu.async_copy(aux_h.at[qidx], qg_v, sem).wait()
            qxb16 = qg_v[...]
            pltpu.async_copy(aux_h.at[qidx + N], qg_v, sem).wait()
            qyb16 = qg_v[...]
            pltpu.async_copy(aux_h.at[qidx + 2 * N], qg_v, sem).wait()
            qzb16 = qg_v[...]

            def query(l, carry2):
                lm = lanes == l
                qx = jnp.max(jnp.where(lm, qx16, -BIG))
                qy = jnp.max(jnp.where(lm, qy16, -BIG))
                qz = jnp.max(jnp.where(lm, qz16, -BIG))
                qxb = jnp.max(jnp.where(lm, qxb16, -BIG))
                qyb = jnp.max(jnp.where(lm, qyb16, -BIG))
                qzb = jnp.max(jnp.where(lm, qzb16, -BIG))
                q2 = (qx * qx + qy * qy) + qz * qz
                m2x = -2.0 * qxb
                m2y = -2.0 * qyb
                m2z = -2.0 * qzb

                td_v[...] = jnp.full((16,), BIG, jnp.float32)
                ti_v[...] = jnp.zeros((16,), i32)
                thr_s[0] = BIG

                def dist_at(s):
                    pxc = pxb_v[pl.ds(s, 16)]
                    pyc = pyb_v[pl.ds(s, 16)]
                    pzc = pzb_v[pl.ds(s, 16)]
                    p2c = p2_v[pl.ds(s, 16)]
                    dotm = (m2x * pxc + m2y * pyc) + m2z * pzc
                    return (q2 + dotm) + p2c

                def merge(d2, s, t_d, t_i):
                    ic = lanes + s
                    ca, cia = plsc.sort_key_val(d2, ic, descending=False)
                    take = ca < t_d
                    t2 = jnp.where(take, ca, t_d)
                    ti2 = jnp.where(take, cia, t_i)
                    return plsc.sort_key_val(t2, ti2, descending=True)

                NSUB = 16

                def chunk(j, carry3):
                    s = j * (16 * NSUB)
                    d2s = [dist_at(s + 16 * k) for k in range(NSUB)]
                    cmin = d2s[0]
                    for k in range(1, NSUB):
                        cmin = jnp.minimum(cmin, d2s[k])
                    thr = thr_s[0]

                    def do_merges(_, c):
                        t_d = td_v[...]
                        t_i = ti_v[...]
                        for k in range(NSUB):
                            t_d, t_i = merge(d2s[k], s + 16 * k, t_d, t_i)
                        td_v[...] = t_d
                        ti_v[...] = t_i
                        thr_s[0] = jnp.max(t_d)
                        return c

                    cnt = jnp.where(jnp.any(cmin < thr), 1, 0)
                    lax.fori_loop(0, cnt, do_merges, 0)
                    return carry3

                lax.fori_loop(0, NCHUNK // NSUB, chunk, 0)
                t_i = ti_v[...]

                pltpu.async_copy(a_h.at[t_i], arows_v, sem).wait()

                obase = g * (16 * C_OUT) + l * C_OUT
                for cc in range(C_OUT // 16):
                    mx = arows_v[0, pl.ds(cc * 16, 16)]
                    for r in range(1, K):
                        mx = jnp.maximum(mx, arows_v[r, pl.ds(cc * 16, 16)])
                    wp0 = wpf_v[pl.ds(0 * C_OUT + cc * 16, 16)]
                    wp1 = wpf_v[pl.ds(1 * C_OUT + cc * 16, 16)]
                    wp2 = wpf_v[pl.ds(2 * C_OUT + cc * 16, 16)]
                    tq = (qx * wp0 + qy * wp1) + qz * wp2
                    yv = jnp.maximum(mx - tq, 0.0)
                    orow_v[pl.ds(obase + cc * 16, 16)] = yv
                return carry2

            return lax.fori_loop(0, 16, query, carry)

        lax.fori_loop(0, QPW // 16, group, 0)

        pltpu.sync_copy(orow_v, y_h.at[pl.ds(base * C_OUT, QPW * C_OUT)])
        pltpu.sync_copy(qx_v, fc_h.at[pl.ds(0 * M + base, QPW)])
        pltpu.sync_copy(qy_v, fc_h.at[pl.ds(1 * M + base, QPW)])
        pltpu.sync_copy(qz_v, fc_h.at[pl.ds(2 * M + base, QPW)])

    return body(px, py, pz, aux, fidx, a_tab, wpf)


def kernel(x, p1, W_td, b_td, Wq, Wk, Wv, Wd1, bd1, Wd2, bd2,
           Wg1, bg1, Wg2, bg2, Wo, bo):
    px = p1[:, 0]
    py = p1[:, 1]
    pz = p1[:, 2]
    fidx = _fps(px.reshape(128, 128), py.reshape(128, 128),
                pz.reshape(128, 128))
    wx = W_td[:C_IN]
    wp = W_td[C_IN:C_IN + 3]
    a_tab, aux = _prep(x, p1, p1.T, wx, wp, b_td.reshape(1, C_OUT))
    yflat, fcflat = _sc_knn(px, py, pz, aux.reshape(4 * N), fidx, a_tab,
                            wp.reshape(192))
    y = yflat.reshape(M, C_OUT)
    fps_coords = fcflat.reshape(3, M).T
    return (y, fps_coords)

# --- scband reference (transcript-rebuilt; emitter-appended) ---
"""Pipeline reference for scband-tdpt-56538949485047 (READ-ONLY COPY).

The authoritative reference and input builder live on the scoring server;
editing this copy changes nothing except your own understanding.
"""

import jax, jax.numpy as jnp
import numpy as np

N = 16384
C_IN = 32
C_OUT = 64
MID = 32  # out_channel_size // BOTTLENECK_RATIO
COORD = 3
TD_K = 16
PT_K = 16
NUM_SAMPLING = 4096


def fps_indices(coords, m):
    # farthest point sampling: iterative argmax of min-distance
    d0 = jnp.sum((coords - coords[0]) ** 2, axis=-1)
    idxs = jnp.zeros((m,), dtype=jnp.int32)

    def body(i, state):
        min_d, idxs = state
        nxt = jnp.argmax(min_d).astype(jnp.int32)
        idxs = idxs.at[i].set(nxt)
        d = jnp.sum((coords - coords[nxt]) ** 2, axis=-1)
        return (jnp.minimum(min_d, d), idxs)

    _, idxs = jax.lax.fori_loop(1, m, body, (d0, idxs))
    return idxs


def knn_indices(query, base, k):
    d2 = (jnp.sum(query ** 2, axis=-1, keepdims=True)
          - 2.0 * query @ base.T
          + jnp.sum(base ** 2, axis=-1)[None, :])
    _, idx = jax.lax.top_k(-d2, k)
    return idx


def setup_inputs(seed: int = 0):
    key = jax.random.key(seed)
    ks = jax.random.split(key, 12)
    x = jax.random.normal(ks[0], (N, C_IN), dtype=jnp.float32)
    p1 = jax.random.uniform(ks[1], (N, COORD), dtype=jnp.float32)

    def w(k, shape):
        return jax.random.normal(k, shape, dtype=jnp.float32) * (1.0 / np.sqrt(shape[0]))

    return {
        'x': x, 'p1': p1,
        'W_td': w(ks[2], (C_IN + COORD, C_OUT)), 'b_td': jnp.zeros((C_OUT,), jnp.float32),
        'Wq': w(ks[3], (C_OUT, MID)), 'Wk': w(ks[4], (C_OUT, MID)), 'Wv': w(ks[5], (C_OUT, MID)),
        'Wd1': w(ks[6], (COORD, MID)), 'bd1': jnp.zeros((MID,), jnp.float32),
        'Wd2': w(ks[7], (MID, MID)), 'bd2': jnp.zeros((MID,), jnp.float32),
        'Wg1': w(ks[8], (MID, MID)), 'bg1': jnp.zeros((MID,), jnp.float32),
        'Wg2': w(ks[9], (MID, MID)), 'bg2': jnp.zeros((MID,), jnp.float32),
        'Wo': w(ks[10], (MID, C_OUT)), 'bo': jnp.zeros((C_OUT,), jnp.float32),
    }


def reference(x, p1, W_td, b_td, Wq, Wk, Wv, Wd1, bd1, Wd2, bd2, Wg1, bg1, Wg2, bg2, Wo, bo):
    # ---- TransitionDown: FPS -> kNN group -> shared MLP -> local max pool ----
    fps_idx = fps_indices(p1, NUM_SAMPLING)
    fps_coords = p1[fps_idx]                                  # [M, 3]
    knn_idx = knn_indices(fps_coords, p1, TD_K)               # [M, k]
    knn_features = x[knn_idx]                                 # [M, k, C_IN]
    local_coords = p1[knn_idx] - fps_coords[:, None, :]       # [M, k, 3]
    h = jnp.concatenate([knn_features, local_coords], axis=-1) @ W_td + b_td
    h = jax.nn.relu(h)
    x_out = jnp.max(h, axis=1)                                # [M, C_OUT]

    # ---- PointTransformerBlock (vector self-attention over pt_k neighbors) ----
    pt_idx = knn_indices(fps_coords, fps_coords, PT_K)
    q = x_out @ Wq
    kf = (x_out @ Wk)[pt_idx]
    v = (x_out @ Wv)[pt_idx]
    rel = fps_coords[pt_idx] - fps_coords[:, None, :]
    delta = jax.nn.relu(rel @ Wd1 + bd1) @ Wd2 + bd2
    attn = jax.nn.relu((q[:, None, :] - kf + delta) @ Wg1 + bg1) @ Wg2 + bg2
    attn = jax.nn.softmax(attn, axis=1)
    y_pt = jnp.sum(attn * (v + delta), axis=1) @ Wo + bo + x_out

    # NOTE: the original torch forward does `y = self.pt(...)` then `y = x`,
    # i.e. the PT output is computed but discarded. We mirror that exactly.
    y = x_out
    return (y, fps_coords)

if __name__ == "__main__":
    import jax
    _d = setup_inputs()
    print(jax.jit(kernel)(*tuple(_d.values())))

</pallas_src>

<mosaic_0001>
#map = affine_map<(d0, d1) -> (0)>
#map1 = affine_map<(d0, d1) -> (0, 0)>
module attributes {stable_mosaic.version = 14 : i64} {
  func.func @body(%arg0: i32, %arg1: i32, %arg2: memref<16384xf32, #tpu.memory_space<hbm>>, %arg3: memref<16384xf32, #tpu.memory_space<hbm>>, %arg4: memref<16384xf32, #tpu.memory_space<hbm>>, %arg5: memref<65536xf32, #tpu.memory_space<hbm>>, %arg6: memref<4096xi32, #tpu.memory_space<hbm>>, %arg7: memref<16384x64xf32, #tpu.memory_space<hbm>>, %arg8: memref<192xf32, #tpu.memory_space<hbm>>, %arg9: memref<262144xf32, #tpu.memory_space<hbm>>, %arg10: memref<12288xf32, #tpu.memory_space<hbm>>, %arg11: memref<16384xf32, #tpu.memory_space<vmem>>, %arg12: memref<16384xf32, #tpu.memory_space<vmem>>, %arg13: memref<16384xf32, #tpu.memory_space<vmem>>, %arg14: memref<16384xf32, #tpu.memory_space<vmem>>, %arg15: memref<128xi32, #tpu.memory_space<vmem>>, %arg16: memref<192xf32, #tpu.memory_space<vmem>>, %arg17: memref<16x64xf32, #tpu.memory_space<vmem>>, %arg18: memref<8192xf32, #tpu.memory_space<vmem>>, %arg19: memref<128xf32, #tpu.memory_space<vmem>>, %arg20: memref<128xf32, #tpu.memory_space<vmem>>, %arg21: memref<128xf32, #tpu.memory_space<vmem>>, %arg22: memref<16xf32, #tpu.memory_space<vmem>>, %arg23: memref<16xf32, #tpu.memory_space<vmem>>, %arg24: memref<16xi32, #tpu.memory_space<vmem>>, %arg25: memref<1xf32, #tpu.memory_space<smem>>, %arg26: memref<!tpu.dma_semaphore, #tpu.memory_space<semaphore_mem>>) attributes {dimension_semantics = [#tpu.dimension_semantics<core_parallel>, #tpu.dimension_semantics<subcore_parallel>], iteration_bounds = array<i64: 2, 16>, scalar_prefetch = 0 : i64, scratch_operands = 16 : i64, tpu.core_type = #tpu.core_type<sc_vector_subcore>, window_params = [{transform_indices = #map}, {transform_indices = #map}, {transform_indices = #map}, {transform_indices = #map}, {transform_indices = #map}, {transform_indices = #map1}, {transform_indices = #map}, {transform_indices = #map}, {transform_indices = #map}]} {
    %mul3A = arith.constant 2 : i32
    %mul3A_0 = arith.muli %arg1, %mul3A : i32
    %add3A = arith.addi %mul3A_0, %arg0 : i32
    %mul3A_1 = arith.constant 128 : i32
    %mul3A_2 = arith.muli %add3A, %mul3A_1 : i32
    "tpu.region"() ({
      %run_scoped3A = tpu.sem_alloc : memref<!tpu.dma_semaphore, #tpu.memory_space<semaphore_mem>>
      %dma_start3A = arith.constant 0 : i32
      %dma_start3A_16 = tpu.memref_slice %arg5[%dma_start3A] : memref<65536xf32, #tpu.memory_space<hbm>> -> memref<16384xf32, #tpu.memory_space<hbm>>
      %dma_start3A_17 = arith.constant 0 : i32
      %dma_start3A_18 = tpu.memref_slice %arg5[%dma_start3A_17] : memref<65536xf32, #tpu.memory_space<hbm>> -> memref<16384xf32, #tpu.memory_space<hbm>>
      tpu.enqueue_dma source(%dma_start3A_18 : memref<16384xf32, #tpu.memory_space<hbm>>) target(%arg11 : memref<16384xf32, #tpu.memory_space<vmem>>) target_semaphore(%run_scoped3A : memref<!tpu.dma_semaphore, #tpu.memory_space<semaphore_mem>>)
      %dma_wait3A = arith.constant 0 : i32
      %dma_wait3A_19 = tpu.memref_slice %arg5[%dma_wait3A] : memref<65536xf32, #tpu.memory_space<hbm>> -> memref<16384xf32, #tpu.memory_space<hbm>>
      %dma_wait3A_20 = arith.constant 0 : i32
      %dma_wait3A_21 = tpu.memref_slice %arg5[%dma_wait3A_20] : memref<65536xf32, #tpu.memory_space<hbm>> -> memref<16384xf32, #tpu.memory_space<hbm>>
      tpu.wait_dma2 semaphore(%run_scoped3A : memref<!tpu.dma_semaphore, #tpu.memory_space<semaphore_mem>>) src(%dma_wait3A_21 : memref<16384xf32, #tpu.memory_space<hbm>>) dst(%arg11 : memref<16384xf32, #tpu.memory_space<vmem>>)
      tpu.yield
    }) : () -> ()
    "tpu.region"() ({
      %run_scoped3A = tpu.sem_alloc : memref<!tpu.dma_semaphore, #tpu.memory_space<semaphore_mem>>
      %dma_start3A = arith.constant 16384 : i32
      %dma_start3A_16 = tpu.memref_slice %arg5[%dma_start3A] : memref<65536xf32, #tpu.memory_space<hbm>> -> memref<16384xf32, #tpu.memory_space<hbm>>
      %dma_start3A_17 = arith.constant 16384 : i32
      %dma_start3A_18 = tpu.memref_slice %arg5[%dma_start3A_17] : memref<65536xf32, #tpu.memory_space<hbm>> -> memref<16384xf32, #tpu.memory_space<hbm>>
      tpu.enqueue_dma source(%dma_start3A_18 : memref<16384xf32, #tpu.memory_space<hbm>>) target(%arg12 : memref<16384xf32, #tpu.memory_space<vmem>>) target_semaphore(%run_scoped3A : memref<!tpu.dma_semaphore, #tpu.memory_space<semaphore_mem>>)
      %dma_wait3A = arith.constant 16384 : i32
      %dma_wait3A_19 = tpu.memref_slice %arg5[%dma_wait3A] : memref<65536xf32, #tpu.memory_space<hbm>> -> memref<16384xf32, #tpu.memory_space<hbm>>
      %dma_wait3A_20 = arith.constant 16384 : i32
      %dma_wait3A_21 = tpu.memref_slice %arg5[%dma_wait3A_20] : memref<65536xf32, #tpu.memory_space<hbm>> -> memref<16384xf32, #tpu.memory_space<hbm>>
      tpu.wait_dma2 semaphore(%run_scoped3A : memref<!tpu.dma_semaphore, #tpu.memory_space<semaphore_mem>>) src(%dma_wait3A_21 : memref<16384xf32, #tpu.memory_space<hbm>>) dst(%arg12 : memref<16384xf32, #tpu.memory_space<vmem>>)
      tpu.yield
    }) : () -> ()
    "tpu.region"() ({
      %run_scoped3A = tpu.sem_alloc : memref<!tpu.dma_semaphore, #tpu.memory_space<semaphore_mem>>
      %dma_start3A = arith.constant 32768 : i32
      %dma_start3A_16 = tpu.memref_slice %arg5[%dma_start3A] : memref<65536xf32, #tpu.memory_space<hbm>> -> memref<16384xf32, #tpu.memory_space<hbm>>
      %dma_start3A_17 = arith.constant 32768 : i32
      %dma_start3A_18 = tpu.memref_slice %arg5[%dma_start3A_17] : memref<65536xf32, #tpu.memory_space<hbm>> -> memref<16384xf32, #tpu.memory_space<hbm>>
      tpu.enqueue_dma source(%dma_start3A_18 : memref<16384xf32, #tpu.memory_space<hbm>>) target(%arg13 : memref<16384xf32, #tpu.memory_space<vmem>>) target_semaphore(%run_scoped3A : memref<!tpu.dma_semaphore, #tpu.memory_space<semaphore_mem>>)
      %dma_wait3A = arith.constant 32768 : i32
      %dma_wait3A_19 = tpu.memref_slice %arg5[%dma_wait3A] : memref<65536xf32, #tpu.memory_space<hbm>> -> memref<16384xf32, #tpu.memory_space<hbm>>
      %dma_wait3A_20 = arith.constant 32768 : i32
      %dma_wait3A_21 = tpu.memref_slice %arg5[%dma_wait3A_20] : memref<65536xf32, #tpu.memory_space<hbm>> -> memref<16384xf32, #tpu.memory_space<hbm>>
      tpu.wait_dma2 semaphore(%run_scoped3A : memref<!tpu.dma_semaphore, #tpu.memory_space<semaphore_mem>>) src(%dma_wait3A_21 : memref<16384xf32, #tpu.memory_space<hbm>>) dst(%arg13 : memref<16384xf32, #tpu.memory_space<vmem>>)
      tpu.yield
    }) : () -> ()
    "tpu.region"() ({
      %run_scoped3A = tpu.sem_alloc : memref<!tpu.dma_semaphore, #tpu.memory_space<semaphore_mem>>
      %dma_start3A = arith.constant 49152 : i32
      %dma_start3A_16 = tpu.memref_slice %arg5[%dma_start3A] : memref<65536xf32, #tpu.memory_space<hbm>> -> memref<16384xf32, #tpu.memory_space<hbm>>
      %dma_start3A_17 = arith.constant 49152 : i32
      %dma_start3A_18 = tpu.memref_slice %arg5[%dma_start3A_17] : memref<65536xf32, #tpu.memory_space<hbm>> -> memref<16384xf32, #tpu.memory_space<hbm>>
      tpu.enqueue_dma source(%dma_start3A_18 : memref<16384xf32, #tpu.memory_space<hbm>>) target(%arg14 : memref<16384xf32, #tpu.memory_space<vmem>>) target_semaphore(%run_scoped3A : memref<!tpu.dma_semaphore, #tpu.memory_space<semaphore_mem>>)
      %dma_wait3A = arith.constant 49152 : i32
      %dma_wait3A_19 = tpu.memref_slice %arg5[%dma_wait3A] : memref<65536xf32, #tpu.memory_space<hbm>> -> memref<16384xf32, #tpu.memory_space<hbm>>
      %dma_wait3A_20 = arith.constant 49152 : i32
      %dma_wait3A_21 = tpu.memref_slice %arg5[%dma_wait3A_20] : memref<65536xf32, #tpu.memory_space<hbm>> -> memref<16384xf32, #tpu.memory_space<hbm>>
      tpu.wait_dma2 semaphore(%run_scoped3A : memref<!tpu.dma_semaphore, #tpu.memory_space<semaphore_mem>>) src(%dma_wait3A_21 : memref<16384xf32, #tpu.memory_space<hbm>>) dst(%arg14 : memref<16384xf32, #tpu.memory_space<vmem>>)
      tpu.yield
    }) : () -> ()
    "tpu.region"() ({
      %run_scoped3A = tpu.sem_alloc : memref<!tpu.dma_semaphore, #tpu.memory_space<semaphore_mem>>
      %dma_start3A = tpu.memref_slice %arg6[%mul3A_2] : memref<4096xi32, #tpu.memory_space<hbm>> -> memref<128xi32, #tpu.memory_space<hbm>>
      %dma_start3A_16 = tpu.memref_slice %arg6[%mul3A_2] : memref<4096xi32, #tpu.memory_space<hbm>> -> memref<128xi32, #tpu.memory_space<hbm>>
      tpu.enqueue_dma source(%dma_start3A_16 : memref<128xi32, #tpu.memory_space<hbm>>) target(%arg15 : memref<128xi32, #tpu.memory_space<vmem>>) target_semaphore(%run_scoped3A : memref<!tpu.dma_semaphore, #tpu.memory_space<semaphore_mem>>)
      %dma_wait3A = tpu.memref_slice %arg6[%mul3A_2] : memref<4096xi32, #tpu.memory_space<hbm>> -> memref<128xi32, #tpu.memory_space<hbm>>
      %dma_wait3A_17 = tpu.memref_slice %arg6[%mul3A_2] : memref<4096xi32, #tpu.memory_space<hbm>> -> memref<128xi32, #tpu.memory_space<hbm>>
      tpu.wait_dma2 semaphore(%run_scoped3A : memref<!tpu.dma_semaphore, #tpu.memory_space<semaphore_mem>>) src(%dma_wait3A_17 : memref<128xi32, #tpu.memory_space<hbm>>) dst(%arg15 : memref<128xi32, #tpu.memory_space<vmem>>)
      tpu.yield
    }) : () -> ()
    "tpu.region"() ({
      %run_scoped3A = tpu.sem_alloc : memref<!tpu.dma_semaphore, #tpu.memory_space<semaphore_mem>>
      tpu.enqueue_dma source(%arg8 : memref<192xf32, #tpu.memory_space<hbm>>) target(%arg16 : memref<192xf32, #tpu.memory_space<vmem>>) target_semaphore(%run_scoped3A : memref<!tpu.dma_semaphore, #tpu.memory_space<semaphore_mem>>)
      tpu.wait_dma2 semaphore(%run_scoped3A : memref<!tpu.dma_semaphore, #tpu.memory_space<semaphore_mem>>) src(%arg8 : memref<192xf32, #tpu.memory_space<hbm>>) dst(%arg16 : memref<192xf32, #tpu.memory_space<vmem>>)
      tpu.yield
    }) : () -> ()
    %iota3A = tpu.iota {dimensions = array<i32: 0>} : vector<16xi32>
    %scan3A = arith.constant 0 : i32
    %scan3A_3 = arith.constant 0 : i32
    %scan3A_4 = arith.constant 8 : i32
    %scan3A_5 = arith.addi %scan3A_3, %scan3A_4 : i32
    %scan3A_6 = arith.constant 1 : i32
    scf.for %scan3A_16 = %scan3A_3 to %scan3A_5 step %scan3A_6  : i32 {
      %mul3A_17 = arith.constant 16 : i32
      %mul3A_18 = arith.muli %scan3A_16, %mul3A_17 : i32
      %get3A = arith.index_cast %mul3A_18 : i32 to index
      %get3A_19 = tpu.vector_load %arg15[%get3A] {strides = array<i32>} : memref<128xi32, #tpu.memory_space<vmem>>, vector<16xi32>,
      %dma_start3A = arith.constant 0 : i32
      %dma_start3A_20 = tpu.memref_slice %arg2[%dma_start3A] : memref<16384xf32, #tpu.memory_space<hbm>> -> memref<16384xf32, #tpu.memory_space<hbm>>
      tpu.enqueue_indirect_dma source(%dma_start3A_20 : memref<16384xf32, #tpu.memory_space<hbm>>) target(%arg22 : memref<16xf32, #tpu.memory_space<vmem>>) offsets(%get3A_19 : vector<16xi32>) semaphore(%arg26 : memref<!tpu.dma_semaphore, #tpu.memory_space<semaphore_mem>>)
      %dma_wait3A = arith.constant 0 : i32
      %dma_wait3A_21 = tpu.memref_slice %arg2[%dma_wait3A] : memref<16384xf32, #tpu.memory_space<hbm>> -> memref<16384xf32, #tpu.memory_space<hbm>>
      tpu.wait_indirect_dma semaphore(%arg26 : memref<!tpu.dma_semaphore, #tpu.memory_space<semaphore_mem>>) src(%dma_wait3A_21 : memref<16384xf32, #tpu.memory_space<hbm>>) dst(%arg22 : memref<16xf32, #tpu.memory_space<vmem>>)
      %get3A_22 = arith.constant 0 : index
      %get3A_23 = tpu.vector_load %arg22[%get3A_22] {strides = array<i32>} : memref<16xf32, #tpu.memory_space<vmem>>, vector<16xf32>,
      %dma_start3A_24 = arith.constant 0 : i32
      %dma_start3A_25 = tpu.memref_slice %arg3[%dma_start3A_24] : memref<16384xf32, #tpu.memory_space<hbm>> -> memref<16384xf32, #tpu.memory_space<hbm>>
      tpu.enqueue_indirect_dma source(%dma_start3A_25 : memref<16384xf32, #tpu.memory_space<hbm>>) target(%arg22 : memref<16xf32, #tpu.memory_space<vmem>>) offsets(%get3A_19 : vector<16xi32>) semaphore(%arg26 : memref<!tpu.dma_semaphore, #tpu.memory_space<semaphore_mem>>)
      %dma_wait3A_26 = arith.constant 0 : i32
      %dma_wait3A_27 = tpu.memref_slice %arg3[%dma_wait3A_26] : memref<16384xf32, #tpu.memory_space<hbm>> -> memref<16384xf32, #tpu.memory_space<hbm>>
      tpu.wait_indirect_dma semaphore(%arg26 : memref<!tpu.dma_semaphore, #tpu.memory_space<semaphore_mem>>) src(%dma_wait3A_27 : memref<16384xf32, #tpu.memory_space<hbm>>) dst(%arg22 : memref<16xf32, #tpu.memory_space<vmem>>)
      %get3A_28 = arith.constant 0 : index
      %get3A_29 = tpu.vector_load %arg22[%get3A_28] {strides = array<i32>} : memref<16xf32, #tpu.memory_space<vmem>>, vector<16xf32>,
      %dma_start3A_30 = arith.constant 0 : i32
      %dma_start3A_31 = tpu.memref_slice %arg4[%dma_start3A_30] : memref<16384xf32, #tpu.memory_space<hbm>> -> memref<16384xf32, #tpu.memory_space<hbm>>
      tpu.enqueue_indirect_dma source(%dma_start3A_31 : memref<16384xf32, #tpu.memory_space<hbm>>) target(%arg22 : memref<16xf32, #tpu.memory_space<vmem>>) offsets(%get3A_19 : vector<16xi32>) semaphore(%arg26 : memref<!tpu.dma_semaphore, #tpu.memory_space<semaphore_mem>>)
      %dma_wait3A_32 = arith.constant 0 : i32
      %dma_wait3A_33 = tpu.memref_slice %arg4[%dma_wait3A_32] : memref<16384xf32, #tpu.memory_space<hbm>> -> memref<16384xf32, #tpu.memory_space<hbm>>
      tpu.wait_indirect_dma semaphore(%arg26 : memref<!tpu.dma_semaphore, #tpu.memory_space<semaphore_mem>>) src(%dma_wait3A_33 : memref<16384xf32, #tpu.memory_space<hbm>>) dst(%arg22 : memref<16xf32, #tpu.memory_space<vmem>>)
      %get3A_34 = arith.constant 0 : index
      %get3A_35 = tpu.vector_load %arg22[%get3A_34] {strides = array<i32>} : memref<16xf32, #tpu.memory_space<vmem>>, vector<16xf32>,
      %swap3A = arith.index_cast %mul3A_18 : i32 to index
      %swap3A_36 = tpu.vector_load %arg19[%swap3A] {strides = array<i32>} : memref<128xf32, #tpu.memory_space<vmem>>, vector<16xf32>,
      tpu.vector_store %arg19[%swap3A], %get3A_23 {strides = array<i32>} : memref<128xf32, #tpu.memory_space<vmem>>, vector<16xf32>,
      %swap3A_37 = arith.index_cast %mul3A_18 : i32 to index
      %swap3A_38 = tpu.vector_load %arg20[%swap3A_37] {strides = array<i32>} : memref<128xf32, #tpu.memory_space<vmem>>, vector<16xf32>,
      tpu.vector_store %arg20[%swap3A_37], %get3A_29 {strides = array<i32>} : memref<128xf32, #tpu.memory_space<vmem>>, vector<16xf32>,
      %swap3A_39 = arith.index_cast %mul3A_18 : i32 to index
      %swap3A_40 = tpu.vector_load %arg21[%swap3A_39] {strides = array<i32>} : memref<128xf32, #tpu.memory_space<vmem>>, vector<16xf32>,
      tpu.vector_store %arg21[%swap3A_39], %get3A_35 {strides = array<i32>} : memref<128xf32, #tpu.memory_space<vmem>>, vector<16xf32>,
      %dma_start3A_41 = arith.constant 0 : i32
      %dma_start3A_42 = tpu.memref_slice %arg5[%dma_start3A_41] : memref<65536xf32, #tpu.memory_space<hbm>> -> memref<65536xf32, #tpu.memory_space<hbm>>
      tpu.enqueue_indirect_dma source(%dma_start3A_42 : memref<65536xf32, #tpu.memory_space<hbm>>) target(%arg22 : memref<16xf32, #tpu.memory_space<vmem>>) offsets(%get3A_19 : vector<16xi32>) semaphore(%arg26 : memref<!tpu.dma_semaphore, #tpu.memory_space<semaphore_mem>>)
      %dma_wait3A_43 = arith.constant 0 : i32
      %dma_wait3A_44 = tpu.memref_slice %arg5[%dma_wait3A_43] : memref<65536xf32, #tpu.memory_space<hbm>> -> memref<65536xf32, #tpu.memory_space<hbm>>
      tpu.wait_indirect_dma semaphore(%arg26 : memref<!tpu.dma_semaphore, #tpu.memory_space<semaphore_mem>>) src(%dma_wait3A_44 : memref<65536xf32, #tpu.memory_space<hbm>>) dst(%arg22 : memref<16xf32, #tpu.memory_space<vmem>>)
      %get3A_45 = arith.constant 0 : index
      %get3A_46 = tpu.vector_load %arg22[%get3A_45] {strides = array<i32>} : memref<16xf32, #tpu.memory_space<vmem>>, vector<16xf32>,
      %add3A_47 = arith.constant 16384 : i32
      %add3A_48 = vector.broadcast %add3A_47 : i32 to vector<16xi32>
      %add3A_49 = arith.addi %get3A_19, %add3A_48 : vector<16xi32>
      %dma_start3A_50 = arith.constant 0 : i32
      %dma_start3A_51 = tpu.memref_slice %arg5[%dma_start3A_50] : memref<65536xf32, #tpu.memory_space<hbm>> -> memref<65536xf32, #tpu.memory_space<hbm>>
      tpu.enqueue_indirect_dma source(%dma_start3A_51 : memref<65536xf32, #tpu.memory_space<hbm>>) target(%arg22 : memref<16xf32, #tpu.memory_space<vmem>>) offsets(%add3A_49 : vector<16xi32>) semaphore(%arg26 : memref<!tpu.dma_semaphore, #tpu.memory_space<semaphore_mem>>)
      %dma_wait3A_52 = arith.constant 0 : i32
      %dma_wait3A_53 = tpu.memref_slice %arg5[%dma_wait3A_52] : memref<65536xf32, #tpu.memory_space<hbm>> -> memref<65536xf32, #tpu.memory_space<hbm>>
      tpu.wait_indirect_dma semaphore(%arg26 : memref<!tpu.dma_semaphore, #tpu.memory_space<semaphore_mem>>) src(%dma_wait3A_53 : memref<65536xf32, #tpu.memory_space<hbm>>) dst(%arg22 : memref<16xf32, #tpu.memory_space<vmem>>)
      %get3A_54 = arith.constant 0 : index
      %get3A_55 = tpu.vector_load %arg22[%get3A_54] {strides = array<i32>} : memref<16xf32, #tpu.memory_space<vmem>>, vector<16xf32>,
      %add3A_56 = arith.constant 32768 : i32
      %add3A_57 = vector.broadcast %add3A_56 : i32 to vector<16xi32>
      %add3A_58 = arith.addi %get3A_19, %add3A_57 : vector<16xi32>
      %dma_start3A_59 = arith.constant 0 : i32
      %dma_start3A_60 = tpu.memref_slice %arg5[%dma_start3A_59] : memref<65536xf32, #tpu.memory_space<hbm>> -> memref<65536xf32, #tpu.memory_space<hbm>>
      tpu.enqueue_indirect_dma source(%dma_start3A_60 : memref<65536xf32, #tpu.memory_space<hbm>>) target(%arg22 : memref<16xf32, #tpu.memory_space<vmem>>) offsets(%add3A_58 : vector<16xi32>) semaphore(%arg26 : memref<!tpu.dma_semaphore, #tpu.memory_space<semaphore_mem>>)
      %dma_wait3A_61 = arith.constant 0 : i32
      %dma_wait3A_62 = tpu.memref_slice %arg5[%dma_wait3A_61] : memref<65536xf32, #tpu.memory_space<hbm>> -> memref<65536xf32, #tpu.memory_space<hbm>>
      tpu.wait_indirect_dma semaphore(%arg26 : memref<!tpu.dma_semaphore, #tpu.memory_space<semaphore_mem>>) src(%dma_wait3A_62 : memref<65536xf32, #tpu.memory_space<hbm>>) dst(%arg22 : memref<16xf32, #tpu.memory_space<vmem>>)
      %get3A_63 = arith.constant 0 : index
      %get3A_64 = tpu.vector_load %arg22[%get3A_63] {strides = array<i32>} : memref<16xf32, #tpu.memory_space<vmem>>, vector<16xf32>,
      %scan3A_65 = arith.constant 0 : i32
      %scan3A_66 = arith.constant 16 : i32
      %scan3A_67 = arith.addi %scan3A_65, %scan3A_66 : i32
      %scan3A_68 = arith.constant 1 : i32
      scf.for %scan3A_70 = %scan3A_65 to %scan3A_67 step %scan3A_68  : i32 {
        %eq3A = vector.broadcast %scan3A_70 : i32 to vector<16xi32>
        %eq3A_71 = arith.cmpi eq, %iota3A, %eq3A : vector<16xi32>
        %jit3A = arith.constant -3.000000e+38 : f32
        %broadcast_in_dim3A = vector.broadcast %jit3A : f32 to vector<16xf32>
        %select_n3A = arith.select %eq3A_71, %get3A_23, %broadcast_in_dim3A : vector<16xi1>, vector<16xf32>
        %reduce_max3A = arith.constant true
        %reduce_max3A_72 = vector.broadcast %reduce_max3A : i1 to vector<16xi1>
        %reduce_max3A_73 = tpu.scan <max>, %select_n3A masked %reduce_max3A_72 : vector<16xf32>, vector<16xi1> -> vector<16xf32>
        %reduce_max3A_74 = vector.extract %reduce_max3A_73[15] : f32 from vector<16xf32>
        %jit3A_75 = arith.constant -3.000000e+38 : f32
        %broadcast_in_dim3A_76 = vector.broadcast %jit3A_75 : f32 to vector<16xf32>
        %select_n3A_77 = arith.select %eq3A_71, %get3A_29, %broadcast_in_dim3A_76 : vector<16xi1>, vector<16xf32>
        %reduce_max3A_78 = arith.constant true
        %reduce_max3A_79 = vector.broadcast %reduce_max3A_78 : i1 to vector<16xi1>
        %reduce_max3A_80 = tpu.scan <max>, %select_n3A_77 masked %reduce_max3A_79 : vector<16xf32>, vector<16xi1> -> vector<16xf32>
        %reduce_max3A_81 = vector.extract %reduce_max3A_80[15] : f32 from vector<16xf32>
        %jit3A_82 = arith.constant -3.000000e+38 : f32
        %broadcast_in_dim3A_83 = vector.broadcast %jit3A_82 : f32 to vector<16xf32>
        %select_n3A_84 = arith.select %eq3A_71, %get3A_35, %broadcast_in_dim3A_83 : vector<16xi1>, vector<16xf32>
        %reduce_max3A_85 = arith.constant true
        %reduce_max3A_86 = vector.broadcast %reduce_max3A_85 : i1 to vector<16xi1>
        %reduce_max3A_87 = tpu.scan <max>, %select_n3A_84 masked %reduce_max3A_86 : vector<16xf32>, vector<16xi1> -> vector<16xf32>
        %reduce_max3A_88 = vector.extract %reduce_max3A_87[15] : f32 from vector<16xf32>
        %jit3A_89 = arith.constant -3.000000e+38 : f32
        %broadcast_in_dim3A_90 = vector.broadcast %jit3A_89 : f32 to vector<16xf32>
        %select_n3A_91 = arith.select %eq3A_71, %get3A_46, %broadcast_in_dim3A_90 : vector<16xi1>, vector<16xf32>
        %reduce_max3A_92 = arith.constant true
        %reduce_max3A_93 = vector.broadcast %reduce_max3A_92 : i1 to vector<16xi1>
        %reduce_max3A_94 = tpu.scan <max>, %select_n3A_91 masked %reduce_max3A_93 : vector<16xf32>, vector<16xi1> -> vector<16xf32>
        %reduce_max3A_95 = vector.extract %reduce_max3A_94[15] : f32 from vector<16xf32>
        %jit3A_96 = arith.constant -3.000000e+38 : f32
        %broadcast_in_dim3A_97 = vector.broadcast %jit3A_96 : f32 to vector<16xf32>
        %select_n3A_98 = arith.select %eq3A_71, %get3A_55, %broadcast_in_dim3A_97 : vector<16xi1>, vector<16xf32>
        %reduce_max3A_99 = arith.constant true
        %reduce_max3A_100 = vector.broadcast %reduce_max3A_99 : i1 to vector<16xi1>
        %reduce_max3A_101 = tpu.scan <max>, %select_n3A_98 masked %reduce_max3A_100 : vector<16xf32>, vector<16xi1> -> vector<16xf32>
        %reduce_max3A_102 = vector.extract %reduce_max3A_101[15] : f32 from vector<16xf32>
        %jit3A_103 = arith.constant -3.000000e+38 : f32
        %broadcast_in_dim3A_104 = vector.broadcast %jit3A_103 : f32 to vector<16xf32>
        %select_n3A_105 = arith.select %eq3A_71, %get3A_64, %broadcast_in_dim3A_104 : vector<16xi1>, vector<16xf32>
        %reduce_max3A_106 = arith.constant true
        %reduce_max3A_107 = vector.broadcast %reduce_max3A_106 : i1 to vector<16xi1>
        %reduce_max3A_108 = tpu.scan <max>, %select_n3A_105 masked %reduce_max3A_107 : vector<16xf32>, vector<16xi1> -> vector<16xf32>
        %reduce_max3A_109 = vector.extract %reduce_max3A_108[15] : f32 from vector<16xf32>
        %mul3A_110 = arith.mulf %reduce_max3A_74, %reduce_max3A_74 : f32
        %mul3A_111 = arith.mulf %reduce_max3A_81, %reduce_max3A_81 : f32
        %add3A_112 = arith.addf %mul3A_110, %mul3A_111 : f32
        %mul3A_113 = arith.mulf %reduce_max3A_88, %reduce_max3A_88 : f32
        %add3A_114 = arith.addf %add3A_112, %mul3A_113 : f32
        %mul3A_115 = arith.constant -2.000000e+00 : f32
        %mul3A_116 = arith.mulf %mul3A_115, %reduce_max3A_95 : f32
        %mul3A_117 = arith.constant -2.000000e+00 : f32
        %mul3A_118 = arith.mulf %mul3A_117, %reduce_max3A_102 : f32
        %mul3A_119 = arith.constant -2.000000e+00 : f32
        %mul3A_120 = arith.mulf %mul3A_119, %reduce_max3A_109 : f32
        %broadcast_in_dim3A_121 = arith.constant 3.000000e+38 : f32
        %broadcast_in_dim3A_122 = vector.broadcast %broadcast_in_dim3A_121 : f32 to vector<16xf32>
        %swap3A_123 = arith.constant 0 : index
        %swap3A_124 = tpu.vector_load %arg23[%swap3A_123] {strides = array<i32>} : memref<16xf32, #tpu.memory_space<vmem>>, vector<16xf32>,
        tpu.vector_store %arg23[%swap3A_123], %broadcast_in_dim3A_122 {strides = array<i32>} : memref<16xf32, #tpu.memory_space<vmem>>, vector<16xf32>,
        %broadcast_in_dim3A_125 = arith.constant 0 : i32
        %broadcast_in_dim3A_126 = vector.broadcast %broadcast_in_dim3A_125 : i32 to vector<16xi32>
        %swap3A_127 = arith.constant 0 : index
        %swap3A_128 = tpu.vector_load %arg24[%swap3A_127] {strides = array<i32>} : memref<16xi32, #tpu.memory_space<vmem>>, vector<16xi32>,
        tpu.vector_store %arg24[%swap3A_127], %broadcast_in_dim3A_126 {strides = array<i32>} : memref<16xi32, #tpu.memory_space<vmem>>, vector<16xi32>,
        %swap3A_129 = arith.constant 3.000000e+38 : f32
        %swap3A_130 = arith.constant 0 : i32
        %swap3A_131 = arith.index_cast %swap3A_130 : i32 to index
        %swap3A_132 = memref.load %arg25[%swap3A_131] : memref<1xf32, #tpu.memory_space<smem>>
        memref.store %swap3A_129, %arg25[%swap3A_131] : memref<1xf32, #tpu.memory_space<smem>>
        %scan3A_133 = arith.constant 0 : i32
        %scan3A_134 = arith.constant 0 : i32
        %scan3A_135 = arith.constant 64 : i32
        %scan3A_136 = arith.addi %scan3A_134, %scan3A_135 : i32
        %scan3A_137 = arith.constant 1 : i32
        scf.for %scan3A_554 = %scan3A_134 to %scan3A_136 step %scan3A_137  : i32 {
          %mul3A_555 = arith.constant 256 : i32
          %mul3A_556 = arith.muli %scan3A_554, %mul3A_555 : i32
          %add3A_557 = arith.constant 0 : i32
          %add3A_558 = arith.addi %mul3A_556, %add3A_557 : i32
          %get3A_559 = arith.index_cast %add3A_558 : i32 to index
          %get3A_560 = tpu.vector_load %arg11[%get3A_559] {strides = array<i32>} : memref<16384xf32, #tpu.memory_space<vmem>>, vector<16xf32>,
          %get3A_561 = arith.index_cast %add3A_558 : i32 to index
          %get3A_562 = tpu.vector_load %arg12[%get3A_561] {strides = array<i32>} : memref<16384xf32, #tpu.memory_space<vmem>>, vector<16xf32>,
          %get3A_563 = arith.index_cast %add3A_558 : i32 to index
          %get3A_564 = tpu.vector_load %arg13[%get3A_563] {strides = array<i32>} : memref<16384xf32, #tpu.memory_space<vmem>>, vector<16xf32>,
          %get3A_565 = arith.index_cast %add3A_558 : i32 to index
          %get3A_566 = tpu.vector_load %arg14[%get3A_565] {strides = array<i32>} : memref<16384xf32, #tpu.memory_space<vmem>>, vector<16xf32>,
          %mul3A_567 = vector.broadcast %mul3A_116 : f32 to vector<16xf32>
          %mul3A_568 = arith.mulf %mul3A_567, %get3A_560 : vector<16xf32>
          %mul3A_569 = vector.broadcast %mul3A_118 : f32 to vector<16xf32>
          %mul3A_570 = arith.mulf %mul3A_569, %get3A_562 : vector<16xf32>
          %add3A_571 = arith.addf %mul3A_568, %mul3A_570 : vector<16xf32>
          %mul3A_572 = vector.broadcast %mul3A_120 : f32 to vector<16xf32>
          %mul3A_573 = arith.mulf %mul3A_572, %get3A_564 : vector<16xf32>
          %add3A_574 = arith.addf %add3A_571, %mul3A_573 : vector<16xf32>
          %add3A_575 = vector.broadcast %add3A_114 : f32 to vector<16xf32>
          %add3A_576 = arith.addf %add3A_575, %add3A_574 : vector<16xf32>
          %add3A_577 = arith.addf %add3A_576, %get3A_566 : vector<16xf32>
          %add3A_578 = arith.constant 16 : i32
          %add3A_579 = arith.addi %mul3A_556, %add3A_578 : i32
          %get3A_580 = arith.index_cast %add3A_579 : i32 to index
          %get3A_581 = tpu.vector_load %arg11[%get3A_580] {strides = array<i32>} : memref<16384xf32, #tpu.memory_space<vmem>>, vector<16xf32>,
          %get3A_582 = arith.index_cast %add3A_579 : i32 to index
          %get3A_583 = tpu.vector_load %arg12[%get3A_582] {strides = array<i32>} : memref<16384xf32, #tpu.memory_space<vmem>>, vector<16xf32>,
          %get3A_584 = arith.index_cast %add3A_579 : i32 to index
          %get3A_585 = tpu.vector_load %arg13[%get3A_584] {strides = array<i32>} : memref<16384xf32, #tpu.memory_space<vmem>>, vector<16xf32>,
          %get3A_586 = arith.index_cast %add3A_579 : i32 to index
          %get3A_587 = tpu.vector_load %arg14[%get3A_586] {strides = array<i32>} : memref<16384xf32, #tpu.memory_space<vmem>>, vector<16xf32>,
          %mul3A_588 = vector.broadcast %mul3A_116 : f32 to vector<16xf32>
          %mul3A_589 = arith.mulf %mul3A_588, %get3A_581 : vector<16xf32>
          %mul3A_590 = vector.broadcast %mul3A_118 : f32 to vector<16xf32>
          %mul3A_591 = arith.mulf %mul3A_590, %get3A_583 : vector<16xf32>
          %add3A_592 = arith.addf %mul3A_589, %mul3A_591 : vector<16xf32>
          %mul3A_593 = vector.broadcast %mul3A_120 : f32 to vector<16xf32>
          %mul3A_594 = arith.mulf %mul3A_593, %get3A_585 : vector<16xf32>
          %add3A_595 = arith.addf %add3A_592, %mul3A_594 : vector<16xf32>
          %add3A_596 = vector.broadcast %add3A_114 : f32 to vector<16xf32>
          %add3A_597 = arith.addf %add3A_596, %add3A_595 : vector<16xf32>
          %add3A_598 = arith.addf %add3A_597, %get3A_587 : vector<16xf32>
          %add3A_599 = arith.constant 32 : i32
          %add3A_600 = arith.addi %mul3A_556, %add3A_599 : i32
          %get3A_601 = arith.index_cast %add3A_600 : i32 to index
          %get3A_602 = tpu.vector_load %arg11[%get3A_601] {strides = array<i32>} : memref<16384xf32, #tpu.memory_space<vmem>>, vector<16xf32>,
          %get3A_603 = arith.index_cast %add3A_600 : i32 to index
          %get3A_604 = tpu.vector_load %arg12[%get3A_603] {strides = array<i32>} : memref<16384xf32, #tpu.memory_space<vmem>>, vector<16xf32>,
          %get3A_605 = arith.index_cast %add3A_600 : i32 to index
          %get3A_606 = tpu.vector_load %arg13[%get3A_605] {strides = array<i32>} : memref<16384xf32, #tpu.memory_space<vmem>>, vector<16xf32>,
          %get3A_607 = arith.index_cast %add3A_600 : i32 to index
          %get3A_608 = tpu.vector_load %arg14[%get3A_607] {strides = array<i32>} : memref<16384xf32, #tpu.memory_space<vmem>>, vector<16xf32>,
          %mul3A_609 = vector.broadcast %mul3A_116 : f32 to vector<16xf32>
          %mul3A_610 = arith.mulf %mul3A_609, %get3A_602 : vector<16xf32>
          %mul3A_611 = vector.broadcast %mul3A_118 : f32 to vector<16xf32>
          %mul3A_612 = arith.mulf %mul3A_611, %get3A_604 : vector<16xf32>
          %add3A_613 = arith.addf %mul3A_610, %mul3A_612 : vector<16xf32>
          %mul3A_614 = vector.broadcast %mul3A_120 : f32 to vector<16xf32>
          %mul3A_615 = arith.mulf %mul3A_614, %get3A_606 : vector<16xf32>
          %add3A_616 = arith.addf %add3A_613, %mul3A_615 : vector<16xf32>
          %add3A_617 = vector.broadcast %add3A_114 : f32 to vector<16xf32>
          %add3A_618 = arith.addf %add3A_617, %add3A_616 : vector<16xf32>
          %add3A_619 = arith.addf %add3A_618, %get3A_608 : vector<16xf32>
          %add3A_620 = arith.constant 48 : i32
          %add3A_621 = arith.addi %mul3A_556, %add3A_620 : i32
          %get3A_622 = arith.index_cast %add3A_621 : i32 to index
          %get3A_623 = tpu.vector_load %arg11[%get3A_622] {strides = array<i32>} : memref<16384xf32, #tpu.memory_space<vmem>>, vector<16xf32>,
          %get3A_624 = arith.index_cast %add3A_621 : i32 to index
          %get3A_625 = tpu.vector_load %arg12[%get3A_624] {strides = array<i32>} : memref<16384xf32, #tpu.memory_space<vmem>>, vector<16xf32>,
          %get3A_626 = arith.index_cast %add3A_621 : i32 to index
          %get3A_627 = tpu.vector_load %arg13[%get3A_626] {strides = array<i32>} : memref<16384xf32, #tpu.memory_space<vmem>>, vector<16xf32>,
          %get3A_628 = arith.index_cast %add3A_621 : i32 to index
          %get3A_629 = tpu.vector_load %arg14[%get3A_628] {strides = array<i32>} : memref<16384xf32, #tpu.memory_space<vmem>>, vector<16xf32>,
          %mul3A_630 = vector.broadcast %mul3A_116 : f32 to vector<16xf32>
          %mul3A_631 = arith.mulf %mul3A_630, %get3A_623 : vector<16xf32>
          %mul3A_632 = vector.broadcast %mul3A_118 : f32 to vector<16xf32>
          %mul3A_633 = arith.mulf %mul3A_632, %get3A_625 : vector<16xf32>
          %add3A_634 = arith.addf %mul3A_631, %mul3A_633 : vector<16xf32>
          %mul3A_635 = vector.broadcast %mul3A_120 : f32 to vector<16xf32>
          %mul3A_636 = arith.mulf %mul3A_635, %get3A_627 : vector<16xf32>
          %add3A_637 = arith.addf %add3A_634, %mul3A_636 : vector<16xf32>
          %add3A_638 = vector.broadcast %add3A_114 : f32 to vector<16xf32>
          %add3A_639 = arith.addf %add3A_638, %add3A_637 : vector<16xf32>
          %add3A_640 = arith.addf %add3A_639, %get3A_629 : vector<16xf32>
          %add3A_641 = arith.constant 64 : i32
          %add3A_642 = arith.addi %mul3A_556, %add3A_641 : i32
          %get3A_643 = arith.index_cast %add3A_642 : i32 to index
          %get3A_644 = tpu.vector_load %arg11[%get3A_643] {strides = array<i32>} : memref<16384xf32, #tpu.memory_space<vmem>>, vector<16xf32>,
          %get3A_645 = arith.index_cast %add3A_642 : i32 to index
          %get3A_646 = tpu.vector_load %arg12[%get3A_645] {strides = array<i32>} : memref<16384xf32, #tpu.memory_space<vmem>>, vector<16xf32>,
          %get3A_647 = arith.index_cast %add3A_642 : i32 to index
          %get3A_648 = tpu.vector_load %arg13[%get3A_647] {strides = array<i32>} : memref<16384xf32, #tpu.memory_space<vmem>>, vector<16xf32>,
          %get3A_649 = arith.index_cast %add3A_642 : i32 to index
          %get3A_650 = tpu.vector_load %arg14[%get3A_649] {strides = array<i32>} : memref<16384xf32, #tpu.memory_space<vmem>>, vector<16xf32>,
          %mul3A_651 = vector.broadcast %mul3A_116 : f32 to vector<16xf32>
          %mul3A_652 = arith.mulf %mul3A_651, %get3A_644 : vector<16xf32>
          %mul3A_653 = vector.broadcast %mul3A_118 : f32 to vector<16xf32>
          %mul3A_654 = arith.mulf %mul3A_653, %get3A_646 : vector<16xf32>
          %add3A_655 = arith.addf %mul3A_652, %mul3A_654 : vector<16xf32>
          %mul3A_656 = vector.broadcast %mul3A_120 : f32 to vector<16xf32>
          %mul3A_657 = arith.mulf %mul3A_656, %get3A_648 : vector<16xf32>
          %add3A_658 = arith.addf %add3A_655, %mul3A_657 : vector<16xf32>
          %add3A_659 = vector.broadcast %add3A_114 : f32 to vector<16xf32>
          %add3A_660 = arith.addf %add3A_659, %add3A_658 : vector<16xf32>
          %add3A_661 = arith.addf %add3A_660, %get3A_650 : vector<16xf32>
          %add3A_662 = arith.constant 80 : i32
          %add3A_663 = arith.addi %mul3A_556, %add3A_662 : i32
          %get3A_664 = arith.index_cast %add3A_663 : i32 to index
          %get3A_665 = tpu.vector_load %arg11[%get3A_664] {strides = array<i32>} : memref<16384xf32, #tpu.memory_space<vmem>>, vector<16xf32>,
          %get3A_666 = arith.index_cast %add3A_663 : i32 to index
          %get3A_667 = tpu.vector_load %arg12[%get3A_666] {strides = array<i32>} : memref<16384xf32, #tpu.memory_space<vmem>>, vector<16xf32>,
          %get3A_668 = arith.index_cast %add3A_663 : i32 to index
          %get3A_669 = tpu.vector_load %arg13[%get3A_668] {strides = array<i32>} : memref<16384xf32, #tpu.memory_space<vmem>>, vector<16xf32>,
          %get3A_670 = arith.index_cast %add3A_663 : i32 to index
          %get3A_671 = tpu.vector_load %arg14[%get3A_670] {strides = array<i32>} : memref<16384xf32, #tpu.memory_space<vmem>>, vector<16xf32>,
          %mul3A_672 = vector.broadcast %mul3A_116 : f32 to vector<16xf32>
          %mul3A_673 = arith.mulf %mul3A_672, %get3A_665 : vector<16xf32>
          %mul3A_674 = vector.broadcast %mul3A_118 : f32 to vector<16xf32>
          %mul3A_675 = arith.mulf %mul3A_674, %get3A_667 : vector<16xf32>
          %add3A_676 = arith.addf %mul3A_673, %mul3A_675 : vector<16xf32>
          %mul3A_677 = vector.broadcast %mul3A_120 : f32 to vector<16xf32>
          %mul3A_678 = arith.mulf %mul3A_677, %get3A_669 : vector<16xf32>
          %add3A_679 = arith.addf %add3A_676, %mul3A_678 : vector<16xf32>
          %add3A_680 = vector.broadcast %add3A_114 : f32 to vector<16xf32>
          %add3A_681 = arith.addf %add3A_680, %add3A_679 : vector<16xf32>
          %add3A_682 = arith.addf %add3A_681, %get3A_671 : vector<16xf32>
          %add3A_683 = arith.constant 96 : i32
          %add3A_684 = arith.addi %mul3A_556, %add3A_683 : i32
          %get3A_685 = arith.index_cast %add3A_684 : i32 to index
          %get3A_686 = tpu.vector_load %arg11[%get3A_685] {strides = array<i32>} : memref<16384xf32, #tpu.memory_space<vmem>>, vector<16xf32>,
          %get3A_687 = arith.index_cast %add3A_684 : i32 to index
          %get3A_688 = tpu.vector_load %arg12[%get3A_687] {strides = array<i32>} : memref<16384xf32, #tpu.memory_space<vmem>>, vector<16xf32>,
          %get3A_689 = arith.index_cast %add3A_684 : i32 to index
          %get3A_690 = tpu.vector_load %arg13[%get3A_689] {strides = array<i32>} : memref<16384xf32, #tpu.memory_space<vmem>>, vector<16xf32>,
          %get3A_691 = arith.index_cast %add3A_684 : i32 to index
          %get3A_692 = tpu.vector_load %arg14[%get3A_691] {strides = array<i32>} : memref<16384xf32, #tpu.memory_space<vmem>>, vector<16xf32>,
          %mul3A_693 = vector.broadcast %mul3A_116 : f32 to vector<16xf32>
          %mul3A_694 = arith.mulf %mul3A_693, %get3A_686 : vector<16xf32>
          %mul3A_695 = vector.broadcast %mul3A_118 : f32 to vector<16xf32>
          %mul3A_696 = arith.mulf %mul3A_695, %get3A_688 : vector<16xf32>
          %add3A_697 = arith.addf %mul3A_694, %mul3A_696 : vector<16xf32>
          %mul3A_698 = vector.broadcast %mul3A_120 : f32 to vector<16xf32>
          %mul3A_699 = arith.mulf %mul3A_698, %get3A_690 : vector<16xf32>
          %add3A_700 = arith.addf %add3A_697, %mul3A_699 : vector<16xf32>
          %add3A_701 = vector.broadcast %add3A_114 : f32 to vector<16xf32>
          %add3A_702 = arith.addf %add3A_701, %add3A_700 : vector<16xf32>
          %add3A_703 = arith.addf %add3A_702, %get3A_692 : vector<16xf32>
          %add3A_704 = arith.constant 112 : i32
          %add3A_705 = arith.addi %mul3A_556, %add3A_704 : i32
          %get3A_706 = arith.index_cast %add3A_705 : i32 to index
          %get3A_707 = tpu.vector_load %arg11[%get3A_706] {strides = array<i32>} : memref<16384xf32, #tpu.memory_space<vmem>>, vector<16xf32>,
          %get3A_708 = arith.index_cast %add3A_705 : i32 to index
          %get3A_709 = tpu.vector_load %arg12[%get3A_708] {strides = array<i32>} : memref<16384xf32, #tpu.memory_space<vmem>>, vector<16xf32>,
          %get3A_710 = arith.index_cast %add3A_705 : i32 to index
          %get3A_711 = tpu.vector_load %arg13[%get3A_710] {strides = array<i32>} : memref<16384xf32, #tpu.memory_space<vmem>>, vector<16xf32>,
          %get3A_712 = arith.index_cast %add3A_705 : i32 to index
          %get3A_713 = tpu.vector_load %arg14[%get3A_712] {strides = array<i32>} : memref<16384xf32, #tpu.memory_space<vmem>>, vector<16xf32>,
          %mul3A_714 = vector.broadcast %mul3A_116 : f32 to vector<16xf32>
          %mul3A_715 = arith.mulf %mul3A_714, %get3A_707 : vector<16xf32>
          %mul3A_716 = vector.broadcast %mul3A_118 : f32 to vector<16xf32>
          %mul3A_717 = arith.mulf %mul3A_716, %get3A_709 : vector<16xf32>
          %add3A_718 = arith.addf %mul3A_715, %mul3A_717 : vector<16xf32>
          %mul3A_719 = vector.broadcast %mul3A_120 : f32 to vector<16xf32>
          %mul3A_720 = arith.mulf %mul3A_719, %get3A_711 : vector<16xf32>
          %add3A_721 = arith.addf %add3A_718, %mul3A_720 : vector<16xf32>
          %add3A_722 = vector.broadcast %add3A_114 : f32 to vector<16xf32>
          %add3A_723 = arith.addf %add3A_722, %add3A_721 : vector<16xf32>
          %add3A_724 = arith.addf %add3A_723, %get3A_713 : vector<16xf32>
          %add3A_725 = arith.constant 128 : i32
          %add3A_726 = arith.addi %mul3A_556, %add3A_725 : i32
          %get3A_727 = arith.index_cast %add3A_726 : i32 to index
          %get3A_728 = tpu.vector_load %arg11[%get3A_727] {strides = array<i32>} : memref<16384xf32, #tpu.memory_space<vmem>>, vector<16xf32>,
          %get3A_729 = arith.index_cast %add3A_726 : i32 to index
          %get3A_730 = tpu.vector_load %arg12[%get3A_729] {strides = array<i32>} : memref<16384xf32, #tpu.memory_space<vmem>>, vector<16xf32>,
          %get3A_731 = arith.index_cast %add3A_726 : i32 to index
          %get3A_732 = tpu.vector_load %arg13[%get3A_731] {strides = array<i32>} : memref<16384xf32, #tpu.memory_space<vmem>>, vector<16xf32>,
          %get3A_733 = arith.index_cast %add3A_726 : i32 to index
          %get3A_734 = tpu.vector_load %arg14[%get3A_733] {strides = array<i32>} : memref<16384xf32, #tpu.memory_space<vmem>>, vector<16xf32>,
          %mul3A_735 = vector.broadcast %mul3A_116 : f32 to vector<16xf32>
          %mul3A_736 = arith.mulf %mul3A_735, %get3A_728 : vector<16xf32>
          %mul3A_737 = vector.broadcast %mul3A_118 : f32 to vector<16xf32>
          %mul3A_738 = arith.mulf %mul3A_737, %get3A_730 : vector<16xf32>
          %add3A_739 = arith.addf %mul3A_736, %mul3A_738 : vector<16xf32>
          %mul3A_740 = vector.broadcast %mul3A_120 : f32 to vector<16xf32>
          %mul3A_741 = arith.mulf %mul3A_740, %get3A_732 : vector<16xf32>
          %add3A_742 = arith.addf %add3A_739, %mul3A_741 : vector<16xf32>
          %add3A_743 = vector.broadcast %add3A_114 : f32 to vector<16xf32>
          %add3A_744 = arith.addf %add3A_743, %add3A_742 : vector<16xf32>
          %add3A_745 = arith.addf %add3A_744, %get3A_734 : vector<16xf32>
          %add3A_746 = arith.constant 144 : i32
          %add3A_747 = arith.addi %mul3A_556, %add3A_746 : i32
          %get3A_748 = arith.index_cast %add3A_747 : i32 to index
          %get3A_749 = tpu.vector_load %arg11[%get3A_748] {strides = array<i32>} : memref<16384xf32, #tpu.memory_space<vmem>>, vector<16xf32>,
          %get3A_750 = arith.index_cast %add3A_747 : i32 to index
          %get3A_751 = tpu.vector_load %arg12[%get3A_750] {strides = array<i32>} : memref<16384xf32, #tpu.memory_space<vmem>>, vector<16xf32>,
          %get3A_752 = arith.index_cast %add3A_747 : i32 to index
          %get3A_753 = tpu.vector_load %arg13[%get3A_752] {strides = array<i32>} : memref<16384xf32, #tpu.memory_space<vmem>>, vector<16xf32>,
          %get3A_754 = arith.index_cast %add3A_747 : i32 to index
          %get3A_755 = tpu.vector_load %arg14[%get3A_754] {strides = array<i32>} : memref<16384xf32, #tpu.memory_space<vmem>>, vector<16xf32>,
          %mul3A_756 = vector.broadcast %mul3A_116 : f32 to vector<16xf32>
          %mul3A_757 = arith.mulf %mul3A_756, %get3A_749 : vector<16xf32>
          %mul3A_758 = vector.broadcast %mul3A_118 : f32 to vector<16xf32>
          %mul3A_759 = arith.mulf %mul3A_758, %get3A_751 : vector<16xf32>
          %add3A_760 = arith.addf %mul3A_757, %mul3A_759 : vector<16xf32>
          %mul3A_761 = vector.broadcast %mul3A_120 : f32 to vector<16xf32>
          %mul3A_762 = arith.mulf %mul3A_761, %get3A_753 : vector<16xf32>
          %add3A_763 = arith.addf %add3A_760, %mul3A_762 : vector<16xf32>
          %add3A_764 = vector.broadcast %add3A_114 : f32 to vector<16xf32>
          %add3A_765 = arith.addf %add3A_764, %add3A_763 : vector<16xf32>
          %add3A_766 = arith.addf %add3A_765, %get3A_755 : vector<16xf32>
          %add3A_767 = arith.constant 160 : i32
          %add3A_768 = arith.addi %mul3A_556, %add3A_767 : i32
          %get3A_769 = arith.index_cast %add3A_768 : i32 to index
          %get3A_770 = tpu.vector_load %arg11[%get3A_769] {strides = array<i32>} : memref<16384xf32, #tpu.memory_space<vmem>>, vector<16xf32>,
          %get3A_771 = arith.index_cast %add3A_768 : i32 to index
          %get3A_772 = tpu.vector_load %arg12[%get3A_771] {strides = array<i32>} : memref<16384xf32, #tpu.memory_space<vmem>>, vector<16xf32>,
          %get3A_773 = arith.index_cast %add3A_768 : i32 to index
          %get3A_774 = tpu.vector_load %arg13[%get3A_773] {strides = array<i32>} : memref<16384xf32, #tpu.memory_space<vmem>>, vector<16xf32>,
          %get3A_775 = arith.index_cast %add3A_768 : i32 to index
          %get3A_776 = tpu.vector_load %arg14[%get3A_775] {strides = array<i32>} : memref<16384xf32, #tpu.memory_space<vmem>>, vector<16xf32>,
          %mul3A_777 = vector.broadcast %mul3A_116 : f32 to vector<16xf32>
          %mul3A_778 = arith.mulf %mul3A_777, %get3A_770 : vector<16xf32>
          %mul3A_779 = vector.broadcast %mul3A_118 : f32 to vector<16xf32>
          %mul3A_780 = arith.mulf %mul3A_779, %get3A_772 : vector<16xf32>
          %add3A_781 = arith.addf %mul3A_778, %mul3A_780 : vector<16xf32>
          %mul3A_782 = vector.broadcast %mul3A_120 : f32 to vector<16xf32>
          %mul3A_783 = arith.mulf %mul3A_782, %get3A_774 : vector<16xf32>
          %add3A_784 = arith.addf %add3A_781, %mul3A_783 : vector<16xf32>
          %add3A_785 = vector.broadcast %add3A_114 : f32 to vector<16xf32>
          %add3A_786 = arith.addf %add3A_785, %add3A_784 : vector<16xf32>
          %add3A_787 = arith.addf %add3A_786, %get3A_776 : vector<16xf32>
          %add3A_788 = arith.constant 176 : i32
          %add3A_789 = arith.addi %mul3A_556, %add3A_788 : i32
          %get3A_790 = arith.index_cast %add3A_789 : i32 to index
          %get3A_791 = tpu.vector_load %arg11[%get3A_790] {strides = array<i32>} : memref<16384xf32, #tpu.memory_space<vmem>>, vector<16xf32>,
          %get3A_792 = arith.index_cast %add3A_789 : i32 to index
          %get3A_793 = tpu.vector_load %arg12[%get3A_792] {strides = array<i32>} : memref<16384xf32, #tpu.memory_space<vmem>>, vector<16xf32>,
          %get3A_794 = arith.index_cast %add3A_789 : i32 to index
          %get3A_795 = tpu.vector_load %arg13[%get3A_794] {strides = array<i32>} : memref<16384xf32, #tpu.memory_space<vmem>>, vector<16xf32>,
          %get3A_796 = arith.index_cast %add3A_789 : i32 to index
          %get3A_797 = tpu.vector_load %arg14[%get3A_796] {strides = array<i32>} : memref<16384xf32, #tpu.memory_space<vmem>>, vector<16xf32>,
          %mul3A_798 = vector.broadcast %mul3A_116 : f32 to vector<16xf32>
          %mul3A_799 = arith.mulf %mul3A_798, %get3A_791 : vector<16xf32>
          %mul3A_800 = vector.broadcast %mul3A_118 : f32 to vector<16xf32>
          %mul3A_801 = arith.mulf %mul3A_800, %get3A_793 : vector<16xf32>
          %add3A_802 = arith.addf %mul3A_799, %mul3A_801 : vector<16xf32>
          %mul3A_803 = vector.broadcast %mul3A_120 : f32 to vector<16xf32>
          %mul3A_804 = arith.mulf %mul3A_803, %get3A_795 : vector<16xf32>
          %add3A_805 = arith.addf %add3A_802, %mul3A_804 : vector<16xf32>
          %add3A_806 = vector.broadcast %add3A_114 : f32 to vector<16xf32>
          %add3A_807 = arith.addf %add3A_806, %add3A_805 : vector<16xf32>
          %add3A_808 = arith.addf %add3A_807, %get3A_797 : vector<16xf32>
          %add3A_809 = arith.constant 192 : i32
          %add3A_810 = arith.addi %mul3A_556, %add3A_809 : i32
          %get3A_811 = arith.index_cast %add3A_810 : i32 to index
          %get3A_812 = tpu.vector_load %arg11[%get3A_811] {strides = array<i32>} : memref<16384xf32, #tpu.memory_space<vmem>>, vector<16xf32>,
          %get3A_813 = arith.index_cast %add3A_810 : i32 to index
          %get3A_814 = tpu.vector_load %arg12[%get3A_813] {strides = array<i32>} : memref<16384xf32, #tpu.memory_space<vmem>>, vector<16xf32>,
          %get3A_815 = arith.index_cast %add3A_810 : i32 to index
          %get3A_816 = tpu.vector_load %arg13[%get3A_815] {strides = array<i32>} : memref<16384xf32, #tpu.memory_space<vmem>>, vector<16xf32>,
          %get3A_817 = arith.index_cast %add3A_810 : i32 to index
          %get3A_818 = tpu.vector_load %arg14[%get3A_817] {strides = array<i32>} : memref<16384xf32, #tpu.memory_space<vmem>>, vector<16xf32>,
          %mul3A_819 = vector.broadcast %mul3A_116 : f32 to vector<16xf32>
          %mul3A_820 = arith.mulf %mul3A_819, %get3A_812 : vector<16xf32>
          %mul3A_821 = vector.broadcast %mul3A_118 : f32 to vector<16xf32>
          %mul3A_822 = arith.mulf %mul3A_821, %get3A_814 : vector<16xf32>
          %add3A_823 = arith.addf %mul3A_820, %mul3A_822 : vector<16xf32>
          %mul3A_824 = vector.broadcast %mul3A_120 : f32 to vector<16xf32>
          %mul3A_825 = arith.mulf %mul3A_824, %get3A_816 : vector<16xf32>
          %add3A_826 = arith.addf %add3A_823, %mul3A_825 : vector<16xf32>
          %add3A_827 = vector.broadcast %add3A_114 : f32 to vector<16xf32>
          %add3A_828 = arith.addf %add3A_827, %add3A_826 : vector<16xf32>
          %add3A_829 = arith.addf %add3A_828, %get3A_818 : vector<16xf32>
          %add3A_830 = arith.constant 208 : i32
          %add3A_831 = arith.addi %mul3A_556, %add3A_830 : i32
          %get3A_832 = arith.index_cast %add3A_831 : i32 to index
          %get3A_833 = tpu.vector_load %arg11[%get3A_832] {strides = array<i32>} : memref<16384xf32, #tpu.memory_space<vmem>>, vector<16xf32>,
          %get3A_834 = arith.index_cast %add3A_831 : i32 to index
          %get3A_835 = tpu.vector_load %arg12[%get3A_834] {strides = array<i32>} : memref<16384xf32, #tpu.memory_space<vmem>>, vector<16xf32>,
          %get3A_836 = arith.index_cast %add3A_831 : i32 to index
          %get3A_837 = tpu.vector_load %arg13[%get3A_836] {strides = array<i32>} : memref<16384xf32, #tpu.memory_space<vmem>>, vector<16xf32>,
          %get3A_838 = arith.index_cast %add3A_831 : i32 to index
          %get3A_839 = tpu.vector_load %arg14[%get3A_838] {strides = array<i32>} : memref<16384xf32, #tpu.memory_space<vmem>>, vector<16xf32>,
          %mul3A_840 = vector.broadcast %mul3A_116 : f32 to vector<16xf32>
          %mul3A_841 = arith.mulf %mul3A_840, %get3A_833 : vector<16xf32>
          %mul3A_842 = vector.broadcast %mul3A_118 : f32 to vector<16xf32>
          %mul3A_843 = arith.mulf %mul3A_842, %get3A_835 : vector<16xf32>
          %add3A_844 = arith.addf %mul3A_841, %mul3A_843 : vector<16xf32>
          %mul3A_845 = vector.broadcast %mul3A_120 : f32 to vector<16xf32>
          %mul3A_846 = arith.mulf %mul3A_845, %get3A_837 : vector<16xf32>
          %add3A_847 = arith.addf %add3A_844, %mul3A_846 : vector<16xf32>
          %add3A_848 = vector.broadcast %add3A_114 : f32 to vector<16xf32>
          %add3A_849 = arith.addf %add3A_848, %add3A_847 : vector<16xf32>
          %add3A_850 = arith.addf %add3A_849, %get3A_839 : vector<16xf32>
          %add3A_851 = arith.constant 224 : i32
          %add3A_852 = arith.addi %mul3A_556, %add3A_851 : i32
          %get3A_853 = arith.index_cast %add3A_852 : i32 to index
          %get3A_854 = tpu.vector_load %arg11[%get3A_853] {strides = array<i32>} : memref<16384xf32, #tpu.memory_space<vmem>>, vector<16xf32>,
          %get3A_855 = arith.index_cast %add3A_852 : i32 to index
          %get3A_856 = tpu.vector_load %arg12[%get3A_855] {strides = array<i32>} : memref<16384xf32, #tpu.memory_space<vmem>>, vector<16xf32>,
          %get3A_857 = arith.index_cast %add3A_852 : i32 to index
          %get3A_858 = tpu.vector_load %arg13[%get3A_857] {strides = array<i32>} : memref<16384xf32, #tpu.memory_space<vmem>>, vector<16xf32>,
          %get3A_859 = arith.index_cast %add3A_852 : i32 to index
          %get3A_860 = tpu.vector_load %arg14[%get3A_859] {strides = array<i32>} : memref<16384xf32, #tpu.memory_space<vmem>>, vector<16xf32>,
          %mul3A_861 = vector.broadcast %mul3A_116 : f32 to vector<16xf32>
          %mul3A_862 = arith.mulf %mul3A_861, %get3A_854 : vector<16xf32>
          %mul3A_863 = vector.broadcast %mul3A_118 : f32 to vector<16xf32>
          %mul3A_864 = arith.mulf %mul3A_863, %get3A_856 : vector<16xf32>
          %add3A_865 = arith.addf %mul3A_862, %mul3A_864 : vector<16xf32>
          %mul3A_866 = vector.broadcast %mul3A_120 : f32 to vector<16xf32>
          %mul3A_867 = arith.mulf %mul3A_866, %get3A_858 : vector<16xf32>
          %add3A_868 = arith.addf %add3A_865, %mul3A_867 : vector<16xf32>
          %add3A_869 = vector.broadcast %add3A_114 : f32 to vector<16xf32>
          %add3A_870 = arith.addf %add3A_869, %add3A_868 : vector<16xf32>
          %add3A_871 = arith.addf %add3A_870, %get3A_860 : vector<16xf32>
          %add3A_872 = arith.constant 240 : i32
          %add3A_873 = arith.addi %mul3A_556, %add3A_872 : i32
          %get3A_874 = arith.index_cast %add3A_873 : i32 to index
          %get3A_875 = tpu.vector_load %arg11[%get3A_874] {strides = array<i32>} : memref<16384xf32, #tpu.memory_space<vmem>>, vector<16xf32>,
          %get3A_876 = arith.index_cast %add3A_873 : i32 to index
          %get3A_877 = tpu.vector_load %arg12[%get3A_876] {strides = array<i32>} : memref<16384xf32, #tpu.memory_space<vmem>>, vector<16xf32>,
          %get3A_878 = arith.index_cast %add3A_873 : i32 to index
          %get3A_879 = tpu.vector_load %arg13[%get3A_878] {strides = array<i32>} : memref<16384xf32, #tpu.memory_space<vmem>>, vector<16xf32>,
          %get3A_880 = arith.index_cast %add3A_873 : i32 to index
          %get3A_881 = tpu.vector_load %arg14[%get3A_880] {strides = array<i32>} : memref<16384xf32, #tpu.memory_space<vmem>>, vector<16xf32>,
          %mul3A_882 = vector.broadcast %mul3A_116 : f32 to vector<16xf32>
          %mul3A_883 = arith.mulf %mul3A_882, %get3A_875 : vector<16xf32>
          %mul3A_884 = vector.broadcast %mul3A_118 : f32 to vector<16xf32>
          %mul3A_885 = arith.mulf %mul3A_884, %get3A_877 : vector<16xf32>
          %add3A_886 = arith.addf %mul3A_883, %mul3A_885 : vector<16xf32>
          %mul3A_887 = vector.broadcast %mul3A_120 : f32 to vector<16xf32>
          %mul3A_888 = arith.mulf %mul3A_887, %get3A_879 : vector<16xf32>
          %add3A_889 = arith.addf %add3A_886, %mul3A_888 : vector<16xf32>
          %add3A_890 = vector.broadcast %add3A_114 : f32 to vector<16xf32>
          %add3A_891 = arith.addf %add3A_890, %add3A_889 : vector<16xf32>
          %add3A_892 = arith.addf %add3A_891, %get3A_881 : vector<16xf32>
          %min3A = arith.minimumf %add3A_577, %add3A_598 : vector<16xf32>
          %min3A_893 = arith.minimumf %min3A, %add3A_619 : vector<16xf32>
          %min3A_894 = arith.minimumf %min3A_893, %add3A_640 : vector<16xf32>
          %min3A_895 = arith.minimumf %min3A_894, %add3A_661 : vector<16xf32>
          %min3A_896 = arith.minimumf %min3A_895, %add3A_682 : vector<16xf32>
          %min3A_897 = arith.minimumf %min3A_896, %add3A_703 : vector<16xf32>
          %min3A_898 = arith.minimumf %min3A_897, %add3A_724 : vector<16xf32>
          %min3A_899 = arith.minimumf %min3A_898, %add3A_745 : vector<16xf32>
          %min3A_900 = arith.minimumf %min3A_899, %add3A_766 : vector<16xf32>
          %min3A_901 = arith.minimumf %min3A_900, %add3A_787 : vector<16xf32>
          %min3A_902 = arith.minimumf %min3A_901, %add3A_808 : vector<16xf32>
          %min3A_903 = arith.minimumf %min3A_902, %add3A_829 : vector<16xf32>
          %min3A_904 = arith.minimumf %min3A_903, %add3A_850 : vector<16xf32>
          %min3A_905 = arith.minimumf %min3A_904, %add3A_871 : vector<16xf32>
          %min3A_906 = arith.minimumf %min3A_905, %add3A_892 : vector<16xf32>
          %get3A_907 = arith.constant 0 : i32
          %get3A_908 = arith.index_cast %get3A_907 : i32 to index
          %get3A_909 = memref.load %arg25[%get3A_908] : memref<1xf32, #tpu.memory_space<smem>>
          %lt3A = vector.broadcast %get3A_909 : f32 to vector<16xf32>
          %lt3A_910 = arith.cmpf olt, %min3A_906, %lt3A : vector<16xf32>
          %reduce_or3A = arith.constant 1.000000e+00 : f32
          %reduce_or3A_911 = arith.constant 0.000000e+00 : f32
          %reduce_or3A_912 = vector.broadcast %reduce_or3A : f32 to vector<16xf32>
          %reduce_or3A_913 = vector.broadcast %reduce_or3A_911 : f32 to vector<16xf32>
          %reduce_or3A_914 = arith.select %lt3A_910, %reduce_or3A_912, %reduce_or3A_913 : vector<16xi1>, vector<16xf32>
          %reduce_or3A_915 = arith.constant true
          %reduce_or3A_916 = vector.broadcast %reduce_or3A_915 : i1 to vector<16xi1>
          %reduce_or3A_917 = tpu.scan <max>, %reduce_or3A_914 masked %reduce_or3A_916 : vector<16xf32>, vector<16xi1> -> vector<16xf32>
          %reduce_or3A_918 = vector.extract %reduce_or3A_917[15] : f32 from vector<16xf32>
          %reduce_or3A_919 = arith.constant 0.000000e+00 : f32
          %reduce_or3A_920 = arith.cmpf ogt, %reduce_or3A_918, %reduce_or3A_919 : f32
          %jit3A_921 = arith.constant 1 : i32
          %jit3A_922 = arith.constant 0 : i32
          %select_n3A_923 = arith.select %reduce_or3A_920, %jit3A_921, %jit3A_922 : i32
          %while3A = arith.constant 0 : i32
          %while3A_924 = arith.constant 0 : i32
          %while3A_925 = arith.subi %select_n3A_923, %while3A_924 : i32
          %while3A_926 = arith.addi %while3A_924, %while3A_925 : i32
          %while3A_927 = arith.constant 1 : i32
          %while3A_928 = arith.divsi %while3A_925, %while3A_927 : i32
          %while3A_929 = arith.muli %while3A_928, %while3A_927 : i32
          %while3A_930 = arith.addi %while3A_924, %while3A_929 : i32
          %while3A_931 = arith.constant 1 : i32
          scf.for %while3A_933 = %while3A_924 to %while3A_930 step %while3A_931  : i32 {
            %get3A_934 = arith.constant 0 : index
            %get3A_935 = tpu.vector_load %arg23[%get3A_934] {strides = array<i32>} : memref<16xf32, #tpu.memory_space<vmem>>, vector<16xf32>,
            %get3A_936 = arith.constant 0 : index
            %get3A_937 = tpu.vector_load %arg24[%get3A_936] {strides = array<i32>} : memref<16xi32, #tpu.memory_space<vmem>>, vector<16xi32>,
            %add3A_938 = arith.constant 0 : i32
            %add3A_939 = arith.addi %mul3A_556, %add3A_938 : i32
            %add3A_940 = vector.broadcast %add3A_939 : i32 to vector<16xi32>
            %add3A_941 = arith.addi %iota3A, %add3A_940 : vector<16xi32>
            %masked_sort3A = arith.constant dense<true> : vector<16xi1>
            %masked_sort3A_942, %masked_sort3A_943, %masked_sort3A_944 = tpu.sort %add3A_577, %add3A_941 masked %masked_sort3A : (vector<16xf32>, vector<16xi32>, vector<16xi1>) -> (vector<16xi1>, vector<16xf32>, vector<16xi32>)
            %lt3A_945 = arith.cmpf olt, %masked_sort3A_943, %get3A_935 : vector<16xf32>
            %select_n3A_946 = arith.select %lt3A_945, %masked_sort3A_943, %get3A_935 : vector<16xi1>, vector<16xf32>
            %select_n3A_947 = arith.select %lt3A_945, %masked_sort3A_944, %get3A_937 : vector<16xi1>, vector<16xi32>
            %masked_sort3A_948 = arith.constant dense<true> : vector<16xi1>
            %masked_sort3A_949, %masked_sort3A_950, %masked_sort3A_951 = tpu.sort %select_n3A_946, %select_n3A_947 masked %masked_sort3A_948 {descending = true} : (vector<16xf32>, vector<16xi32>, vector<16xi1>) -> (vector<16xi1>, vector<16xf32>, vector<16xi32>)
            %add3A_952 = arith.constant 16 : i32
            %add3A_953 = arith.addi %mul3A_556, %add3A_952 : i32
            %add3A_954 = vector.broadcast %add3A_953 : i32 to vector<16xi32>
            %add3A_955 = arith.addi %iota3A, %add3A_954 : vector<16xi32>
            %masked_sort3A_956 = arith.constant dense<true> : vector<16xi1>
            %masked_sort3A_957, %masked_sort3A_958, %masked_sort3A_959 = tpu.sort %add3A_598, %add3A_955 masked %masked_sort3A_956 : (vector<16xf32>, vector<16xi32>, vector<16xi1>) -> (vector<16xi1>, vector<16xf32>, vector<16xi32>)
            %lt3A_960 = arith.cmpf olt, %masked_sort3A_958, %masked_sort3A_950 : vector<16xf32>
            %select_n3A_961 = arith.select %lt3A_960, %masked_sort3A_958, %masked_sort3A_950 : vector<16xi1>, vector<16xf32>
            %select_n3A_962 = arith.select %lt3A_960, %masked_sort3A_959, %masked_sort3A_951 : vector<16xi1>, vector<16xi32>
            %masked_sort3A_963 = arith.constant dense<true> : vector<16xi1>
            %masked_sort3A_964, %masked_sort3A_965, %masked_sort3A_966 = tpu.sort %select_n3A_961, %select_n3A_962 masked %masked_sort3A_963 {descending = true} : (vector<16xf32>, vector<16xi32>, vector<16xi1>) -> (vector<16xi1>, vector<16xf32>, vector<16xi32>)
            %add3A_967 = arith.constant 32 : i32
            %add3A_968 = arith.addi %mul3A_556, %add3A_967 : i32
            %add3A_969 = vector.broadcast %add3A_968 : i32 to vector<16xi32>
            %add3A_970 = arith.addi %iota3A, %add3A_969 : vector<16xi32>
            %masked_sort3A_971 = arith.constant dense<true> : vector<16xi1>
            %masked_sort3A_972, %masked_sort3A_973, %masked_sort3A_974 = tpu.sort %add3A_619, %add3A_970 masked %masked_sort3A_971 : (vector<16xf32>, vector<16xi32>, vector<16xi1>) -> (vector<16xi1>, vector<16xf32>, vector<16xi32>)
            %lt3A_975 = arith.cmpf olt, %masked_sort3A_973, %masked_sort3A_965 : vector<16xf32>
            %select_n3A_976 = arith.select %lt3A_975, %masked_sort3A_973, %masked_sort3A_965 : vector<16xi1>, vector<16xf32>
            %select_n3A_977 = arith.select %lt3A_975, %masked_sort3A_974, %masked_sort3A_966 : vector<16xi1>, vector<16xi32>
            %masked_sort3A_978 = arith.constant dense<true> : vector<16xi1>
            %masked_sort3A_979, %masked_sort3A_980, %masked_sort3A_981 = tpu.sort %select_n3A_976, %select_n3A_977 masked %masked_sort3A_978 {descending = true} : (vector<16xf32>, vector<16xi32>, vector<16xi1>) -> (vector<16xi1>, vector<16xf32>, vector<16xi32>)
            %add3A_982 = arith.constant 48 : i32
            %add3A_983 = arith.addi %mul3A_556, %add3A_982 : i32
            %add3A_984 = vector.broadcast %add3A_983 : i32 to vector<16xi32>
            %add3A_985 = arith.addi %iota3A, %add3A_984 : vector<16xi32>
            %masked_sort3A_986 = arith.constant dense<true> : vector<16xi1>
            %masked_sort3A_987, %masked_sort3A_988, %masked_sort3A_989 = tpu.sort %add3A_640, %add3A_985 masked %masked_sort3A_986 : (vector<16xf32>, vector<16xi32>, vector<16xi1>) -> (vector<16xi1>, vector<16xf32>, vector<16xi32>)
            %lt3A_990 = arith.cmpf olt, %masked_sort3A_988, %masked_sort3A_980 : vector<16xf32>
            %select_n3A_991 = arith.select %lt3A_990, %masked_sort3A_988, %masked_sort3A_980 : vector<16xi1>, vector<16xf32>
            %select_n3A_992 = arith.select %lt3A_990, %masked_sort3A_989, %masked_sort3A_981 : vector<16xi1>, vector<16xi32>
            %masked_sort3A_993 = arith.constant dense<true> : vector<16xi1>
            %masked_sort3A_994, %masked_sort3A_995, %masked_sort3A_996 = tpu.sort %select_n3A_991, %select_n3A_992 masked %masked_sort3A_993 {descending = true} : (vector<16xf32>, vector<16xi32>, vector<16xi1>) -> (vector<16xi1>, vector<16xf32>, vector<16xi32>)
            %add3A_997 = arith.constant 64 : i32
            %add3A_998 = arith.addi %mul3A_556, %add3A_997 : i32
            %add3A_999 = vector.broadcast %add3A_998 : i32 to vector<16xi32>
            %add3A_1000 = arith.addi %iota3A, %add3A_999 : vector<16xi32>
            %masked_sort3A_1001 = arith.constant dense<true> : vector<16xi1>
            %masked_sort3A_1002, %masked_sort3A_1003, %masked_sort3A_1004 = tpu.sort %add3A_661, %add3A_1000 masked %masked_sort3A_1001 : (vector<16xf32>, vector<16xi32>, vector<16xi1>) -> (vector<16xi1>, vector<16xf32>, vector<16xi32>)
            %lt3A_1005 = arith.cmpf olt, %masked_sort3A_1003, %masked_sort3A_995 : vector<16xf32>
            %select_n3A_1006 = arith.select %lt3A_1005, %masked_sort3A_1003, %masked_sort3A_995 : vector<16xi1>, vector<16xf32>
            %select_n3A_1007 = arith.select %lt3A_1005, %masked_sort3A_1004, %masked_sort3A_996 : vector<16xi1>, vector<16xi32>
            %masked_sort3A_1008 = arith.constant dense<true> : vector<16xi1>
            %masked_sort3A_1009, %masked_sort3A_1010, %masked_sort3A_1011 = tpu.sort %select_n3A_1006, %select_n3A_1007 masked %masked_sort3A_1008 {descending = true} : (vector<16xf32>, vector<16xi32>, vector<16xi1>) -> (vector<16xi1>, vector<16xf32>, vector<16xi32>)
            %add3A_1012 = arith.constant 80 : i32
            %add3A_1013 = arith.addi %mul3A_556, %add3A_1012 : i32
            %add3A_1014 = vector.broadcast %add3A_1013 : i32 to vector<16xi32>
            %add3A_1015 = arith.addi %iota3A, %add3A_1014 : vector<16xi32>
            %masked_sort3A_1016 = arith.constant dense<true> : vector<16xi1>
            %masked_sort3A_1017, %masked_sort3A_1018, %masked_sort3A_1019 = tpu.sort %add3A_682, %add3A_1015 masked %masked_sort3A_1016 : (vector<16xf32>, vector<16xi32>, vector<16xi1>) -> (vector<16xi1>, vector<16xf32>, vector<16xi32>)
            %lt3A_1020 = arith.cmpf olt, %masked_sort3A_1018, %masked_sort3A_1010 : vector<16xf32>
            %select_n3A_1021 = arith.select %lt3A_1020, %masked_sort3A_1018, %masked_sort3A_1010 : vector<16xi1>, vector<16xf32>
            %select_n3A_1022 = arith.select %lt3A_1020, %masked_sort3A_1019, %masked_sort3A_1011 : vector<16xi1>, vector<16xi32>
            %masked_sort3A_1023 = arith.constant dense<true> : vector<16xi1>
            %masked_sort3A_1024, %masked_sort3A_1025, %masked_sort3A_1026 = tpu.sort %select_n3A_1021, %select_n3A_1022 masked %masked_sort3A_1023 {descending = true} : (vector<16xf32>, vector<16xi32>, vector<16xi1>) -> (vector<16xi1>, vector<16xf32>, vector<16xi32>)
            %add3A_1027 = arith.constant 96 : i32
            %add3A_1028 = arith.addi %mul3A_556, %add3A_1027 : i32
            %add3A_1029 = vector.broadcast %add3A_1028 : i32 to vector<16xi32>
            %add3A_1030 = arith.addi %iota3A, %add3A_1029 : vector<16xi32>
            %masked_sort3A_1031 = arith.constant dense<true> : vector<16xi1>
            %masked_sort3A_1032, %masked_sort3A_1033, %masked_sort3A_1034 = tpu.sort %add3A_703, %add3A_1030 masked %masked_sort3A_1031 : (vector<16xf32>, vector<16xi32>, vector<16xi1>) -> (vector<16xi1>, vector<16xf32>, vector<16xi32>)
            %lt3A_1035 = arith.cmpf olt, %masked_sort3A_1033, %masked_sort3A_1025 : vector<16xf32>
            %select_n3A_1036 = arith.select %lt3A_1035, %masked_sort3A_1033, %masked_sort3A_1025 : vector<16xi1>, vector<16xf32>
            %select_n3A_1037 = arith.select %lt3A_1035, %masked_sort3A_1034, %masked_sort3A_1026 : vector<16xi1>, vector<16xi32>
            %masked_sort3A_1038 = arith.constant dense<true> : vector<16xi1>
            %masked_sort3A_1039, %masked_sort3A_1040, %masked_sort3A_1041 = tpu.sort %select_n3A_1036, %select_n3A_1037 masked %masked_sort3A_1038 {descending = true} : (vector<16xf32>, vector<16xi32>, vector<16xi1>) -> (vector<16xi1>, vector<16xf32>, vector<16xi32>)
            %add3A_1042 = arith.constant 112 : i32
            %add3A_1043 = arith.addi %mul3A_556, %add3A_1042 : i32
            %add3A_1044 = vector.broadcast %add3A_1043 : i32 to vector<16xi32>
            %add3A_1045 = arith.addi %iota3A, %add3A_1044 : vector<16xi32>
            %masked_sort3A_1046 = arith.constant dense<true> : vector<16xi1>
            %masked_sort3A_1047, %masked_sort3A_1048, %masked_sort3A_1049 = tpu.sort %add3A_724, %add3A_1045 masked %masked_sort3A_1046 : (vector<16xf32>, vector<16xi32>, vector<16xi1>) -> (vector<16xi1>, vector<16xf32>, vector<16xi32>)
            %lt3A_1050 = arith.cmpf olt, %masked_sort3A_1048, %masked_sort3A_1040 : vector<16xf32>
            %select_n3A_1051 = arith.select %lt3A_1050, %masked_sort3A_1048, %masked_sort3A_1040 : vector<16xi1>, vector<16xf32>
            %select_n3A_1052 = arith.select %lt3A_1050, %masked_sort3A_1049, %masked_sort3A_1041 : vector<16xi1>, vector<16xi32>
            %masked_sort3A_1053 = arith.constant dense<true> : vector<16xi1>
            %masked_sort3A_1054, %masked_sort3A_1055, %masked_sort3A_1056 = tpu.sort %select_n3A_1051, %select_n3A_1052 masked %masked_sort3A_1053 {descending = true} : (vector<16xf32>, vector<16xi32>, vector<16xi1>) -> (vector<16xi1>, vector<16xf32>, vector<16xi32>)
            %add3A_1057 = arith.constant 128 : i32
            %add3A_1058 = arith.addi %mul3A_556, %add3A_1057 : i32
            %add3A_1059 = vector.broadcast %add3A_1058 : i32 to vector<16xi32>
            %add3A_1060 = arith.addi %iota3A, %add3A_1059 : vector<16xi32>
            %masked_sort3A_1061 = arith.constant dense<true> : vector<16xi1>
            %masked_sort3A_1062, %masked_sort3A_1063, %masked_sort3A_1064 = tpu.sort %add3A_745, %add3A_1060 masked %masked_sort3A_1061 : (vector<16xf32>, vector<16xi32>, vector<16xi1>) -> (vector<16xi1>, vector<16xf32>, vector<16xi32>)
            %lt3A_1065 = arith.cmpf olt, %masked_sort3A_1063, %masked_sort3A_1055 : vector<16xf32>
            %select_n3A_1066 = arith.select %lt3A_1065, %masked_sort3A_1063, %masked_sort3A_1055 : vector<16xi1>, vector<16xf32>
            %select_n3A_1067 = arith.select %lt3A_1065, %masked_sort3A_1064, %masked_sort3A_1056 : vector<16xi1>, vector<16xi32>
            %masked_sort3A_1068 = arith.constant dense<true> : vector<16xi1>
            %masked_sort3A_1069, %masked_sort3A_1070, %masked_sort3A_1071 = tpu.sort %select_n3A_1066, %select_n3A_1067 masked %masked_sort3A_1068 {descending = true} : (vector<16xf32>, vector<16xi32>, vector<16xi1>) -> (vector<16xi1>, vector<16xf32>, vector<16xi32>)
            %add3A_1072 = arith.constant 144 : i32
            %add3A_1073 = arith.addi %mul3A_556, %add3A_1072 : i32
            %add3A_1074 = vector.broadcast %add3A_1073 : i32 to vector<16xi32>
            %add3A_1075 = arith.addi %iota3A, %add3A_1074 : vector<16xi32>
            %masked_sort3A_1076 = arith.constant dense<true> : vector<16xi1>
            %masked_sort3A_1077, %masked_sort3A_1078, %masked_sort3A_1079 = tpu.sort %add3A_766, %add3A_1075 masked %masked_sort3A_1076 : (vector<16xf32>, vector<16xi32>, vector<16xi1>) -> (vector<16xi1>, vector<16xf32>, vector<16xi32>)
            %lt3A_1080 = arith.cmpf olt, %masked_sort3A_1078, %masked_sort3A_1070 : vector<16xf32>
            %select_n3A_1081 = arith.select %lt3A_1080, %masked_sort3A_1078, %masked_sort3A_1070 : vector<16xi1>, vector<16xf32>
            %select_n3A_1082 = arith.select %lt3A_1080, %masked_sort3A_1079, %masked_sort3A_1071 : vector<16xi1>, vector<16xi32>
            %masked_sort3A_1083 = arith.constant dense<true> : vector<16xi1>
            %masked_sort3A_1084, %masked_sort3A_1085, %masked_sort3A_1086 = tpu.sort %select_n3A_1081, %select_n3A_1082 masked %masked_sort3A_1083 {descending = true} : (vector<16xf32>, vector<16xi32>, vector<16xi1>) -> (vector<16xi1>, vector<16xf32>, vector<16xi32>)
            %add3A_1087 = arith.constant 160 : i32
            %add3A_1088 = arith.addi %mul3A_556, %add3A_1087 : i32
            %add3A_1089 = vector.broadcast %add3A_1088 : i32 to vector<16xi32>
            %add3A_1090 = arith.addi %iota3A, %add3A_1089 : vector<16xi32>
            %masked_sort3A_1091 = arith.constant dense<true> : vector<16xi1>
            %masked_sort3A_1092, %masked_sort3A_1093, %masked_sort3A_1094 = tpu.sort %add3A_787, %add3A_1090 masked %masked_sort3A_1091 : (vector<16xf32>, vector<16xi32>, vector<16xi1>) -> (vector<16xi1>, vector<16xf32>, vector<16xi32>)
            %lt3A_1095 = arith.cmpf olt, %masked_sort3A_1093, %masked_sort3A_1085 : vector<16xf32>
            %select_n3A_1096 = arith.select %lt3A_1095, %masked_sort3A_1093, %masked_sort3A_1085 : vector<16xi1>, vector<16xf32>
            %select_n3A_1097 = arith.select %lt3A_1095, %masked_sort3A_1094, %masked_sort3A_1086 : vector<16xi1>, vector<16xi32>
            %masked_sort3A_1098 = arith.constant dense<true> : vector<16xi1>
            %masked_sort3A_1099, %masked_sort3A_1100, %masked_sort3A_1101 = tpu.sort %select_n3A_1096, %select_n3A_1097 masked %masked_sort3A_1098 {descending = true} : (vector<16xf32>, vector<16xi32>, vector<16xi1>) -> (vector<16xi1>, vector<16xf32>, vector<16xi32>)
            %add3A_1102 = arith.constant 176 : i32
            %add3A_1103 = arith.addi %mul3A_556, %add3A_1102 : i32
            %add3A_1104 = vector.broadcast %add3A_1103 : i32 to vector<16xi32>
            %add3A_1105 = arith.addi %iota3A, %add3A_1104 : vector<16xi32>
            %masked_sort3A_1106 = arith.constant dense<true> : vector<16xi1>
            %masked_sort3A_1107, %masked_sort3A_1108, %masked_sort3A_1109 = tpu.sort %add3A_808, %add3A_1105 masked %masked_sort3A_1106 : (vector<16xf32>, vector<16xi32>, vector<16xi1>) -> (vector<16xi1>, vector<16xf32>, vector<16xi32>)
            %lt3A_1110 = arith.cmpf olt, %masked_sort3A_1108, %masked_sort3A_1100 : vector<16xf32>
            %select_n3A_1111 = arith.select %lt3A_1110, %masked_sort3A_1108, %masked_sort3A_1100 : vector<16xi1>, vector<16xf32>
            %select_n3A_1112 = arith.select %lt3A_1110, %masked_sort3A_1109, %masked_sort3A_1101 : vector<16xi1>, vector<16xi32>
            %masked_sort3A_1113 = arith.constant dense<true> : vector<16xi1>
            %masked_sort3A_1114, %masked_sort3A_1115, %masked_sort3A_1116 = tpu.sort %select_n3A_1111, %select_n3A_1112 masked %masked_sort3A_1113 {descending = true} : (vector<16xf32>, vector<16xi32>, vector<16xi1>) -> (vector<16xi1>, vector<16xf32>, vector<16xi32>)
            %add3A_1117 = arith.constant 192 : i32
            %add3A_1118 = arith.addi %mul3A_556, %add3A_1117 : i32
            %add3A_1119 = vector.broadcast %add3A_1118 : i32 to vector<16xi32>
            %add3A_1120 = arith.addi %iota3A, %add3A_1119 : vector<16xi32>
            %masked_sort3A_1121 = arith.constant dense<true> : vector<16xi1>
            %masked_sort3A_1122, %masked_sort3A_1123, %masked_sort3A_1124 = tpu.sort %add3A_829, %add3A_1120 masked %masked_sort3A_1121 : (vector<16xf32>, vector<16xi32>, vector<16xi1>) -> (vector<16xi1>, vector<16xf32>, vector<16xi32>)
            %lt3A_1125 = arith.cmpf olt, %masked_sort3A_1123, %masked_sort3A_1115 : vector<16xf32>
            %select_n3A_1126 = arith.select %lt3A_1125, %masked_sort3A_1123, %masked_sort3A_1115 : vector<16xi1>, vector<16xf32>
            %select_n3A_1127 = arith.select %lt3A_1125, %masked_sort3A_1124, %masked_sort3A_1116 : vector<16xi1>, vector<16xi32>
            %masked_sort3A_1128 = arith.constant dense<true> : vector<16xi1>
            %masked_sort3A_1129, %masked_sort3A_1130, %masked_sort3A_1131 = tpu.sort %select_n3A_1126, %select_n3A_1127 masked %masked_sort3A_1128 {descending = true} : (vector<16xf32>, vector<16xi32>, vector<16xi1>) -> (vector<16xi1>, vector<16xf32>, vector<16xi32>)
            %add3A_1132 = arith.constant 208 : i32
            %add3A_1133 = arith.addi %mul3A_556, %add3A_1132 : i32
            %add3A_1134 = vector.broadcast %add3A_1133 : i32 to vector<16xi32>
            %add3A_1135 = arith.addi %iota3A, %add3A_1134 : vector<16xi32>
            %masked_sort3A_1136 = arith.constant dense<true> : vector<16xi1>
            %masked_sort3A_1137, %masked_sort3A_1138, %masked_sort3A_1139 = tpu.sort %add3A_850, %add3A_1135 masked %masked_sort3A_1136 : (vector<16xf32>, vector<16xi32>, vector<16xi1>) -> (vector<16xi1>, vector<16xf32>, vector<16xi32>)
            %lt3A_1140 = arith.cmpf olt, %masked_sort3A_1138, %masked_sort3A_1130 : vector<16xf32>
            %select_n3A_1141 = arith.select %lt3A_1140, %masked_sort3A_1138, %masked_sort3A_1130 : vector<16xi1>, vector<16xf32>
            %select_n3A_1142 = arith.select %lt3A_1140, %masked_sort3A_1139, %masked_sort3A_1131 : vector<16xi1>, vector<16xi32>
            %masked_sort3A_1143 = arith.constant dense<true> : vector<16xi1>
            %masked_sort3A_1144, %masked_sort3A_1145, %masked_sort3A_1146 = tpu.sort %select_n3A_1141, %select_n3A_1142 masked %masked_sort3A_1143 {descending = true} : (vector<16xf32>, vector<16xi32>, vector<16xi1>) -> (vector<16xi1>, vector<16xf32>, vector<16xi32>)
            %add3A_1147 = arith.constant 224 : i32
            %add3A_1148 = arith.addi %mul3A_556, %add3A_1147 : i32
            %add3A_1149 = vector.broadcast %add3A_1148 : i32 to vector<16xi32>
            %add3A_1150 = arith.addi %iota3A, %add3A_1149 : vector<16xi32>
            %masked_sort3A_1151 = arith.constant dense<true> : vector<16xi1>
            %masked_sort3A_1152, %masked_sort3A_1153, %masked_sort3A_1154 = tpu.sort %add3A_871, %add3A_1150 masked %masked_sort3A_1151 : (vector<16xf32>, vector<16xi32>, vector<16xi1>) -> (vector<16xi1>, vector<16xf32>, vector<16xi32>)
            %lt3A_1155 = arith.cmpf olt, %masked_sort3A_1153, %masked_sort3A_1145 : vector<16xf32>
            %select_n3A_1156 = arith.select %lt3A_1155, %masked_sort3A_1153, %masked_sort3A_1145 : vector<16xi1>, vector<16xf32>
            %select_n3A_1157 = arith.select %lt3A_1155, %masked_sort3A_1154, %masked_sort3A_1146 : vector<16xi1>, vector<16xi32>
            %masked_sort3A_1158 = arith.constant dense<true> : vector<16xi1>
            %masked_sort3A_1159, %masked_sort3A_1160, %masked_sort3A_1161 = tpu.sort %select_n3A_1156, %select_n3A_1157 masked %masked_sort3A_1158 {descending = true} : (vector<16xf32>, vector<16xi32>, vector<16xi1>) -> (vector<16xi1>, vector<16xf32>, vector<16xi32>)
            %add3A_1162 = arith.constant 240 : i32
            %add3A_1163 = arith.addi %mul3A_556, %add3A_1162 : i32
            %add3A_1164 = vector.broadcast %add3A_1163 : i32 to vector<16xi32>
            %add3A_1165 = arith.addi %iota3A, %add3A_1164 : vector<16xi32>
            %masked_sort3A_1166 = arith.constant dense<true> : vector<16xi1>
            %masked_sort3A_1167, %masked_sort3A_1168, %masked_sort3A_1169 = tpu.sort %add3A_892, %add3A_1165 masked %masked_sort3A_1166 : (vector<16xf32>, vector<16xi32>, vector<16xi1>) -> (vector<16xi1>, vector<16xf32>, vector<16xi32>)
            %lt3A_1170 = arith.cmpf olt, %masked_sort3A_1168, %masked_sort3A_1160 : vector<16xf32>
            %select_n3A_1171 = arith.select %lt3A_1170, %masked_sort3A_1168, %masked_sort3A_1160 : vector<16xi1>, vector<16xf32>
            %select_n3A_1172 = arith.select %lt3A_1170, %masked_sort3A_1169, %masked_sort3A_1161 : vector<16xi1>, vector<16xi32>
            %masked_sort3A_1173 = arith.constant dense<true> : vector<16xi1>
            %masked_sort3A_1174, %masked_sort3A_1175, %masked_sort3A_1176 = tpu.sort %select_n3A_1171, %select_n3A_1172 masked %masked_sort3A_1173 {descending = true} : (vector<16xf32>, vector<16xi32>, vector<16xi1>) -> (vector<16xi1>, vector<16xf32>, vector<16xi32>)
            %swap3A_1177 = arith.constant 0 : index
            %swap3A_1178 = tpu.vector_load %arg23[%swap3A_1177] {strides = array<i32>} : memref<16xf32, #tpu.memory_space<vmem>>, vector<16xf32>,
            tpu.vector_store %arg23[%swap3A_1177], %masked_sort3A_1175 {strides = array<i32>} : memref<16xf32, #tpu.memory_space<vmem>>, vector<16xf32>,
            %swap3A_1179 = arith.constant 0 : index
            %swap3A_1180 = tpu.vector_load %arg24[%swap3A_1179] {strides = array<i32>} : memref<16xi32, #tpu.memory_space<vmem>>, vector<16xi32>,
            tpu.vector_store %arg24[%swap3A_1179], %masked_sort3A_1176 {strides = array<i32>} : memref<16xi32, #tpu.memory_space<vmem>>, vector<16xi32>,
            %reduce_max3A_1181 = arith.constant true
            %reduce_max3A_1182 = vector.broadcast %reduce_max3A_1181 : i1 to vector<16xi1>
            %reduce_max3A_1183 = tpu.scan <max>, %masked_sort3A_1175 masked %reduce_max3A_1182 : vector<16xf32>, vector<16xi1> -> vector<16xf32>
            %reduce_max3A_1184 = vector.extract %reduce_max3A_1183[15] : f32 from vector<16xf32>
            %swap3A_1185 = arith.constant 0 : i32
            %swap3A_1186 = arith.index_cast %swap3A_1185 : i32 to index
            %swap3A_1187 = memref.load %arg25[%swap3A_1186] : memref<1xf32, #tpu.memory_space<smem>>
            memref.store %reduce_max3A_1184, %arg25[%swap3A_1186] : memref<1xf32, #tpu.memory_space<smem>>
          }
          %while3A_932 = arith.constant 1 : i32
          scf.for %while3A_933 = %while3A_930 to %while3A_926 step %while3A_932  : i32 {
            %get3A_934 = arith.constant 0 : index
            %get3A_935 = tpu.vector_load %arg23[%get3A_934] {strides = array<i32>} : memref<16xf32, #tpu.memory_space<vmem>>, vector<16xf32>,
            %get3A_936 = arith.constant 0 : index
            %get3A_937 = tpu.vector_load %arg24[%get3A_936] {strides = array<i32>} : memref<16xi32, #tpu.memory_space<vmem>>, vector<16xi32>,
            %add3A_938 = arith.constant 0 : i32
            %add3A_939 = arith.addi %mul3A_556, %add3A_938 : i32
            %add3A_940 = vector.broadcast %add3A_939 : i32 to vector<16xi32>
            %add3A_941 = arith.addi %iota3A, %add3A_940 : vector<16xi32>
            %masked_sort3A = arith.constant dense<true> : vector<16xi1>
            %masked_sort3A_942, %masked_sort3A_943, %masked_sort3A_944 = tpu.sort %add3A_577, %add3A_941 masked %masked_sort3A : (vector<16xf32>, vector<16xi32>, vector<16xi1>) -> (vector<16xi1>, vector<16xf32>, vector<16xi32>)
            %lt3A_945 = arith.cmpf olt, %masked_sort3A_943, %get3A_935 : vector<16xf32>
            %select_n3A_946 = arith.select %lt3A_945, %masked_sort3A_943, %get3A_935 : vector<16xi1>, vector<16xf32>
            %select_n3A_947 = arith.select %lt3A_945, %masked_sort3A_944, %get3A_937 : vector<16xi1>, vector<16xi32>
            %masked_sort3A_948 = arith.constant dense<true> : vector<16xi1>
            %masked_sort3A_949, %masked_sort3A_950, %masked_sort3A_951 = tpu.sort %select_n3A_946, %select_n3A_947 masked %masked_sort3A_948 {descending = true} : (vector<16xf32>, vector<16xi32>, vector<16xi1>) -> (vector<16xi1>, vector<16xf32>, vector<16xi32>)
            %add3A_952 = arith.constant 16 : i32
            %add3A_953 = arith.addi %mul3A_556, %add3A_952 : i32
            %add3A_954 = vector.broadcast %add3A_953 : i32 to vector<16xi32>
            %add3A_955 = arith.addi %iota3A, %add3A_954 : vector<16xi32>
            %masked_sort3A_956 = arith.constant dense<true> : vector<16xi1>
            %masked_sort3A_957, %masked_sort3A_958, %masked_sort3A_959 = tpu.sort %add3A_598, %add3A_955 masked %masked_sort3A_956 : (vector<16xf32>, vector<16xi32>, vector<16xi1>) -> (vector<16xi1>, vector<16xf32>, vector<16xi32>)
            %lt3A_960 = arith.cmpf olt, %masked_sort3A_958, %masked_sort3A_950 : vector<16xf32>
            %select_n3A_961 = arith.select %lt3A_960, %masked_sort3A_958, %masked_sort3A_950 : vector<16xi1>, vector<16xf32>
            %select_n3A_962 = arith.select %lt3A_960, %masked_sort3A_959, %masked_sort3A_951 : vector<16xi1>, vector<16xi32>
            %masked_sort3A_963 = arith.constant dense<true> : vector<16xi1>
            %masked_sort3A_964, %masked_sort3A_965, %masked_sort3A_966 = tpu.sort %select_n3A_961, %select_n3A_962 masked %masked_sort3A_963 {descending = true} : (vector<16xf32>, vector<16xi32>, vector<16xi1>) -> (vector<16xi1>, vector<16xf32>, vector<16xi32>)
            %add3A_967 = arith.constant 32 : i32
            %add3A_968 = arith.addi %mul3A_556, %add3A_967 : i32
            %add3A_969 = vector.broadcast %add3A_968 : i32 to vector<16xi32>
            %add3A_970 = arith.addi %iota3A, %add3A_969 : vector<16xi32>
            %masked_sort3A_971 = arith.constant dense<true> : vector<16xi1>
            %masked_sort3A_972, %masked_sort3A_973, %masked_sort3A_974 = tpu.sort %add3A_619, %add3A_970 masked %masked_sort3A_971 : (vector<16xf32>, vector<16xi32>, vector<16xi1>) -> (vector<16xi1>, vector<16xf32>, vector<16xi32>)
            %lt3A_975 = arith.cmpf olt, %masked_sort3A_973, %masked_sort3A_965 : vector<16xf32>
            %select_n3A_976 = arith.select %lt3A_975, %masked_sort3A_973, %masked_sort3A_965 : vector<16xi1>, vector<16xf32>
            %select_n3A_977 = arith.select %lt3A_975, %masked_sort3A_974, %masked_sort3A_966 : vector<16xi1>, vector<16xi32>
            %masked_sort3A_978 = arith.constant dense<true> : vector<16xi1>
            %masked_sort3A_979, %masked_sort3A_980, %masked_sort3A_981 = tpu.sort %select_n3A_976, %select_n3A_977 masked %masked_sort3A_978 {descending = true} : (vector<16xf32>, vector<16xi32>, vector<16xi1>) -> (vector<16xi1>, vector<16xf32>, vector<16xi32>)
            %add3A_982 = arith.constant 48 : i32
            %add3A_983 = arith.addi %mul3A_556, %add3A_982 : i32
            %add3A_984 = vector.broadcast %add3A_983 : i32 to vector<16xi32>
            %add3A_985 = arith.addi %iota3A, %add3A_984 : vector<16xi32>
            %masked_sort3A_986 = arith.constant dense<true> : vector<16xi1>
            %masked_sort3A_987, %masked_sort3A_988, %masked_sort3A_989 = tpu.sort %add3A_640, %add3A_985 masked %masked_sort3A_986 : (vector<16xf32>, vector<16xi32>, vector<16xi1>) -> (vector<16xi1>, vector<16xf32>, vector<16xi32>)
            %lt3A_990 = arith.cmpf olt, %masked_sort3A_988, %masked_sort3A_980 : vector<16xf32>
            %select_n3A_991 = arith.select %lt3A_990, %masked_sort3A_988, %masked_sort3A_980 : vector<16xi1>, vector<16xf32>
            %select_n3A_992 = arith.select %lt3A_990, %masked_sort3A_989, %masked_sort3A_981 : vector<16xi1>, vector<16xi32>
            %masked_sort3A_993 = arith.constant dense<true> : vector<16xi1>
            %masked_sort3A_994, %masked_sort3A_995, %masked_sort3A_996 = tpu.sort %select_n3A_991, %select_n3A_992 masked %masked_sort3A_993 {descending = true} : (vector<16xf32>, vector<16xi32>, vector<16xi1>) -> (vector<16xi1>, vector<16xf32>, vector<16xi32>)
            %add3A_997 = arith.constant 64 : i32
            %add3A_998 = arith.addi %mul3A_556, %add3A_997 : i32
            %add3A_999 = vector.broadcast %add3A_998 : i32 to vector<16xi32>
            %add3A_1000 = arith.addi %iota3A, %add3A_999 : vector<16xi32>
            %masked_sort3A_1001 = arith.constant dense<true> : vector<16xi1>
            %masked_sort3A_1002, %masked_sort3A_1003, %masked_sort3A_1004 = tpu.sort %add3A_661, %add3A_1000 masked %masked_sort3A_1001 : (vector<16xf32>, vector<16xi32>, vector<16xi1>) -> (vector<16xi1>, vector<16xf32>, vector<16xi32>)
            %lt3A_1005 = arith.cmpf olt, %masked_sort3A_1003, %masked_sort3A_995 : vector<16xf32>
            %select_n3A_1006 = arith.select %lt3A_1005, %masked_sort3A_1003, %masked_sort3A_995 : vector<16xi1>, vector<16xf32>
            %select_n3A_1007 = arith.select %lt3A_1005, %masked_sort3A_1004, %masked_sort3A_996 : vector<16xi1>, vector<16xi32>
            %masked_sort3A_1008 = arith.constant dense<true> : vector<16xi1>
            %masked_sort3A_1009, %masked_sort3A_1010, %masked_sort3A_1011 = tpu.sort %select_n3A_1006, %select_n3A_1007 masked %masked_sort3A_1008 {descending = true} : (vector<16xf32>, vector<16xi32>, vector<16xi1>) -> (vector<16xi1>, vector<16xf32>, vector<16xi32>)
            %add3A_1012 = arith.constant 80 : i32
            %add3A_1013 = arith.addi %mul3A_556, %add3A_1012 : i32
            %add3A_1014 = vector.broadcast %add3A_1013 : i32 to vector<16xi32>
            %add3A_1015 = arith.addi %iota3A, %add3A_1014 : vector<16xi32>
            %masked_sort3A_1016 = arith.constant dense<true> : vector<16xi1>
            %masked_sort3A_1017, %masked_sort3A_1018, %masked_sort3A_1019 = tpu.sort %add3A_682, %add3A_1015 masked %masked_sort3A_1016 : (vector<16xf32>, vector<16xi32>, vector<16xi1>) -> (vector<16xi1>, vector<16xf32>, vector<16xi32>)
            %lt3A_1020 = arith.cmpf olt, %masked_sort3A_1018, %masked_sort3A_1010 : vector<16xf32>
            %select_n3A_1021 = arith.select %lt3A_1020, %masked_sort3A_1018, %masked_sort3A_1010 : vector<16xi1>, vector<16xf32>
            %select_n3A_1022 = arith.select %lt3A_1020, %masked_sort3A_1019, %masked_sort3A_1011 : vector<16xi1>, vector<16xi32>
            %masked_sort3A_1023 = arith.constant dense<true> : vector<16xi1>
            %masked_sort3A_1024, %masked_sort3A_1025, %masked_sort3A_1026 = tpu.sort %select_n3A_1021, %select_n3A_1022 masked %masked_sort3A_1023 {descending = true} : (vector<16xf32>, vector<16xi32>, vector<16xi1>) -> (vector<16xi1>, vector<16xf32>, vector<16xi32>)
            %add3A_1027 = arith.constant 96 : i32
            %add3A_1028 = arith.addi %mul3A_556, %add3A_1027 : i32
            %add3A_1029 = vector.broadcast %add3A_1028 : i32 to vector<16xi32>
            %add3A_1030 = arith.addi %iota3A, %add3A_1029 : vector<16xi32>
            %masked_sort3A_1031 = arith.constant dense<true> : vector<16xi1>
            %masked_sort3A_1032, %masked_sort3A_1033, %masked_sort3A_1034 = tpu.sort %add3A_703, %add3A_1030 masked %masked_sort3A_1031 : (vector<16xf32>, vector<16xi32>, vector<16xi1>) -> (vector<16xi1>, vector<16xf32>, vector<16xi32>)
            %lt3A_1035 = arith.cmpf olt, %masked_sort3A_1033, %masked_sort3A_1025 : vector<16xf32>
            %select_n3A_1036 = arith.select %lt3A_1035, %masked_sort3A_1033, %masked_sort3A_1025 : vector<16xi1>, vector<16xf32>
            %select_n3A_1037 = arith.select %lt3A_1035, %masked_sort3A_1034, %masked_sort3A_1026 : vector<16xi1>, vector<16xi32>
            %masked_sort3A_1038 = arith.constant dense<true> : vector<16xi1>
            %masked_sort3A_1039, %masked_sort3A_1040, %masked_sort3A_1041 = tpu.sort %select_n3A_1036, %select_n3A_1037 masked %masked_sort3A_1038 {descending = true} : (vector<16xf32>, vector<16xi32>, vector<16xi1>) -> (vector<16xi1>, vector<16xf32>, vector<16xi32>)
            %add3A_1042 = arith.constant 112 : i32
            %add3A_1043 = arith.addi %mul3A_556, %add3A_1042 : i32
            %add3A_1044 = vector.broadcast %add3A_1043 : i32 to vector<16xi32>
            %add3A_1045 = arith.addi %iota3A, %add3A_1044 : vector<16xi32>
            %masked_sort3A_1046 = arith.constant dense<true> : vector<16xi1>
            %masked_sort3A_1047, %masked_sort3A_1048, %masked_sort3A_1049 = tpu.sort %add3A_724, %add3A_1045 masked %masked_sort3A_1046 : (vector<16xf32>, vector<16xi32>, vector<16xi1>) -> (vector<16xi1>, vector<16xf32>, vector<16xi32>)
            %lt3A_1050 = arith.cmpf olt, %masked_sort3A_1048, %masked_sort3A_1040 : vector<16xf32>
            %select_n3A_1051 = arith.select %lt3A_1050, %masked_sort3A_1048, %masked_sort3A_1040 : vector<16xi1>, vector<16xf32>
            %select_n3A_1052 = arith.select %lt3A_1050, %masked_sort3A_1049, %masked_sort3A_1041 : vector<16xi1>, vector<16xi32>
            %masked_sort3A_1053 = arith.constant dense<true> : vector<16xi1>
            %masked_sort3A_1054, %masked_sort3A_1055, %masked_sort3A_1056 = tpu.sort %select_n3A_1051, %select_n3A_1052 masked %masked_sort3A_1053 {descending = true} : (vector<16xf32>, vector<16xi32>, vector<16xi1>) -> (vector<16xi1>, vector<16xf32>, vector<16xi32>)
            %add3A_1057 = arith.constant 128 : i32
            %add3A_1058 = arith.addi %mul3A_556, %add3A_1057 : i32
            %add3A_1059 = vector.broadcast %add3A_1058 : i32 to vector<16xi32>
            %add3A_1060 = arith.addi %iota3A, %add3A_1059 : vector<16xi32>
            %masked_sort3A_1061 = arith.constant dense<true> : vector<16xi1>
            %masked_sort3A_1062, %masked_sort3A_1063, %masked_sort3A_1064 = tpu.sort %add3A_745, %add3A_1060 masked %masked_sort3A_1061 : (vector<16xf32>, vector<16xi32>, vector<16xi1>) -> (vector<16xi1>, vector<16xf32>, vector<16xi32>)
            %lt3A_1065 = arith.cmpf olt, %masked_sort3A_1063, %masked_sort3A_1055 : vector<16xf32>
            %select_n3A_1066 = arith.select %lt3A_1065, %masked_sort3A_1063, %masked_sort3A_1055 : vector<16xi1>, vector<16xf32>
            %select_n3A_1067 = arith.select %lt3A_1065, %masked_sort3A_1064, %masked_sort3A_1056 : vector<16xi1>, vector<16xi32>
            %masked_sort3A_1068 = arith.constant dense<true> : vector<16xi1>
            %masked_sort3A_1069, %masked_sort3A_1070, %masked_sort3A_1071 = tpu.sort %select_n3A_1066, %select_n3A_1067 masked %masked_sort3A_1068 {descending = true} : (vector<16xf32>, vector<16xi32>, vector<16xi1>) -> (vector<16xi1>, vector<16xf32>, vector<16xi32>)
            %add3A_1072 = arith.constant 144 : i32
            %add3A_1073 = arith.addi %mul3A_556, %add3A_1072 : i32
            %add3A_1074 = vector.broadcast %add3A_1073 : i32 to vector<16xi32>
            %add3A_1075 = arith.addi %iota3A, %add3A_1074 : vector<16xi32>
            %masked_sort3A_1076 = arith.constant dense<true> : vector<16xi1>
            %masked_sort3A_1077, %masked_sort3A_1078, %masked_sort3A_1079 = tpu.sort %add3A_766, %add3A_1075 masked %masked_sort3A_1076 : (vector<16xf32>, vector<16xi32>, vector<16xi1>) -> (vector<16xi1>, vector<16xf32>, vector<16xi32>)
            %lt3A_1080 = arith.cmpf olt, %masked_sort3A_1078, %masked_sort3A_1070 : vector<16xf32>
            %select_n3A_1081 = arith.select %lt3A_1080, %masked_sort3A_1078, %masked_sort3A_1070 : vector<16xi1>, vector<16xf32>
            %select_n3A_1082 = arith.select %lt3A_1080, %masked_sort3A_1079, %masked_sort3A_1071 : vector<16xi1>, vector<16xi32>
            %masked_sort3A_1083 = arith.constant dense<true> : vector<16xi1>
            %masked_sort3A_1084, %masked_sort3A_1085, %masked_sort3A_1086 = tpu.sort %select_n3A_1081, %select_n3A_1082 masked %masked_sort3A_1083 {descending = true} : (vector<16xf32>, vector<16xi32>, vector<16xi1>) -> (vector<16xi1>, vector<16xf32>, vector<16xi32>)
            %add3A_1087 = arith.constant 160 : i32
            %add3A_1088 = arith.addi %mul3A_556, %add3A_1087 : i32
            %add3A_1089 = vector.broadcast %add3A_1088 : i32 to vector<16xi32>
            %add3A_1090 = arith.addi %iota3A, %add3A_1089 : vector<16xi32>
            %masked_sort3A_1091 = arith.constant dense<true> : vector<16xi1>
            %masked_sort3A_1092, %masked_sort3A_1093, %masked_sort3A_1094 = tpu.sort %add3A_787, %add3A_1090 masked %masked_sort3A_1091 : (vector<16xf32>, vector<16xi32>, vector<16xi1>) -> (vector<16xi1>, vector<16xf32>, vector<16xi32>)
            %lt3A_1095 = arith.cmpf olt, %masked_sort3A_1093, %masked_sort3A_1085 : vector<16xf32>
            %select_n3A_1096 = arith.select %lt3A_1095, %masked_sort3A_1093, %masked_sort3A_1085 : vector<16xi1>, vector<16xf32>
            %select_n3A_1097 = arith.select %lt3A_1095, %masked_sort3A_1094, %masked_sort3A_1086 : vector<16xi1>, vector<16xi32>
            %masked_sort3A_1098 = arith.constant dense<true> : vector<16xi1>
            %masked_sort3A_1099, %masked_sort3A_1100, %masked_sort3A_1101 = tpu.sort %select_n3A_1096, %select_n3A_1097 masked %masked_sort3A_1098 {descending = true} : (vector<16xf32>, vector<16xi32>, vector<16xi1>) -> (vector<16xi1>, vector<16xf32>, vector<16xi32>)
            %add3A_1102 = arith.constant 176 : i32
            %add3A_1103 = arith.addi %mul3A_556, %add3A_1102 : i32
            %add3A_1104 = vector.broadcast %add3A_1103 : i32 to vector<16xi32>
            %add3A_1105 = arith.addi %iota3A, %add3A_1104 : vector<16xi32>
            %masked_sort3A_1106 = arith.constant dense<true> : vector<16xi1>
            %masked_sort3A_1107, %masked_sort3A_1108, %masked_sort3A_1109 = tpu.sort %add3A_808, %add3A_1105 masked %masked_sort3A_1106 : (vector<16xf32>, vector<16xi32>, vector<16xi1>) -> (vector<16xi1>, vector<16xf32>, vector<16xi32>)
            %lt3A_1110 = arith.cmpf olt, %masked_sort3A_1108, %masked_sort3A_1100 : vector<16xf32>
            %select_n3A_1111 = arith.select %lt3A_1110, %masked_sort3A_1108, %masked_sort3A_1100 : vector<16xi1>, vector<16xf32>
            %select_n3A_1112 = arith.select %lt3A_1110, %masked_sort3A_1109, %masked_sort3A_1101 : vector<16xi1>, vector<16xi32>
            %masked_sort3A_1113 = arith.constant dense<true> : vector<16xi1>
            %masked_sort3A_1114, %masked_sort3A_1115, %masked_sort3A_1116 = tpu.sort %select_n3A_1111, %select_n3A_1112 masked %masked_sort3A_1113 {descending = true} : (vector<16xf32>, vector<16xi32>, vector<16xi1>) -> (vector<16xi1>, vector<16xf32>, vector<16xi32>)
            %add3A_1117 = arith.constant 192 : i32
            %add3A_1118 = arith.addi %mul3A_556, %add3A_1117 : i32
            %add3A_1119 = vector.broadcast %add3A_1118 : i32 to vector<16xi32>
            %add3A_1120 = arith.addi %iota3A, %add3A_1119 : vector<16xi32>
            %masked_sort3A_1121 = arith.constant dense<true> : vector<16xi1>
            %masked_sort3A_1122, %masked_sort3A_1123, %masked_sort3A_1124 = tpu.sort %add3A_829, %add3A_1120 masked %masked_sort3A_1121 : (vector<16xf32>, vector<16xi32>, vector<16xi1>) -> (vector<16xi1>, vector<16xf32>, vector<16xi32>)
            %lt3A_1125 = arith.cmpf olt, %masked_sort3A_1123, %masked_sort3A_1115 : vector<16xf32>
            %select_n3A_1126 = arith.select %lt3A_1125, %masked_sort3A_1123, %masked_sort3A_1115 : vector<16xi1>, vector<16xf32>
            %select_n3A_1127 = arith.select %lt3A_1125, %masked_sort3A_1124, %masked_sort3A_1116 : vector<16xi1>, vector<16xi32>
            %masked_sort3A_1128 = arith.constant dense<true> : vector<16xi1>
            %masked_sort3A_1129, %masked_sort3A_1130, %masked_sort3A_1131 = tpu.sort %select_n3A_1126, %select_n3A_1127 masked %masked_sort3A_1128 {descending = true} : (vector<16xf32>, vector<16xi32>, vector<16xi1>) -> (vector<16xi1>, vector<16xf32>, vector<16xi32>)
            %add3A_1132 = arith.constant 208 : i32
            %add3A_1133 = arith.addi %mul3A_556, %add3A_1132 : i32
            %add3A_1134 = vector.broadcast %add3A_1133 : i32 to vector<16xi32>
            %add3A_1135 = arith.addi %iota3A, %add3A_1134 : vector<16xi32>
            %masked_sort3A_1136 = arith.constant dense<true> : vector<16xi1>
            %masked_sort3A_1137, %masked_sort3A_1138, %masked_sort3A_1139 = tpu.sort %add3A_850, %add3A_1135 masked %masked_sort3A_1136 : (vector<16xf32>, vector<16xi32>, vector<16xi1>) -> (vector<16xi1>, vector<16xf32>, vector<16xi32>)
            %lt3A_1140 = arith.cmpf olt, %masked_sort3A_1138, %masked_sort3A_1130 : vector<16xf32>
            %select_n3A_1141 = arith.select %lt3A_1140, %masked_sort3A_1138, %masked_sort3A_1130 : vector<16xi1>, vector<16xf32>
            %select_n3A_1142 = arith.select %lt3A_1140, %masked_sort3A_1139, %masked_sort3A_1131 : vector<16xi1>, vector<16xi32>
            %masked_sort3A_1143 = arith.constant dense<true> : vector<16xi1>
            %masked_sort3A_1144, %masked_sort3A_1145, %masked_sort3A_1146 = tpu.sort %select_n3A_1141, %select_n3A_1142 masked %masked_sort3A_1143 {descending = true} : (vector<16xf32>, vector<16xi32>, vector<16xi1>) -> (vector<16xi1>, vector<16xf32>, vector<16xi32>)
            %add3A_1147 = arith.constant 224 : i32
            %add3A_1148 = arith.addi %mul3A_556, %add3A_1147 : i32
            %add3A_1149 = vector.broadcast %add3A_1148 : i32 to vector<16xi32>
            %add3A_1150 = arith.addi %iota3A, %add3A_1149 : vector<16xi32>
            %masked_sort3A_1151 = arith.constant dense<true> : vector<16xi1>
            %masked_sort3A_1152, %masked_sort3A_1153, %masked_sort3A_1154 = tpu.sort %add3A_871, %add3A_1150 masked %masked_sort3A_1151 : (vector<16xf32>, vector<16xi32>, vector<16xi1>) -> (vector<16xi1>, vector<16xf32>, vector<16xi32>)
            %lt3A_1155 = arith.cmpf olt, %masked_sort3A_1153, %masked_sort3A_1145 : vector<16xf32>
            %select_n3A_1156 = arith.select %lt3A_1155, %masked_sort3A_1153, %masked_sort3A_1145 : vector<16xi1>, vector<16xf32>
            %select_n3A_1157 = arith.select %lt3A_1155, %masked_sort3A_1154, %masked_sort3A_1146 : vector<16xi1>, vector<16xi32>
            %masked_sort3A_1158 = arith.constant dense<true> : vector<16xi1>
            %masked_sort3A_1159, %masked_sort3A_1160, %masked_sort3A_1161 = tpu.sort %select_n3A_1156, %select_n3A_1157 masked %masked_sort3A_1158 {descending = true} : (vector<16xf32>, vector<16xi32>, vector<16xi1>) -> (vector<16xi1>, vector<16xf32>, vector<16xi32>)
            %add3A_1162 = arith.constant 240 : i32
            %add3A_1163 = arith.addi %mul3A_556, %add3A_1162 : i32
            %add3A_1164 = vector.broadcast %add3A_1163 : i32 to vector<16xi32>
            %add3A_1165 = arith.addi %iota3A, %add3A_1164 : vector<16xi32>
            %masked_sort3A_1166 = arith.constant dense<true> : vector<16xi1>
            %masked_sort3A_1167, %masked_sort3A_1168, %masked_sort3A_1169 = tpu.sort %add3A_892, %add3A_1165 masked %masked_sort3A_1166 : (vector<16xf32>, vector<16xi32>, vector<16xi1>) -> (vector<16xi1>, vector<16xf32>, vector<16xi32>)
            %lt3A_1170 = arith.cmpf olt, %masked_sort3A_1168, %masked_sort3A_1160 : vector<16xf32>
            %select_n3A_1171 = arith.select %lt3A_1170, %masked_sort3A_1168, %masked_sort3A_1160 : vector<16xi1>, vector<16xf32>
            %select_n3A_1172 = arith.select %lt3A_1170, %masked_sort3A_1169, %masked_sort3A_1161 : vector<16xi1>, vector<16xi32>
            %masked_sort3A_1173 = arith.constant dense<true> : vector<16xi1>
            %masked_sort3A_1174, %masked_sort3A_1175, %masked_sort3A_1176 = tpu.sort %select_n3A_1171, %select_n3A_1172 masked %masked_sort3A_1173 {descending = true} : (vector<16xf32>, vector<16xi32>, vector<16xi1>) -> (vector<16xi1>, vector<16xf32>, vector<16xi32>)
            %swap3A_1177 = arith.constant 0 : index
            %swap3A_1178 = tpu.vector_load %arg23[%swap3A_1177] {strides = array<i32>} : memref<16xf32, #tpu.memory_space<vmem>>, vector<16xf32>,
            tpu.vector_store %arg23[%swap3A_1177], %masked_sort3A_1175 {strides = array<i32>} : memref<16xf32, #tpu.memory_space<vmem>>, vector<16xf32>,
            %swap3A_1179 = arith.constant 0 : index
            %swap3A_1180 = tpu.vector_load %arg24[%swap3A_1179] {strides = array<i32>} : memref<16xi32, #tpu.memory_space<vmem>>, vector<16xi32>,
            tpu.vector_store %arg24[%swap3A_1179], %masked_sort3A_1176 {strides = array<i32>} : memref<16xi32, #tpu.memory_space<vmem>>, vector<16xi32>,
            %reduce_max3A_1181 = arith.constant true
            %reduce_max3A_1182 = vector.broadcast %reduce_max3A_1181 : i1 to vector<16xi1>
            %reduce_max3A_1183 = tpu.scan <max>, %masked_sort3A_1175 masked %reduce_max3A_1182 : vector<16xf32>, vector<16xi1> -> vector<16xf32>
            %reduce_max3A_1184 = vector.extract %reduce_max3A_1183[15] : f32 from vector<16xf32>
            %swap3A_1185 = arith.constant 0 : i32
            %swap3A_1186 = arith.index_cast %swap3A_1185 : i32 to index
            %swap3A_1187 = memref.load %arg25[%swap3A_1186] : memref<1xf32, #tpu.memory_space<smem>>
            memref.store %reduce_max3A_1184, %arg25[%swap3A_1186] : memref<1xf32, #tpu.memory_space<smem>>
          }
        }
        %scan3A_138 = arith.constant 64 : i32
        %get3A_139 = arith.constant 0 : index
        %get3A_140 = tpu.vector_load %arg24[%get3A_139] {strides = array<i32>} : memref<16xi32, #tpu.memory_space<vmem>>, vector<16xi32>,
        %dma_start3A_141 = arith.constant 0 : i32
        %dma_start3A_142 = arith.constant 0 : i32
        %dma_start3A_143 = tpu.memref_slice %arg7[%dma_start3A_141, %dma_start3A_142] : memref<16384x64xf32, #tpu.memory_space<hbm>> -> memref<16384x64xf32, #tpu.memory_space<hbm>>
        tpu.enqueue_indirect_dma source(%dma_start3A_143 : memref<16384x64xf32, #tpu.memory_space<hbm>>) target(%arg17 : memref<16x64xf32, #tpu.memory_space<vmem>>) offsets(%get3A_140 : vector<16xi32>) semaphore(%arg26 : memref<!tpu.dma_semaphore, #tpu.memory_space<semaphore_mem>>)
        %dma_wait3A_144 = arith.constant 0 : i32
        %dma_wait3A_145 = arith.constant 0 : i32
        %dma_wait3A_146 = tpu.memref_slice %arg7[%dma_wait3A_144, %dma_wait3A_145] : memref<16384x64xf32, #tpu.memory_space<hbm>> -> memref<16384x64xf32, #tpu.memory_space<hbm>>
        tpu.wait_indirect_dma semaphore(%arg26 : memref<!tpu.dma_semaphore, #tpu.memory_space<semaphore_mem>>) src(%dma_wait3A_146 : memref<16384x64xf32, #tpu.memory_space<hbm>>) dst(%arg17 : memref<16x64xf32, #tpu.memory_space<vmem>>)
        %mul3A_147 = arith.constant 1024 : i32
        %mul3A_148 = arith.muli %scan3A_16, %mul3A_147 : i32
        %mul3A_149 = arith.constant 64 : i32
        %mul3A_150 = arith.muli %scan3A_70, %mul3A_149 : i32
        %add3A_151 = arith.addi %mul3A_148, %mul3A_150 : i32
        %get3A_152 = arith.constant 0 : i32
        %get3A_153 = arith.index_cast %get3A_152 : i32 to index
        %get3A_154 = arith.constant 0 : index
        %get3A_155 = tpu.vector_load %arg17[%get3A_153, %get3A_154] {strides = array<i32>} : memref<16x64xf32, #tpu.memory_space<vmem>>, vector<16xf32>,
        %get3A_156 = arith.constant 1 : i32
        %get3A_157 = arith.index_cast %get3A_156 : i32 to index
        %get3A_158 = arith.constant 0 : index
        %get3A_159 = tpu.vector_load %arg17[%get3A_157, %get3A_158] {strides = array<i32>} : memref<16x64xf32, #tpu.memory_space<vmem>>, vector<16xf32>,
        %max3A = arith.maximumf %get3A_155, %get3A_159 : vector<16xf32>
        %get3A_160 = arith.constant 2 : i32
        %get3A_161 = arith.index_cast %get3A_160 : i32 to index
        %get3A_162 = arith.constant 0 : index
        %get3A_163 = tpu.vector_load %arg17[%get3A_161, %get3A_162] {strides = array<i32>} : memref<16x64xf32, #tpu.memory_space<vmem>>, vector<16xf32>,
        %max3A_164 = arith.maximumf %max3A, %get3A_163 : vector<16xf32>
        %get3A_165 = arith.constant 3 : i32
        %get3A_166 = arith.index_cast %get3A_165 : i32 to index
        %get3A_167 = arith.constant 0 : index
        %get3A_168 = tpu.vector_load %arg17[%get3A_166, %get3A_167] {strides = array<i32>} : memref<16x64xf32, #tpu.memory_space<vmem>>, vector<16xf32>,
        %max3A_169 = arith.maximumf %max3A_164, %get3A_168 : vector<16xf32>
        %get3A_170 = arith.constant 4 : i32
        %get3A_171 = arith.index_cast %get3A_170 : i32 to index
        %get3A_172 = arith.constant 0 : index
        %get3A_173 = tpu.vector_load %arg17[%get3A_171, %get3A_172] {strides = array<i32>} : memref<16x64xf32, #tpu.memory_space<vmem>>, vector<16xf32>,
        %max3A_174 = arith.maximumf %max3A_169, %get3A_173 : vector<16xf32>
        %get3A_175 = arith.constant 5 : i32
        %get3A_176 = arith.index_cast %get3A_175 : i32 to index
        %get3A_177 = arith.constant 0 : index
        %get3A_178 = tpu.vector_load %arg17[%get3A_176, %get3A_177] {strides = array<i32>} : memref<16x64xf32, #tpu.memory_space<vmem>>, vector<16xf32>,
        %max3A_179 = arith.maximumf %max3A_174, %get3A_178 : vector<16xf32>
        %get3A_180 = arith.constant 6 : i32
        %get3A_181 = arith.index_cast %get3A_180 : i32 to index
        %get3A_182 = arith.constant 0 : index
        %get3A_183 = tpu.vector_load %arg17[%get3A_181, %get3A_182] {strides = array<i32>} : memref<16x64xf32, #tpu.memory_space<vmem>>, vector<16xf32>,
        %max3A_184 = arith.maximumf %max3A_179, %get3A_183 : vector<16xf32>
        %get3A_185 = arith.constant 7 : i32
        %get3A_186 = arith.index_cast %get3A_185 : i32 to index
        %get3A_187 = arith.constant 0 : index
        %get3A_188 = tpu.vector_load %arg17[%get3A_186, %get3A_187] {strides = array<i32>} : memref<16x64xf32, #tpu.memory_space<vmem>>, vector<16xf32>,
        %max3A_189 = arith.maximumf %max3A_184, %get3A_188 : vector<16xf32>
        %get3A_190 = arith.constant 8 : i32
        %get3A_191 = arith.index_cast %get3A_190 : i32 to index
        %get3A_192 = arith.constant 0 : index
        %get3A_193 = tpu.vector_load %arg17[%get3A_191, %get3A_192] {strides = array<i32>} : memref<16x64xf32, #tpu.memory_space<vmem>>, vector<16xf32>,
        %max3A_194 = arith.maximumf %max3A_189, %get3A_193 : vector<16xf32>
        %get3A_195 = arith.constant 9 : i32
        %get3A_196 = arith.index_cast %get3A_195 : i32 to index
        %get3A_197 = arith.constant 0 : index
        %get3A_198 = tpu.vector_load %arg17[%get3A_196, %get3A_197] {strides = array<i32>} : memref<16x64xf32, #tpu.memory_space<vmem>>, vector<16xf32>,
        %max3A_199 = arith.maximumf %max3A_194, %get3A_198 : vector<16xf32>
        %get3A_200 = arith.constant 10 : i32
        %get3A_201 = arith.index_cast %get3A_200 : i32 to index
        %get3A_202 = arith.constant 0 : index
        %get3A_203 = tpu.vector_load %arg17[%get3A_201, %get3A_202] {strides = array<i32>} : memref<16x64xf32, #tpu.memory_space<vmem>>, vector<16xf32>,
        %max3A_204 = arith.maximumf %max3A_199, %get3A_203 : vector<16xf32>
        %get3A_205 = arith.constant 11 : i32
        %get3A_206 = arith.index_cast %get3A_205 : i32 to index
        %get3A_207 = arith.constant 0 : index
        %get3A_208 = tpu.vector_load %arg17[%get3A_206, %get3A_207] {strides = array<i32>} : memref<16x64xf32, #tpu.memory_space<vmem>>, vector<16xf32>,
        %max3A_209 = arith.maximumf %max3A_204, %get3A_208 : vector<16xf32>
        %get3A_210 = arith.constant 12 : i32
        %get3A_211 = arith.index_cast %get3A_210 : i32 to index
        %get3A_212 = arith.constant 0 : index
        %get3A_213 = tpu.vector_load %arg17[%get3A_211, %get3A_212] {strides = array<i32>} : memref<16x64xf32, #tpu.memory_space<vmem>>, vector<16xf32>,
        %max3A_214 = arith.maximumf %max3A_209, %get3A_213 : vector<16xf32>
        %get3A_215 = arith.constant 13 : i32
        %get3A_216 = arith.index_cast %get3A_215 : i32 to index
        %get3A_217 = arith.constant 0 : index
        %get3A_218 = tpu.vector_load %arg17[%get3A_216, %get3A_217] {strides = array<i32>} : memref<16x64xf32, #tpu.memory_space<vmem>>, vector<16xf32>,
        %max3A_219 = arith.maximumf %max3A_214, %get3A_218 : vector<16xf32>
        %get3A_220 = arith.constant 14 : i32
        %get3A_221 = arith.index_cast %get3A_220 : i32 to index
        %get3A_222 = arith.constant 0 : index
        %get3A_223 = tpu.vector_load %arg17[%get3A_221, %get3A_222] {strides = array<i32>} : memref<16x64xf32, #tpu.memory_space<vmem>>, vector<16xf32>,
        %max3A_224 = arith.maximumf %max3A_219, %get3A_223 : vector<16xf32>
        %get3A_225 = arith.constant 15 : i32
        %get3A_226 = arith.index_cast %get3A_225 : i32 to index
        %get3A_227 = arith.constant 0 : index
        %get3A_228 = tpu.vector_load %arg17[%get3A_226, %get3A_227] {strides = array<i32>} : memref<16x64xf32, #tpu.memory_space<vmem>>, vector<16xf32>,
        %max3A_229 = arith.maximumf %max3A_224, %get3A_228 : vector<16xf32>
        %get3A_230 = arith.constant 0 : index
        %get3A_231 = tpu.vector_load %arg16[%get3A_230] {strides = array<i32>} : memref<192xf32, #tpu.memory_space<vmem>>, vector<16xf32>,
        %get3A_232 = arith.constant 64 : index
        %get3A_233 = tpu.vector_load %arg16[%get3A_232] {strides = array<i32>} : memref<192xf32, #tpu.memory_space<vmem>>, vector<16xf32>,
        %get3A_234 = arith.constant 128 : index
        %get3A_235 = tpu.vector_load %arg16[%get3A_234] {strides = array<i32>} : memref<192xf32, #tpu.memory_space<vmem>>, vector<16xf32>,
        %mul3A_236 = vector.broadcast %reduce_max3A_74 : f32 to vector<16xf32>
        %mul3A_237 = arith.mulf %mul3A_236, %get3A_231 : vector<16xf32>
        %mul3A_238 = vector.broadcast %reduce_max3A_81 : f32 to vector<16xf32>
        %mul3A_239 = arith.mulf %mul3A_238, %get3A_233 : vector<16xf32>
        %add3A_240 = arith.addf %mul3A_237, %mul3A_239 : vector<16xf32>
        %mul3A_241 = vector.broadcast %reduce_max3A_88 : f32 to vector<16xf32>
        %mul3A_242 = arith.mulf %mul3A_241, %get3A_235 : vector<16xf32>
        %add3A_243 = arith.addf %add3A_240, %mul3A_242 : vector<16xf32>
        %sub3A = arith.subf %max3A_229, %add3A_243 : vector<16xf32>
        %max3A_244 = arith.constant 0.000000e+00 : f32
        %max3A_245 = vector.broadcast %max3A_244 : f32 to vector<16xf32>
        %max3A_246 = arith.maximumf %sub3A, %max3A_245 : vector<16xf32>
        %add3A_247 = arith.constant 0 : i32
        %add3A_248 = arith.addi %add3A_151, %add3A_247 : i32
        %swap3A_249 = arith.index_cast %add3A_248 : i32 to index
        %swap3A_250 = tpu.vector_load %arg18[%swap3A_249] {strides = array<i32>} : memref<8192xf32, #tpu.memory_space<vmem>>, vector<16xf32>,
        tpu.vector_store %arg18[%swap3A_249], %max3A_246 {strides = array<i32>} : memref<8192xf32, #tpu.memory_space<vmem>>, vector<16xf32>,
        %get3A_251 = arith.constant 0 : i32
        %get3A_252 = arith.index_cast %get3A_251 : i32 to index
        %get3A_253 = arith.constant 16 : index
        %get3A_254 = tpu.vector_load %arg17[%get3A_252, %get3A_253] {strides = array<i32>} : memref<16x64xf32, #tpu.memory_space<vmem>>, vector<16xf32>,
        %get3A_255 = arith.constant 1 : i32
        %get3A_256 = arith.index_cast %get3A_255 : i32 to index
        %get3A_257 = arith.constant 16 : index
        %get3A_258 = tpu.vector_load %arg17[%get3A_256, %get3A_257] {strides = array<i32>} : memref<16x64xf32, #tpu.memory_space<vmem>>, vector<16xf32>,
        %max3A_259 = arith.maximumf %get3A_254, %get3A_258 : vector<16xf32>
        %get3A_260 = arith.constant 2 : i32
        %get3A_261 = arith.index_cast %get3A_260 : i32 to index
        %get3A_262 = arith.constant 16 : index
        %get3A_263 = tpu.vector_load %arg17[%get3A_261, %get3A_262] {strides = array<i32>} : memref<16x64xf32, #tpu.memory_space<vmem>>, vector<16xf32>,
        %max3A_264 = arith.maximumf %max3A_259, %get3A_263 : vector<16xf32>
        %get3A_265 = arith.constant 3 : i32
        %get3A_266 = arith.index_cast %get3A_265 : i32 to index
        %get3A_267 = arith.constant 16 : index
        %get3A_268 = tpu.vector_load %arg17[%get3A_266, %get3A_267] {strides = array<i32>} : memref<16x64xf32, #tpu.memory_space<vmem>>, vector<16xf32>,
        %max3A_269 = arith.maximumf %max3A_264, %get3A_268 : vector<16xf32>
        %get3A_270 = arith.constant 4 : i32
        %get3A_271 = arith.index_cast %get3A_270 : i32 to index
        %get3A_272 = arith.constant 16 : index
        %get3A_273 = tpu.vector_load %arg17[%get3A_271, %get3A_272] {strides = array<i32>} : memref<16x64xf32, #tpu.memory_space<vmem>>, vector<16xf32>,
        %max3A_274 = arith.maximumf %max3A_269, %get3A_273 : vector<16xf32>
        %get3A_275 = arith.constant 5 : i32
        %get3A_276 = arith.index_cast %get3A_275 : i32 to index
        %get3A_277 = arith.constant 16 : index
        %get3A_278 = tpu.vector_load %arg17[%get3A_276, %get3A_277] {strides = array<i32>} : memref<16x64xf32, #tpu.memory_space<vmem>>, vector<16xf32>,
        %max3A_279 = arith.maximumf %max3A_274, %get3A_278 : vector<16xf32>
        %get3A_280 = arith.constant 6 : i32
        %get3A_281 = arith.index_cast %get3A_280 : i32 to index
        %get3A_282 = arith.constant 16 : index
        %get3A_283 = tpu.vector_load %arg17[%get3A_281, %get3A_282] {strides = array<i32>} : memref<16x64xf32, #tpu.memory_space<vmem>>, vector<16xf32>,
        %max3A_284 = arith.maximumf %max3A_279, %get3A_283 : vector<16xf32>
        %get3A_285 = arith.constant 7 : i32
        %get3A_286 = arith.index_cast %get3A_285 : i32 to index
        %get3A_287 = arith.constant 16 : index
        %get3A_288 = tpu.vector_load %arg17[%get3A_286, %get3A_287] {strides = array<i32>} : memref<16x64xf32, #tpu.memory_space<vmem>>, vector<16xf32>,
        %max3A_289 = arith.maximumf %max3A_284, %get3A_288 : vector<16xf32>
        %get3A_290 = arith.constant 8 : i32
        %get3A_291 = arith.index_cast %get3A_290 : i32 to index
        %get3A_292 = arith.constant 16 : index
        %get3A_293 = tpu.vector_load %arg17[%get3A_291, %get3A_292] {strides = array<i32>} : memref<16x64xf32, #tpu.memory_space<vmem>>, vector<16xf32>,
        %max3A_294 = arith.maximumf %max3A_289, %get3A_293 : vector<16xf32>
        %get3A_295 = arith.constant 9 : i32
        %get3A_296 = arith.index_cast %get3A_295 : i32 to index
        %get3A_297 = arith.constant 16 : index
        %get3A_298 = tpu.vector_load %arg17[%get3A_296, %get3A_297] {strides = array<i32>} : memref<16x64xf32, #tpu.memory_space<vmem>>, vector<16xf32>,
        %max3A_299 = arith.maximumf %max3A_294, %get3A_298 : vector<16xf32>
        %get3A_300 = arith.constant 10 : i32
        %get3A_301 = arith.index_cast %get3A_300 : i32 to index
        %get3A_302 = arith.constant 16 : index
        %get3A_303 = tpu.vector_load %arg17[%get3A_301, %get3A_302] {strides = array<i32>} : memref<16x64xf32, #tpu.memory_space<vmem>>, vector<16xf32>,
        %max3A_304 = arith.maximumf %max3A_299, %get3A_303 : vector<16xf32>
        %get3A_305 = arith.constant 11 : i32
        %get3A_306 = arith.index_cast %get3A_305 : i32 to index
        %get3A_307 = arith.constant 16 : index
        %get3A_308 = tpu.vector_load %arg17[%get3A_306, %get3A_307] {strides = array<i32>} : memref<16x64xf32, #tpu.memory_space<vmem>>, vector<16xf32>,
        %max3A_309 = arith.maximumf %max3A_304, %get3A_308 : vector<16xf32>
        %get3A_310 = arith.constant 12 : i32
        %get3A_311 = arith.index_cast %get3A_310 : i32 to index
        %get3A_312 = arith.constant 16 : index
        %get3A_313 = tpu.vector_load %arg17[%get3A_311, %get3A_312] {strides = array<i32>} : memref<16x64xf32, #tpu.memory_space<vmem>>, vector<16xf32>,
        %max3A_314 = arith.maximumf %max3A_309, %get3A_313 : vector<16xf32>
        %get3A_315 = arith.constant 13 : i32
        %get3A_316 = arith.index_cast %get3A_315 : i32 to index
        %get3A_317 = arith.constant 16 : index
        %get3A_318 = tpu.vector_load %arg17[%get3A_316, %get3A_317] {strides = array<i32>} : memref<16x64xf32, #tpu.memory_space<vmem>>, vector<16xf32>,
        %max3A_319 = arith.maximumf %max3A_314, %get3A_318 : vector<16xf32>
        %get3A_320 = arith.constant 14 : i32
        %get3A_321 = arith.index_cast %get3A_320 : i32 to index
        %get3A_322 = arith.constant 16 : index
        %get3A_323 = tpu.vector_load %arg17[%get3A_321, %get3A_322] {strides = array<i32>} : memref<16x64xf32, #tpu.memory_space<vmem>>, vector<16xf32>,
        %max3A_324 = arith.maximumf %max3A_319, %get3A_323 : vector<16xf32>
        %get3A_325 = arith.constant 15 : i32
        %get3A_326 = arith.index_cast %get3A_325 : i32 to index
        %get3A_327 = arith.constant 16 : index
        %get3A_328 = tpu.vector_load %arg17[%get3A_326, %get3A_327] {strides = array<i32>} : memref<16x64xf32, #tpu.memory_space<vmem>>, vector<16xf32>,
        %max3A_329 = arith.maximumf %max3A_324, %get3A_328 : vector<16xf32>
        %get3A_330 = arith.constant 16 : index
        %get3A_331 = tpu.vector_load %arg16[%get3A_330] {strides = array<i32>} : memref<192xf32, #tpu.memory_space<vmem>>, vector<16xf32>,
        %get3A_332 = arith.constant 80 : index
        %get3A_333 = tpu.vector_load %arg16[%get3A_332] {strides = array<i32>} : memref<192xf32, #tpu.memory_space<vmem>>, vector<16xf32>,
        %get3A_334 = arith.constant 144 : index
        %get3A_335 = tpu.vector_load %arg16[%get3A_334] {strides = array<i32>} : memref<192xf32, #tpu.memory_space<vmem>>, vector<16xf32>,
        %mul3A_336 = vector.broadcast %reduce_max3A_74 : f32 to vector<16xf32>
        %mul3A_337 = arith.mulf %mul3A_336, %get3A_331 : vector<16xf32>
        %mul3A_338 = vector.broadcast %reduce_max3A_81 : f32 to vector<16xf32>
        %mul3A_339 = arith.mulf %mul3A_338, %get3A_333 : vector<16xf32>
        %add3A_340 = arith.addf %mul3A_337, %mul3A_339 : vector<16xf32>
        %mul3A_341 = vector.broadcast %reduce_max3A_88 : f32 to vector<16xf32>
        %mul3A_342 = arith.mulf %mul3A_341, %get3A_335 : vector<16xf32>
        %add3A_343 = arith.addf %add3A_340, %mul3A_342 : vector<16xf32>
        %sub3A_344 = arith.subf %max3A_329, %add3A_343 : vector<16xf32>
        %max3A_345 = arith.constant 0.000000e+00 : f32
        %max3A_346 = vector.broadcast %max3A_345 : f32 to vector<16xf32>
        %max3A_347 = arith.maximumf %sub3A_344, %max3A_346 : vector<16xf32>
        %add3A_348 = arith.constant 16 : i32
        %add3A_349 = arith.addi %add3A_151, %add3A_348 : i32
        %swap3A_350 = arith.index_cast %add3A_349 : i32 to index
        %swap3A_351 = tpu.vector_load %arg18[%swap3A_350] {strides = array<i32>} : memref<8192xf32, #tpu.memory_space<vmem>>, vector<16xf32>,
        tpu.vector_store %arg18[%swap3A_350], %max3A_347 {strides = array<i32>} : memref<8192xf32, #tpu.memory_space<vmem>>, vector<16xf32>,
        %get3A_352 = arith.constant 0 : i32
        %get3A_353 = arith.index_cast %get3A_352 : i32 to index
        %get3A_354 = arith.constant 32 : index
        %get3A_355 = tpu.vector_load %arg17[%get3A_353, %get3A_354] {strides = array<i32>} : memref<16x64xf32, #tpu.memory_space<vmem>>, vector<16xf32>,
        %get3A_356 = arith.constant 1 : i32
        %get3A_357 = arith.index_cast %get3A_356 : i32 to index
        %get3A_358 = arith.constant 32 : index
        %get3A_359 = tpu.vector_load %arg17[%get3A_357, %get3A_358] {strides = array<i32>} : memref<16x64xf32, #tpu.memory_space<vmem>>, vector<16xf32>,
        %max3A_360 = arith.maximumf %get3A_355, %get3A_359 : vector<16xf32>
        %get3A_361 = arith.constant 2 : i32
        %get3A_362 = arith.index_cast %get3A_361 : i32 to index
        %get3A_363 = arith.constant 32 : index
        %get3A_364 = tpu.vector_load %arg17[%get3A_362, %get3A_363] {strides = array<i32>} : memref<16x64xf32, #tpu.memory_space<vmem>>, vector<16xf32>,
        %max3A_365 = arith.maximumf %max3A_360, %get3A_364 : vector<16xf32>
        %get3A_366 = arith.constant 3 : i32
        %get3A_367 = arith.index_cast %get3A_366 : i32 to index
        %get3A_368 = arith.constant 32 : index
        %get3A_369 = tpu.vector_load %arg17[%get3A_367, %get3A_368] {strides = array<i32>} : memref<16x64xf32, #tpu.memory_space<vmem>>, vector<16xf32>,
        %max3A_370 = arith.maximumf %max3A_365, %get3A_369 : vector<16xf32>
        %get3A_371 = arith.constant 4 : i32
        %get3A_372 = arith.index_cast %get3A_371 : i32 to index
        %get3A_373 = arith.constant 32 : index
        %get3A_374 = tpu.vector_load %arg17[%get3A_372, %get3A_373] {strides = array<i32>} : memref<16x64xf32, #tpu.memory_space<vmem>>, vector<16xf32>,
        %max3A_375 = arith.maximumf %max3A_370, %get3A_374 : vector<16xf32>
        %get3A_376 = arith.constant 5 : i32
        %get3A_377 = arith.index_cast %get3A_376 : i32 to index
        %get3A_378 = arith.constant 32 : index
        %get3A_379 = tpu.vector_load %arg17[%get3A_377, %get3A_378] {strides = array<i32>} : memref<16x64xf32, #tpu.memory_space<vmem>>, vector<16xf32>,
        %max3A_380 = arith.maximumf %max3A_375, %get3A_379 : vector<16xf32>
        %get3A_381 = arith.constant 6 : i32
        %get3A_382 = arith.index_cast %get3A_381 : i32 to index
        %get3A_383 = arith.constant 32 : index
        %get3A_384 = tpu.vector_load %arg17[%get3A_382, %get3A_383] {strides = array<i32>} : memref<16x64xf32, #tpu.memory_space<vmem>>, vector<16xf32>,
        %max3A_385 = arith.maximumf %max3A_380, %get3A_384 : vector<16xf32>
        %get3A_386 = arith.constant 7 : i32
        %get3A_387 = arith.index_cast %get3A_386 : i32 to index
        %get3A_388 = arith.constant 32 : index
        %get3A_389 = tpu.vector_load %arg17[%get3A_387, %get3A_388] {strides = array<i32>} : memref<16x64xf32, #tpu.memory_space<vmem>>, vector<16xf32>,
        %max3A_390 = arith.maximumf %max3A_385, %get3A_389 : vector<16xf32>
        %get3A_391 = arith.constant 8 : i32
        %get3A_392 = arith.index_cast %get3A_391 : i32 to index
        %get3A_393 = arith.constant 32 : index
        %get3A_394 = tpu.vector_load %arg17[%get3A_392, %get3A_393] {strides = array<i32>} : memref<16x64xf32, #tpu.memory_space<vmem>>, vector<16xf32>,
        %max3A_395 = arith.maximumf %max3A_390, %get3A_394 : vector<16xf32>
        %get3A_396 = arith.constant 9 : i32
        %get3A_397 = arith.index_cast %get3A_396 : i32 to index
        %get3A_398 = arith.constant 32 : index
        %get3A_399 = tpu.vector_load %arg17[%get3A_397, %get3A_398] {strides = array<i32>} : memref<16x64xf32, #tpu.memory_space<vmem>>, vector<16xf32>,
        %max3A_400 = arith.maximumf %max3A_395, %get3A_399 : vector<16xf32>
        %get3A_401 = arith.constant 10 : i32
        %get3A_402 = arith.index_cast %get3A_401 : i32 to index
        %get3A_403 = arith.constant 32 : index
        %get3A_404 = tpu.vector_load %arg17[%get3A_402, %get3A_403] {strides = array<i32>} : memref<16x64xf32, #tpu.memory_space<vmem>>, vector<16xf32>,
        %max3A_405 = arith.maximumf %max3A_400, %get3A_404 : vector<16xf32>
        %get3A_406 = arith.constant 11 : i32
        %get3A_407 = arith.index_cast %get3A_406 : i32 to index
        %get3A_408 = arith.constant 32 : index
        %get3A_409 = tpu.vector_load %arg17[%get3A_407, %get3A_408] {strides = array<i32>} : memref<16x64xf32, #tpu.memory_space<vmem>>, vector<16xf32>,
        %max3A_410 = arith.maximumf %max3A_405, %get3A_409 : vector<16xf32>
        %get3A_411 = arith.constant 12 : i32
        %get3A_412 = arith.index_cast %get3A_411 : i32 to index
        %get3A_413 = arith.constant 32 : index
        %get3A_414 = tpu.vector_load %arg17[%get3A_412, %get3A_413] {strides = array<i32>} : memref<16x64xf32, #tpu.memory_space<vmem>>, vector<16xf32>,
        %max3A_415 = arith.maximumf %max3A_410, %get3A_414 : vector<16xf32>
        %get3A_416 = arith.constant 13 : i32
        %get3A_417 = arith.index_cast %get3A_416 : i32 to index
        %get3A_418 = arith.constant 32 : index
        %get3A_419 = tpu.vector_load %arg17[%get3A_417, %get3A_418] {strides = array<i32>} : memref<16x64xf32, #tpu.memory_space<vmem>>, vector<16xf32>,
        %max3A_420 = arith.maximumf %max3A_415, %get3A_419 : vector<16xf32>
        %get3A_421 = arith.constant 14 : i32
        %get3A_422 = arith.index_cast %get3A_421 : i32 to index
        %get3A_423 = arith.constant 32 : index
        %get3A_424 = tpu.vector_load %arg17[%get3A_422, %get3A_423] {strides = array<i32>} : memref<16x64xf32, #tpu.memory_space<vmem>>, vector<16xf32>,
        %max3A_425 = arith.maximumf %max3A_420, %get3A_424 : vector<16xf32>
        %get3A_426 = arith.constant 15 : i32
        %get3A_427 = arith.index_cast %get3A_426 : i32 to index
        %get3A_428 = arith.constant 32 : index
        %get3A_429 = tpu.vector_load %arg17[%get3A_427, %get3A_428] {strides = array<i32>} : memref<16x64xf32, #tpu.memory_space<vmem>>, vector<16xf32>,
        %max3A_430 = arith.maximumf %max3A_425, %get3A_429 : vector<16xf32>
        %get3A_431 = arith.constant 32 : index
        %get3A_432 = tpu.vector_load %arg16[%get3A_431] {strides = array<i32>} : memref<192xf32, #tpu.memory_space<vmem>>, vector<16xf32>,
        %get3A_433 = arith.constant 96 : index
        %get3A_434 = tpu.vector_load %arg16[%get3A_433] {strides = array<i32>} : memref<192xf32, #tpu.memory_space<vmem>>, vector<16xf32>,
        %get3A_435 = arith.constant 160 : index
        %get3A_436 = tpu.vector_load %arg16[%get3A_435] {strides = array<i32>} : memref<192xf32, #tpu.memory_space<vmem>>, vector<16xf32>,
        %mul3A_437 = vector.broadcast %reduce_max3A_74 : f32 to vector<16xf32>
        %mul3A_438 = arith.mulf %mul3A_437, %get3A_432 : vector<16xf32>
        %mul3A_439 = vector.broadcast %reduce_max3A_81 : f32 to vector<16xf32>
        %mul3A_440 = arith.mulf %mul3A_439, %get3A_434 : vector<16xf32>
        %add3A_441 = arith.addf %mul3A_438, %mul3A_440 : vector<16xf32>
        %mul3A_442 = vector.broadcast %reduce_max3A_88 : f32 to vector<16xf32>
        %mul3A_443 = arith.mulf %mul3A_442, %get3A_436 : vector<16xf32>
        %add3A_444 = arith.addf %add3A_441, %mul3A_443 : vector<16xf32>
        %sub3A_445 = arith.subf %max3A_430, %add3A_444 : vector<16xf32>
        %max3A_446 = arith.constant 0.000000e+00 : f32
        %max3A_447 = vector.broadcast %max3A_446 : f32 to vector<16xf32>
        %max3A_448 = arith.maximumf %sub3A_445, %max3A_447 : vector<16xf32>
        %add3A_449 = arith.constant 32 : i32
        %add3A_450 = arith.addi %add3A_151, %add3A_449 : i32
        %swap3A_451 = arith.index_cast %add3A_450 : i32 to index
        %swap3A_452 = tpu.vector_load %arg18[%swap3A_451] {strides = array<i32>} : memref<8192xf32, #tpu.memory_space<vmem>>, vector<16xf32>,
        tpu.vector_store %arg18[%swap3A_451], %max3A_448 {strides = array<i32>} : memref<8192xf32, #tpu.memory_space<vmem>>, vector<16xf32>,
        %get3A_453 = arith.constant 0 : i32
        %get3A_454 = arith.index_cast %get3A_453 : i32 to index
        %get3A_455 = arith.constant 48 : index
        %get3A_456 = tpu.vector_load %arg17[%get3A_454, %get3A_455] {strides = array<i32>} : memref<16x64xf32, #tpu.memory_space<vmem>>, vector<16xf32>,
        %get3A_457 = arith.constant 1 : i32
        %get3A_458 = arith.index_cast %get3A_457 : i32 to index
        %get3A_459 = arith.constant 48 : index
        %get3A_460 = tpu.vector_load %arg17[%get3A_458, %get3A_459] {strides = array<i32>} : memref<16x64xf32, #tpu.memory_space<vmem>>, vector<16xf32>,
        %max3A_461 = arith.maximumf %get3A_456, %get3A_460 : vector<16xf32>
        %get3A_462 = arith.constant 2 : i32
        %get3A_463 = arith.index_cast %get3A_462 : i32 to index
        %get3A_464 = arith.constant 48 : index
        %get3A_465 = tpu.vector_load %arg17[%get3A_463, %get3A_464] {strides = array<i32>} : memref<16x64xf32, #tpu.memory_space<vmem>>, vector<16xf32>,
        %max3A_466 = arith.maximumf %max3A_461, %get3A_465 : vector<16xf32>
        %get3A_467 = arith.constant 3 : i32
        %get3A_468 = arith.index_cast %get3A_467 : i32 to index
        %get3A_469 = arith.constant 48 : index
        %get3A_470 = tpu.vector_load %arg17[%get3A_468, %get3A_469] {strides = array<i32>} : memref<16x64xf32, #tpu.memory_space<vmem>>, vector<16xf32>,
        %max3A_471 = arith.maximumf %max3A_466, %get3A_470 : vector<16xf32>
        %get3A_472 = arith.constant 4 : i32
        %get3A_473 = arith.index_cast %get3A_472 : i32 to index
        %get3A_474 = arith.constant 48 : index
        %get3A_475 = tpu.vector_load %arg17[%get3A_473, %get3A_474] {strides = array<i32>} : memref<16x64xf32, #tpu.memory_space<vmem>>, vector<16xf32>,
        %max3A_476 = arith.maximumf %max3A_471, %get3A_475 : vector<16xf32>
        %get3A_477 = arith.constant 5 : i32
        %get3A_478 = arith.index_cast %get3A_477 : i32 to index
        %get3A_479 = arith.constant 48 : index
        %get3A_480 = tpu.vector_load %arg17[%get3A_478, %get3A_479] {strides = array<i32>} : memref<16x64xf32, #tpu.memory_space<vmem>>, vector<16xf32>,
        %max3A_481 = arith.maximumf %max3A_476, %get3A_480 : vector<16xf32>
        %get3A_482 = arith.constant 6 : i32
        %get3A_483 = arith.index_cast %get3A_482 : i32 to index
        %get3A_484 = arith.constant 48 : index
        %get3A_485 = tpu.vector_load %arg17[%get3A_483, %get3A_484] {strides = array<i32>} : memref<16x64xf32, #tpu.memory_space<vmem>>, vector<16xf32>,
        %max3A_486 = arith.maximumf %max3A_481, %get3A_485 : vector<16xf32>
        %get3A_487 = arith.constant 7 : i32
        %get3A_488 = arith.index_cast %get3A_487 : i32 to index
        %get3A_489 = arith.constant 48 : index
        %get3A_490 = tpu.vector_load %arg17[%get3A_488, %get3A_489] {strides = array<i32>} : memref<16x64xf32, #tpu.memory_space<vmem>>, vector<16xf32>,
        %max3A_491 = arith.maximumf %max3A_486, %get3A_490 : vector<16xf32>
        %get3A_492 = arith.constant 8 : i32
        %get3A_493 = arith.index_cast %get3A_492 : i32 to index
        %get3A_494 = arith.constant 48 : index
        %get3A_495 = tpu.vector_load %arg17[%get3A_493, %get3A_494] {strides = array<i32>} : memref<16x64xf32, #tpu.memory_space<vmem>>, vector<16xf32>,
        %max3A_496 = arith.maximumf %max3A_491, %get3A_495 : vector<16xf32>
        %get3A_497 = arith.constant 9 : i32
        %get3A_498 = arith.index_cast %get3A_497 : i32 to index
        %get3A_499 = arith.constant 48 : index
        %get3A_500 = tpu.vector_load %arg17[%get3A_498, %get3A_499] {strides = array<i32>} : memref<16x64xf32, #tpu.memory_space<vmem>>, vector<16xf32>,
        %max3A_501 = arith.maximumf %max3A_496, %get3A_500 : vector<16xf32>
        %get3A_502 = arith.constant 10 : i32
        %get3A_503 = arith.index_cast %get3A_502 : i32 to index
        %get3A_504 = arith.constant 48 : index
        %get3A_505 = tpu.vector_load %arg17[%get3A_503, %get3A_504] {strides = array<i32>} : memref<16x64xf32, #tpu.memory_space<vmem>>, vector<16xf32>,
        %max3A_506 = arith.maximumf %max3A_501, %get3A_505 : vector<16xf32>
        %get3A_507 = arith.constant 11 : i32
        %get3A_508 = arith.index_cast %get3A_507 : i32 to index
        %get3A_509 = arith.constant 48 : index
        %get3A_510 = tpu.vector_load %arg17[%get3A_508, %get3A_509] {strides = array<i32>} : memref<16x64xf32, #tpu.memory_space<vmem>>, vector<16xf32>,
        %max3A_511 = arith.maximumf %max3A_506, %get3A_510 : vector<16xf32>
        %get3A_512 = arith.constant 12 : i32
        %get3A_513 = arith.index_cast %get3A_512 : i32 to index
        %get3A_514 = arith.constant 48 : index
        %get3A_515 = tpu.vector_load %arg17[%get3A_513, %get3A_514] {strides = array<i32>} : memref<16x64xf32, #tpu.memory_space<vmem>>, vector<16xf32>,
        %max3A_516 = arith.maximumf %max3A_511, %get3A_515 : vector<16xf32>
        %get3A_517 = arith.constant 13 : i32
        %get3A_518 = arith.index_cast %get3A_517 : i32 to index
        %get3A_519 = arith.constant 48 : index
        %get3A_520 = tpu.vector_load %arg17[%get3A_518, %get3A_519] {strides = array<i32>} : memref<16x64xf32, #tpu.memory_space<vmem>>, vector<16xf32>,
        %max3A_521 = arith.maximumf %max3A_516, %get3A_520 : vector<16xf32>
        %get3A_522 = arith.constant 14 : i32
        %get3A_523 = arith.index_cast %get3A_522 : i32 to index
        %get3A_524 = arith.constant 48 : index
        %get3A_525 = tpu.vector_load %arg17[%get3A_523, %get3A_524] {strides = array<i32>} : memref<16x64xf32, #tpu.memory_space<vmem>>, vector<16xf32>,
        %max3A_526 = arith.maximumf %max3A_521, %get3A_525 : vector<16xf32>
        %get3A_527 = arith.constant 15 : i32
        %get3A_528 = arith.index_cast %get3A_527 : i32 to index
        %get3A_529 = arith.constant 48 : index
        %get3A_530 = tpu.vector_load %arg17[%get3A_528, %get3A_529] {strides = array<i32>} : memref<16x64xf32, #tpu.memory_space<vmem>>, vector<16xf32>,
        %max3A_531 = arith.maximumf %max3A_526, %get3A_530 : vector<16xf32>
        %get3A_532 = arith.constant 48 : index
        %get3A_533 = tpu.vector_load %arg16[%get3A_532] {strides = array<i32>} : memref<192xf32, #tpu.memory_space<vmem>>, vector<16xf32>,
        %get3A_534 = arith.constant 112 : index
        %get3A_535 = tpu.vector_load %arg16[%get3A_534] {strides = array<i32>} : memref<192xf32, #tpu.memory_space<vmem>>, vector<16xf32>,
        %get3A_536 = arith.constant 176 : index
        %get3A_537 = tpu.vector_load %arg16[%get3A_536] {strides = array<i32>} : memref<192xf32, #tpu.memory_space<vmem>>, vector<16xf32>,
        %mul3A_538 = vector.broadcast %reduce_max3A_74 : f32 to vector<16xf32>
        %mul3A_539 = arith.mulf %mul3A_538, %get3A_533 : vector<16xf32>
        %mul3A_540 = vector.broadcast %reduce_max3A_81 : f32 to vector<16xf32>
        %mul3A_541 = arith.mulf %mul3A_540, %get3A_535 : vector<16xf32>
        %add3A_542 = arith.addf %mul3A_539, %mul3A_541 : vector<16xf32>
        %mul3A_543 = vector.broadcast %reduce_max3A_88 : f32 to vector<16xf32>
        %mul3A_544 = arith.mulf %mul3A_543, %get3A_537 : vector<16xf32>
        %add3A_545 = arith.addf %add3A_542, %mul3A_544 : vector<16xf32>
        %sub3A_546 = arith.subf %max3A_531, %add3A_545 : vector<16xf32>
        %max3A_547 = arith.constant 0.000000e+00 : f32
        %max3A_548 = vector.broadcast %max3A_547 : f32 to vector<16xf32>
        %max3A_549 = arith.maximumf %sub3A_546, %max3A_548 : vector<16xf32>
        %add3A_550 = arith.constant 48 : i32
        %add3A_551 = arith.addi %add3A_151, %add3A_550 : i32
        %swap3A_552 = arith.index_cast %add3A_551 : i32 to index
        %swap3A_553 = tpu.vector_load %arg18[%swap3A_552] {strides = array<i32>} : memref<8192xf32, #tpu.memory_space<vmem>>, vector<16xf32>,
        tpu.vector_store %arg18[%swap3A_552], %max3A_549 {strides = array<i32>} : memref<8192xf32, #tpu.memory_space<vmem>>, vector<16xf32>,
      }
      %scan3A_69 = arith.constant 16 : i32
    }
    %scan3A_7 = arith.constant 8 : i32
    %mul3A_8 = arith.constant 64 : i32
    %mul3A_9 = arith.muli %mul3A_2, %mul3A_8 : i32
    "tpu.region"() ({
      %run_scoped3A = tpu.sem_alloc : memref<!tpu.dma_semaphore, #tpu.memory_space<semaphore_mem>>
      %dma_start3A = tpu.memref_slice %arg9[%mul3A_9] : memref<262144xf32, #tpu.memory_space<hbm>> -> memref<8192xf32, #tpu.memory_space<hbm>>
      %dma_start3A_16 = tpu.memref_slice %arg9[%mul3A_9] : memref<262144xf32, #tpu.memory_space<hbm>> -> memref<8192xf32, #tpu.memory_space<hbm>>
      tpu.enqueue_dma source(%arg18 : memref<8192xf32, #tpu.memory_space<vmem>>) target(%dma_start3A_16 : memref<8192xf32, #tpu.memory_space<hbm>>) target_semaphore(%run_scoped3A : memref<!tpu.dma_semaphore, #tpu.memory_space<semaphore_mem>>)
      %dma_wait3A = tpu.memref_slice %arg9[%mul3A_9] : memref<262144xf32, #tpu.memory_space<hbm>> -> memref<8192xf32, #tpu.memory_space<hbm>>
      %dma_wait3A_17 = tpu.memref_slice %arg9[%mul3A_9] : memref<262144xf32, #tpu.memory_space<hbm>> -> memref<8192xf32, #tpu.memory_space<hbm>>
      tpu.wait_dma2 semaphore(%run_scoped3A : memref<!tpu.dma_semaphore, #tpu.memory_space<semaphore_mem>>) src(%arg18 : memref<8192xf32, #tpu.memory_space<vmem>>) dst(%dma_wait3A_17 : memref<8192xf32, #tpu.memory_space<hbm>>)
      tpu.yield
    }) : () -> ()
    %add3A_10 = arith.constant 0 : i32
    %add3A_11 = arith.addi %add3A_10, %mul3A_2 : i32
    "tpu.region"() ({
      %run_scoped3A = tpu.sem_alloc : memref<!tpu.dma_semaphore, #tpu.memory_space<semaphore_mem>>
      %dma_start3A = tpu.memref_slice %arg10[%add3A_11] : memref<12288xf32, #tpu.memory_space<hbm>> -> memref<128xf32, #tpu.memory_space<hbm>>
      %dma_start3A_16 = tpu.memref_slice %arg10[%add3A_11] : memref<12288xf32, #tpu.memory_space<hbm>> -> memref<128xf32, #tpu.memory_space<hbm>>
      tpu.enqueue_dma source(%arg19 : memref<128xf32, #tpu.memory_space<vmem>>) target(%dma_start3A_16 : memref<128xf32, #tpu.memory_space<hbm>>) target_semaphore(%run_scoped3A : memref<!tpu.dma_semaphore, #tpu.memory_space<semaphore_mem>>)
      %dma_wait3A = tpu.memref_slice %arg10[%add3A_11] : memref<12288xf32, #tpu.memory_space<hbm>> -> memref<128xf32, #tpu.memory_space<hbm>>
      %dma_wait3A_17 = tpu.memref_slice %arg10[%add3A_11] : memref<12288xf32, #tpu.memory_space<hbm>> -> memref<128xf32, #tpu.memory_space<hbm>>
      tpu.wait_dma2 semaphore(%run_scoped3A : memref<!tpu.dma_semaphore, #tpu.memory_space<semaphore_mem>>) src(%arg19 : memref<128xf32, #tpu.memory_space<vmem>>) dst(%dma_wait3A_17 : memref<128xf32, #tpu.memory_space<hbm>>)
      tpu.yield
    }) : () -> ()
    %add3A_12 = arith.constant 4096 : i32
    %add3A_13 = arith.addi %add3A_12, %mul3A_2 : i32
    "tpu.region"() ({
      %run_scoped3A = tpu.sem_alloc : memref<!tpu.dma_semaphore, #tpu.memory_space<semaphore_mem>>
      %dma_start3A = tpu.memref_slice %arg10[%add3A_13] : memref<12288xf32, #tpu.memory_space<hbm>> -> memref<128xf32, #tpu.memory_space<hbm>>
      %dma_start3A_16 = tpu.memref_slice %arg10[%add3A_13] : memref<12288xf32, #tpu.memory_space<hbm>> -> memref<128xf32, #tpu.memory_space<hbm>>
      tpu.enqueue_dma source(%arg20 : memref<128xf32, #tpu.memory_space<vmem>>) target(%dma_start3A_16 : memref<128xf32, #tpu.memory_space<hbm>>) target_semaphore(%run_scoped3A : memref<!tpu.dma_semaphore, #tpu.memory_space<semaphore_mem>>)
      %dma_wait3A = tpu.memref_slice %arg10[%add3A_13] : memref<12288xf32, #tpu.memory_space<hbm>> -> memref<128xf32, #tpu.memory_space<hbm>>
      %dma_wait3A_17 = tpu.memref_slice %arg10[%add3A_13] : memref<12288xf32, #tpu.memory_space<hbm>> -> memref<128xf32, #tpu.memory_space<hbm>>
      tpu.wait_dma2 semaphore(%run_scoped3A : memref<!tpu.dma_semaphore, #tpu.memory_space<semaphore_mem>>) src(%arg20 : memref<128xf32, #tpu.memory_space<vmem>>) dst(%dma_wait3A_17 : memref<128xf32, #tpu.memory_space<hbm>>)
      tpu.yield
    }) : () -> ()
    %add3A_14 = arith.constant 8192 : i32
    %add3A_15 = arith.addi %add3A_14, %mul3A_2 : i32
    "tpu.region"() ({
      %run_scoped3A = tpu.sem_alloc : memref<!tpu.dma_semaphore, #tpu.memory_space<semaphore_mem>>
      %dma_start3A = tpu.memref_slice %arg10[%add3A_15] : memref<12288xf32, #tpu.memory_space<hbm>> -> memref<128xf32, #tpu.memory_space<hbm>>
      %dma_start3A_16 = tpu.memref_slice %arg10[%add3A_15] : memref<12288xf32, #tpu.memory_space<hbm>> -> memref<128xf32, #tpu.memory_space<hbm>>
      tpu.enqueue_dma source(%arg21 : memref<128xf32, #tpu.memory_space<vmem>>) target(%dma_start3A_16 : memref<128xf32, #tpu.memory_space<hbm>>) target_semaphore(%run_scoped3A : memref<!tpu.dma_semaphore, #tpu.memory_space<semaphore_mem>>)
      %dma_wait3A = tpu.memref_slice %arg10[%add3A_15] : memref<12288xf32, #tpu.memory_space<hbm>> -> memref<128xf32, #tpu.memory_space<hbm>>
      %dma_wait3A_17 = tpu.memref_slice %arg10[%add3A_15] : memref<12288xf32, #tpu.memory_space<hbm>> -> memref<128xf32, #tpu.memory_space<hbm>>
      tpu.wait_dma2 semaphore(%run_scoped3A : memref<!tpu.dma_semaphore, #tpu.memory_space<semaphore_mem>>) src(%arg21 : memref<128xf32, #tpu.memory_space<vmem>>) dst(%dma_wait3A_17 : memref<128xf32, #tpu.memory_space<hbm>>)
      tpu.yield
    }) : () -> ()
    return
  }
}

module attributes {stable_mosaic.version = 14 : i64} {
  func.func @_prep_body(%arg0: i32, %arg1: memref<2048x32xf32, #tpu.memory_space<vmem>>, %arg2: memref<2048x3xf32, #tpu.memory_space<vmem>>, %arg3: memref<3x2048xf32, #tpu.memory_space<vmem>>, %arg4: memref<32x64xf32, #tpu.memory_space<vmem>>, %arg5: memref<3x64xf32, #tpu.memory_space<vmem>>, %arg6: memref<1x64xf32, #tpu.memory_space<vmem>>, %arg7: memref<2048x64xf32, #tpu.memory_space<vmem>>, %arg8: memref<4x2048xf32, #tpu.memory_space<vmem>>) attributes {dimension_semantics = [#tpu.dimension_semantics<arbitrary>], iteration_bounds = array<i64: 8>, scalar_prefetch = 0 : i64, scratch_operands = 0 : i64, tpu.core_type = #tpu.core_type<tc>, window_params = [{transform_indices = @transform_0, window_bounds = array<i64: 2048, 32>}, {transform_indices = @transform_1, window_bounds = array<i64: 2048, 3>}, {transform_indices = @transform_2, window_bounds = array<i64: 3, 2048>}, {pipeline_mode = #tpu.pipeline_mode<synchronous>, transform_indices = @transform_3, window_bounds = array<i64: 32, 64>}, {pipeline_mode = #tpu.pipeline_mode<synchronous>, transform_indices = @transform_4, window_bounds = array<i64: 3, 64>}, {pipeline_mode = #tpu.pipeline_mode<synchronous>, transform_indices = @transform_5, window_bounds = array<i64: 1, 64>}, {transform_indices = @transform_6, window_bounds = array<i64: 2048, 64>}, {transform_indices = @transform_7, window_bounds = array<i64: 4, 2048>}]} {
    %get3A = arith.constant 0 : index
    %get3A_0 = arith.constant 0 : index
    %get3A_1 = vector.load %arg1[%get3A, %get3A_0] : memref<2048x32xf32, #tpu.memory_space<vmem>>, vector<2048x32xf32>
    %convert_element_type3A = arith.truncf %get3A_1 : vector<2048x32xf32> to vector<2048x32xbf16>
    %get3A_2 = arith.constant 0 : index
    %get3A_3 = arith.constant 0 : index
    %get3A_4 = vector.load %arg4[%get3A_2, %get3A_3] : memref<32x64xf32, #tpu.memory_space<vmem>>, vector<32x64xf32>
    %convert_element_type3A_5 = arith.truncf %get3A_4 : vector<32x64xf32> to vector<32x64xbf16>
    %dot_general3A = arith.constant dense<0.000000e+00> : vector<2048x64xf32>
    %dot_general3A_6 = tpu.matmul %convert_element_type3A, %convert_element_type3A_5, %dot_general3A {dimension_numbers = #tpu.dot_dimension_numbers<[1], [0], [0], [1], [0, 0, 1, 1], [], []>, transpose_lhs_hint = false} : vector<2048x32xbf16>, vector<32x64xbf16>, vector<2048x64xf32> -> vector<2048x64xf32>
    %get3A_7 = arith.constant 0 : index
    %get3A_8 = arith.constant 0 : index
    %get3A_9 = vector.load %arg2[%get3A_7, %get3A_8] : memref<2048x3xf32, #tpu.memory_space<vmem>>, vector<2048x1xf32>
    %get3A_10 = arith.constant 0 : index
    %get3A_11 = arith.constant 1 : index
    %get3A_12 = vector.load %arg2[%get3A_10, %get3A_11] : memref<2048x3xf32, #tpu.memory_space<vmem>>, vector<2048x1xf32>
    %get3A_13 = arith.constant 0 : index
    %get3A_14 = arith.constant 2 : index
    %get3A_15 = vector.load %arg2[%get3A_13, %get3A_14] : memref<2048x3xf32, #tpu.memory_space<vmem>>, vector<2048x1xf32>
    %get3A_16 = arith.constant 0 : index
    %get3A_17 = arith.constant 0 : index
    %get3A_18 = vector.load %arg5[%get3A_16, %get3A_17] : memref<3x64xf32, #tpu.memory_space<vmem>>, vector<1x64xf32>
    %mul3A = vector.broadcast %get3A_9 : vector<2048x1xf32> to vector<2048x64xf32>
    %mul3A_19 = vector.broadcast %get3A_18 : vector<1x64xf32> to vector<2048x64xf32>
    %mul3A_20 = arith.mulf %mul3A, %mul3A_19 : vector<2048x64xf32>
    %get3A_21 = arith.constant 1 : index
    %get3A_22 = arith.constant 0 : index
    %get3A_23 = vector.load %arg5[%get3A_21, %get3A_22] : memref<3x64xf32, #tpu.memory_space<vmem>>, vector<1x64xf32>
    %mul3A_24 = vector.broadcast %get3A_12 : vector<2048x1xf32> to vector<2048x64xf32>
    %mul3A_25 = vector.broadcast %get3A_23 : vector<1x64xf32> to vector<2048x64xf32>
    %mul3A_26 = arith.mulf %mul3A_24, %mul3A_25 : vector<2048x64xf32>
    %add3A = arith.addf %mul3A_20, %mul3A_26 : vector<2048x64xf32>
    %get3A_27 = arith.constant 2 : index
    %get3A_28 = arith.constant 0 : index
    %get3A_29 = vector.load %arg5[%get3A_27, %get3A_28] : memref<3x64xf32, #tpu.memory_space<vmem>>, vector<1x64xf32>
    %mul3A_30 = vector.broadcast %get3A_15 : vector<2048x1xf32> to vector<2048x64xf32>
    %mul3A_31 = vector.broadcast %get3A_29 : vector<1x64xf32> to vector<2048x64xf32>
    %mul3A_32 = arith.mulf %mul3A_30, %mul3A_31 : vector<2048x64xf32>
    %add3A_33 = arith.addf %add3A, %mul3A_32 : vector<2048x64xf32>
    %add3A_34 = arith.addf %dot_general3A_6, %add3A_33 : vector<2048x64xf32>
    %get3A_35 = arith.constant 0 : index
    %get3A_36 = arith.constant 0 : index
    %get3A_37 = vector.load %arg6[%get3A_35, %get3A_36] : memref<1x64xf32, #tpu.memory_space<vmem>>, vector<1x64xf32>
    %add3A_38 = vector.broadcast %get3A_37 : vector<1x64xf32> to vector<2048x64xf32>
    %add3A_39 = arith.addf %add3A_34, %add3A_38 : vector<2048x64xf32>
    %swap3A = arith.constant 0 : index
    %swap3A_40 = arith.constant 0 : index
    %swap3A_41 = vector.load %arg7[%swap3A, %swap3A_40] : memref<2048x64xf32, #tpu.memory_space<vmem>>, vector<2048x64xf32>
    tpu.vector_store %arg7[%swap3A, %swap3A_40], %add3A_39 {strides = array<i32>} : memref<2048x64xf32, #tpu.memory_space<vmem>>, vector<2048x64xf32>,
    %get3A_42 = arith.constant 0 : index
    %get3A_43 = arith.constant 0 : index
    %get3A_44 = vector.load %arg3[%get3A_42, %get3A_43] : memref<3x2048xf32, #tpu.memory_space<vmem>>, vector<1x2048xf32>
    %get3A_45 = arith.constant 1 : index
    %get3A_46 = arith.constant 0 : index
    %get3A_47 = vector.load %arg3[%get3A_45, %get3A_46] : memref<3x2048xf32, #tpu.memory_space<vmem>>, vector<1x2048xf32>
    %get3A_48 = arith.constant 2 : index
    %get3A_49 = arith.constant 0 : index
    %get3A_50 = vector.load %arg3[%get3A_48, %get3A_49] : memref<3x2048xf32, #tpu.memory_space<vmem>>, vector<1x2048xf32>
    %convert_element_type3A_51 = arith.truncf %get3A_44 : vector<1x2048xf32> to vector<1x2048xbf16>
    %convert_element_type3A_52 = arith.extf %convert_element_type3A_51 : vector<1x2048xbf16> to vector<1x2048xf32>
    %swap3A_53 = arith.constant 0 : index
    %swap3A_54 = arith.constant 0 : index
    %swap3A_55 = vector.load %arg8[%swap3A_53, %swap3A_54] : memref<4x2048xf32, #tpu.memory_space<vmem>>, vector<1x2048xf32>
    tpu.vector_store %arg8[%swap3A_53, %swap3A_54], %convert_element_type3A_52 {strides = array<i32>} : memref<4x2048xf32, #tpu.memory_space<vmem>>, vector<1x2048xf32>,
    %convert_element_type3A_56 = arith.truncf %get3A_47 : vector<1x2048xf32> to vector<1x2048xbf16>
    %convert_element_type3A_57 = arith.extf %convert_element_type3A_56 : vector<1x2048xbf16> to vector<1x2048xf32>
    %swap3A_58 = arith.constant 1 : index
    %swap3A_59 = arith.constant 0 : index
    %swap3A_60 = vector.load %arg8[%swap3A_58, %swap3A_59] : memref<4x2048xf32, #tpu.memory_space<vmem>>, vector<1x2048xf32>
    tpu.vector_store %arg8[%swap3A_58, %swap3A_59], %convert_element_type3A_57 {strides = array<i32>} : memref<4x2048xf32, #tpu.memory_space<vmem>>, vector<1x2048xf32>,
    %convert_element_type3A_61 = arith.truncf %get3A_50 : vector<1x2048xf32> to vector<1x2048xbf16>
    %convert_element_type3A_62 = arith.extf %convert_element_type3A_61 : vector<1x2048xbf16> to vector<1x2048xf32>
    %swap3A_63 = arith.constant 2 : index
    %swap3A_64 = arith.constant 0 : index
    %swap3A_65 = vector.load %arg8[%swap3A_63, %swap3A_64] : memref<4x2048xf32, #tpu.memory_space<vmem>>, vector<1x2048xf32>
    tpu.vector_store %arg8[%swap3A_63, %swap3A_64], %convert_element_type3A_62 {strides = array<i32>} : memref<4x2048xf32, #tpu.memory_space<vmem>>, vector<1x2048xf32>,
    %mul3A_66 = arith.mulf %get3A_44, %get3A_44 : vector<1x2048xf32>
    %mul3A_67 = arith.mulf %get3A_47, %get3A_47 : vector<1x2048xf32>
    %add3A_68 = arith.addf %mul3A_66, %mul3A_67 : vector<1x2048xf32>
    %mul3A_69 = arith.mulf %get3A_50, %get3A_50 : vector<1x2048xf32>
    %add3A_70 = arith.addf %add3A_68, %mul3A_69 : vector<1x2048xf32>
    %swap3A_71 = arith.constant 3 : index
    %swap3A_72 = arith.constant 0 : index
    %swap3A_73 = vector.load %arg8[%swap3A_71, %swap3A_72] : memref<4x2048xf32, #tpu.memory_space<vmem>>, vector<1x2048xf32>
    tpu.vector_store %arg8[%swap3A_71, %swap3A_72], %add3A_70 {strides = array<i32>} : memref<4x2048xf32, #tpu.memory_space<vmem>>, vector<1x2048xf32>,
    return
  }
  func.func @transform_0(%arg0: i32) -> (i32, i32) {
    %c0_i32 = arith.constant 0 : i32
    %c0_i32_0 = arith.constant 0 : i32
    return %arg0, %c0_i32 : i32, i32
  }
  func.func @transform_1(%arg0: i32) -> (i32, i32) {
    %c0_i32 = arith.constant 0 : i32
    %c0_i32_0 = arith.constant 0 : i32
    return %arg0, %c0_i32 : i32, i32
  }
  func.func @transform_2(%arg0: i32) -> (i32, i32) {
    %c0_i32 = arith.constant 0 : i32
    %c0_i32_0 = arith.constant 0 : i32
    return %c0_i32, %arg0 : i32, i32
  }
  func.func @transform_3(%arg0: i32) -> (i32, i32) {
    %c0_i32 = arith.constant 0 : i32
    %c0_i32_0 = arith.constant 0 : i32
    %c0_i32_1 = arith.constant 0 : i32
    return %c0_i32, %c0_i32_0 : i32, i32
  }
  func.func @transform_4(%arg0: i32) -> (i32, i32) {
    %c0_i32 = arith.constant 0 : i32
    %c0_i32_0 = arith.constant 0 : i32
    %c0_i32_1 = arith.constant 0 : i32
    return %c0_i32, %c0_i32_0 : i32, i32
  }
  func.func @transform_5(%arg0: i32) -> (i32, i32) {
    %c0_i32 = arith.constant 0 : i32
    %c0_i32_0 = arith.constant 0 : i32
    %c0_i32_1 = arith.constant 0 : i32
    return %c0_i32, %c0_i32_0 : i32, i32
  }
  func.func @transform_6(%arg0: i32) -> (i32, i32) {
    %c0_i32 = arith.constant 0 : i32
    %c0_i32_0 = arith.constant 0 : i32
    return %arg0, %c0_i32 : i32, i32
  }
  func.func @transform_7(%arg0: i32) -> (i32, i32) {
    %c0_i32 = arith.constant 0 : i32
    %c0_i32_0 = arith.constant 0 : i32
    return %c0_i32, %arg0 : i32, i32
  }
}

module attributes {stable_mosaic.version = 14 : i64} {
  func.func @_fps_body(%arg0: memref<128x128xf32, #tpu.memory_space<vmem>>, %arg1: memref<128x128xf32, #tpu.memory_space<vmem>>, %arg2: memref<128x128xf32, #tpu.memory_space<vmem>>, %arg3: memref<4096xi32, #tpu.memory_space<smem>>, %arg4: memref<128x128xf32, #tpu.memory_space<vmem>>) attributes {dimension_semantics = [], scalar_prefetch = 0 : i64, scratch_operands = 1 : i64, tpu.core_type = #tpu.core_type<tc>} {
    %iota3A = tpu.iota {dimensions = array<i32: 1>} : vector<1x128xi32>
    %iota3A_0 = tpu.iota {dimensions = array<i32: 0>} : vector<128x128xi32>
    %iota3A_1 = tpu.iota {dimensions = array<i32: 1>} : vector<128x128xi32>
    %mul3A = arith.constant 128 : i32
    %mul3A_2 = vector.broadcast %mul3A : i32 to vector<128x128xi32>
    %mul3A_3 = arith.muli %iota3A_0, %mul3A_2 : vector<128x128xi32>
    %add3A = arith.addi %mul3A_3, %iota3A_1 : vector<128x128xi32>
    %swap3A = arith.constant 0 : i32
    %swap3A_4 = arith.constant 0 : index
    %swap3A_5 = memref.load %arg3[%swap3A_4] : memref<4096xi32, #tpu.memory_space<smem>>
    memref.store %swap3A, %arg3[%swap3A_4] : memref<4096xi32, #tpu.memory_space<smem>>
    %eq3A = arith.constant 0 : i32
    %eq3A_6 = vector.broadcast %eq3A : i32 to vector<1x128xi32>
    %eq3A_7 = arith.cmpi eq, %iota3A, %eq3A_6 : vector<1x128xi32>
    %get3A = arith.constant 0 : index
    %get3A_8 = arith.constant 0 : index
    %get3A_9 = vector.load %arg0[%get3A, %get3A_8] : memref<128x128xf32, #tpu.memory_space<vmem>>, vector<1x128xf32>
    %jit3A = arith.constant 3.000000e+38 : f32
    %broadcast_in_dim3A = vector.broadcast %jit3A : f32 to vector<1x128xf32>
    %select_n3A = arith.select %eq3A_7, %get3A_9, %broadcast_in_dim3A : vector<1x128xi1>, vector<1x128xf32>
    %get3A_10 = arith.constant 0 : index
    %get3A_11 = arith.constant 0 : index
    %get3A_12 = vector.load %arg1[%get3A_10, %get3A_11] : memref<128x128xf32, #tpu.memory_space<vmem>>, vector<1x128xf32>
    %jit3A_13 = arith.constant 3.000000e+38 : f32
    %broadcast_in_dim3A_14 = vector.broadcast %jit3A_13 : f32 to vector<1x128xf32>
    %select_n3A_15 = arith.select %eq3A_7, %get3A_12, %broadcast_in_dim3A_14 : vector<1x128xi1>, vector<1x128xf32>
    %get3A_16 = arith.constant 0 : index
    %get3A_17 = arith.constant 0 : index
    %get3A_18 = vector.load %arg2[%get3A_16, %get3A_17] : memref<128x128xf32, #tpu.memory_space<vmem>>, vector<1x128xf32>
    %jit3A_19 = arith.constant 3.000000e+38 : f32
    %broadcast_in_dim3A_20 = vector.broadcast %jit3A_19 : f32 to vector<1x128xf32>
    %select_n3A_21 = arith.select %eq3A_7, %get3A_18, %broadcast_in_dim3A_20 : vector<1x128xi1>, vector<1x128xf32>
    %reduce_min3A = arith.constant dense<0x7F800000> : vector<1xf32>
    %reduce_min3A_22 = vector.multi_reduction <minimumf>, %select_n3A, %reduce_min3A [1] : vector<1x128xf32> to vector<1xf32>
    %broadcast_in_dim3A_23 = vector.shape_cast %reduce_min3A_22 : vector<1xf32> to vector<1x1xf32>
    %reduce_min3A_24 = arith.constant dense<0x7F800000> : vector<1xf32>
    %reduce_min3A_25 = vector.multi_reduction <minimumf>, %select_n3A_15, %reduce_min3A_24 [1] : vector<1x128xf32> to vector<1xf32>
    %broadcast_in_dim3A_26 = vector.shape_cast %reduce_min3A_25 : vector<1xf32> to vector<1x1xf32>
    %reduce_min3A_27 = arith.constant dense<0x7F800000> : vector<1xf32>
    %reduce_min3A_28 = vector.multi_reduction <minimumf>, %select_n3A_21, %reduce_min3A_27 [1] : vector<1x128xf32> to vector<1xf32>
    %broadcast_in_dim3A_29 = vector.shape_cast %reduce_min3A_28 : vector<1xf32> to vector<1x1xf32>
    %broadcast_in_dim3A_30 = arith.constant 3.000000e+38 : f32
    %broadcast_in_dim3A_31 = vector.broadcast %broadcast_in_dim3A_30 : f32 to vector<128x128xf32>
    %swap3A_32 = arith.constant 0 : index
    %swap3A_33 = arith.constant 0 : index
    %swap3A_34 = vector.load %arg4[%swap3A_32, %swap3A_33] : memref<128x128xf32, #tpu.memory_space<vmem>>, vector<128x128xf32>
    tpu.vector_store %arg4[%swap3A_32, %swap3A_33], %broadcast_in_dim3A_31 {strides = array<i32>} : memref<128x128xf32, #tpu.memory_space<vmem>>, vector<128x128xf32>,
    %scan3A = arith.constant 1 : i32
    %scan3A_35 = arith.constant 4095 : i32
    %scan3A_36 = arith.addi %scan3A, %scan3A_35 : i32
    %scan3A_37 = arith.constant 1 : i32
    %scan3A_38:3 = scf.for %scan3A_40 = %scan3A to %scan3A_36 step %scan3A_37 iter_args(%scan3A_41 = %broadcast_in_dim3A_23, %scan3A_42 = %broadcast_in_dim3A_26, %scan3A_43 = %broadcast_in_dim3A_29) -> (vector<1x1xf32>, vector<1x1xf32>, vector<1x1xf32>)  : i32 {
      %get3A_44 = arith.constant 0 : index
      %get3A_45 = arith.constant 0 : index
      %get3A_46 = vector.load %arg0[%get3A_44, %get3A_45] : memref<128x128xf32, #tpu.memory_space<vmem>>, vector<128x128xf32>
      %sub3A = vector.broadcast %scan3A_41 : vector<1x1xf32> to vector<128x128xf32>
      %sub3A_47 = arith.subf %get3A_46, %sub3A : vector<128x128xf32>
      %get3A_48 = arith.constant 0 : index
      %get3A_49 = arith.constant 0 : index
      %get3A_50 = vector.load %arg1[%get3A_48, %get3A_49] : memref<128x128xf32, #tpu.memory_space<vmem>>, vector<128x128xf32>
      %sub3A_51 = vector.broadcast %scan3A_42 : vector<1x1xf32> to vector<128x128xf32>
      %sub3A_52 = arith.subf %get3A_50, %sub3A_51 : vector<128x128xf32>
      %get3A_53 = arith.constant 0 : index
      %get3A_54 = arith.constant 0 : index
      %get3A_55 = vector.load %arg2[%get3A_53, %get3A_54] : memref<128x128xf32, #tpu.memory_space<vmem>>, vector<128x128xf32>
      %sub3A_56 = vector.broadcast %scan3A_43 : vector<1x1xf32> to vector<128x128xf32>
      %sub3A_57 = arith.subf %get3A_55, %sub3A_56 : vector<128x128xf32>
      %get3A_58 = arith.constant 0 : index
      %get3A_59 = arith.constant 0 : index
      %get3A_60 = vector.load %arg4[%get3A_58, %get3A_59] : memref<128x128xf32, #tpu.memory_space<vmem>>, vector<128x128xf32>
      %mul3A_61 = arith.mulf %sub3A_47, %sub3A_47 : vector<128x128xf32>
      %mul3A_62 = arith.mulf %sub3A_52, %sub3A_52 : vector<128x128xf32>
      %add3A_63 = arith.addf %mul3A_61, %mul3A_62 : vector<128x128xf32>
      %mul3A_64 = arith.mulf %sub3A_57, %sub3A_57 : vector<128x128xf32>
      %add3A_65 = arith.addf %add3A_63, %mul3A_64 : vector<128x128xf32>
      %min3A = arith.minimumf %get3A_60, %add3A_65 : vector<128x128xf32>
      %swap3A_66 = arith.constant 0 : index
      %swap3A_67 = arith.constant 0 : index
      %swap3A_68 = vector.load %arg4[%swap3A_66, %swap3A_67] : memref<128x128xf32, #tpu.memory_space<vmem>>, vector<128x128xf32>
      tpu.vector_store %arg4[%swap3A_66, %swap3A_67], %min3A {strides = array<i32>} : memref<128x128xf32, #tpu.memory_space<vmem>>, vector<128x128xf32>,
      %reduce_max3A = arith.constant dense<0xFF800000> : vector<128xf32>
      %reduce_max3A_69 = vector.multi_reduction <maximumf>, %min3A, %reduce_max3A [0] : vector<128x128xf32> to vector<128xf32>
      %broadcast_in_dim3A_70 = vector.shape_cast %reduce_max3A_69 : vector<128xf32> to vector<1x128xf32>
      %reduce_max3A_71 = arith.constant dense<0xFF800000> : vector<1xf32>
      %reduce_max3A_72 = vector.multi_reduction <maximumf>, %broadcast_in_dim3A_70, %reduce_max3A_71 [1] : vector<1x128xf32> to vector<1xf32>
      %broadcast_in_dim3A_73 = vector.shape_cast %reduce_max3A_72 : vector<1xf32> to vector<1x1xf32>
      %eq3A_74 = vector.broadcast %broadcast_in_dim3A_73 : vector<1x1xf32> to vector<128x128xf32>
      %eq3A_75 = arith.cmpf oeq, %min3A, %eq3A_74 : vector<128x128xf32>
      %jit3A_76 = arith.constant 1073741824 : i32
      %broadcast_in_dim3A_77 = vector.broadcast %jit3A_76 : i32 to vector<128x128xi32>
      %select_n3A_78 = arith.select %eq3A_75, %add3A, %broadcast_in_dim3A_77 : vector<128x128xi1>, vector<128x128xi32>
      %reduce_min3A_79 = arith.constant dense<2147483647> : vector<128xi32>
      %reduce_min3A_80 = vector.multi_reduction <minsi>, %select_n3A_78, %reduce_min3A_79 [0] : vector<128x128xi32> to vector<128xi32>
      %broadcast_in_dim3A_81 = vector.shape_cast %reduce_min3A_80 : vector<128xi32> to vector<1x128xi32>
      %reduce_min3A_82 = arith.constant dense<2147483647> : vector<1xi32>
      %reduce_min3A_83 = vector.multi_reduction <minsi>, %broadcast_in_dim3A_81, %reduce_min3A_82 [1] : vector<1x128xi32> to vector<1xi32>
      %broadcast_in_dim3A_84 = vector.shape_cast %reduce_min3A_83 : vector<1xi32> to vector<1x1xi32>
      %squeeze3A = vector.extract %broadcast_in_dim3A_84[0, 0] : i32 from vector<1x1xi32>
      %swap3A_85 = arith.index_cast %scan3A_40 : i32 to index
      %swap3A_86 = memref.load %arg3[%swap3A_85] : memref<4096xi32, #tpu.memory_space<smem>>
      memref.store %squeeze3A, %arg3[%swap3A_85] : memref<4096xi32, #tpu.memory_space<smem>>
      %eq3A_87 = vector.broadcast %broadcast_in_dim3A_84 : vector<1x1xi32> to vector<128x128xi32>
      %eq3A_88 = arith.cmpi eq, %add3A, %eq3A_87 : vector<128x128xi32>
      %get3A_89 = arith.constant 0 : index
      %get3A_90 = arith.constant 0 : index
      %get3A_91 = vector.load %arg0[%get3A_89, %get3A_90] : memref<128x128xf32, #tpu.memory_space<vmem>>, vector<128x128xf32>
      %jit3A_92 = arith.constant 3.000000e+38 : f32
      %broadcast_in_dim3A_93 = vector.broadcast %jit3A_92 : f32 to vector<128x128xf32>
      %select_n3A_94 = arith.select %eq3A_88, %get3A_91, %broadcast_in_dim3A_93 : vector<128x128xi1>, vector<128x128xf32>
      %reduce_min3A_95 = arith.constant dense<0x7F800000> : vector<128xf32>
      %reduce_min3A_96 = vector.multi_reduction <minimumf>, %select_n3A_94, %reduce_min3A_95 [0] : vector<128x128xf32> to vector<128xf32>
      %broadcast_in_dim3A_97 = vector.shape_cast %reduce_min3A_96 : vector<128xf32> to vector<1x128xf32>
      %reduce_min3A_98 = arith.constant dense<0x7F800000> : vector<1xf32>
      %reduce_min3A_99 = vector.multi_reduction <minimumf>, %broadcast_in_dim3A_97, %reduce_min3A_98 [1] : vector<1x128xf32> to vector<1xf32>
      %broadcast_in_dim3A_100 = vector.shape_cast %reduce_min3A_99 : vector<1xf32> to vector<1x1xf32>
      %get3A_101 = arith.constant 0 : index
      %get3A_102 = arith.constant 0 : index
      %get3A_103 = vector.load %arg1[%get3A_101, %get3A_102] : memref<128x128xf32, #tpu.memory_space<vmem>>, vector<128x128xf32>
      %jit3A_104 = arith.constant 3.000000e+38 : f32
      %broadcast_in_dim3A_105 = vector.broadcast %jit3A_104 : f32 to vector<128x128xf32>
      %select_n3A_106 = arith.select %eq3A_88, %get3A_103, %broadcast_in_dim3A_105 : vector<128x128xi1>, vector<128x128xf32>
      %reduce_min3A_107 = arith.constant dense<0x7F800000> : vector<128xf32>
      %reduce_min3A_108 = vector.multi_reduction <minimumf>, %select_n3A_106, %reduce_min3A_107 [0] : vector<128x128xf32> to vector<128xf32>
      %broadcast_in_dim3A_109 = vector.shape_cast %reduce_min3A_108 : vector<128xf32> to vector<1x128xf32>
      %reduce_min3A_110 = arith.constant dense<0x7F800000> : vector<1xf32>
      %reduce_min3A_111 = vector.multi_reduction <minimumf>, %broadcast_in_dim3A_109, %reduce_min3A_110 [1] : vector<1x128xf32> to vector<1xf32>
      %broadcast_in_dim3A_112 = vector.shape_cast %reduce_min3A_111 : vector<1xf32> to vector<1x1xf32>
      %get3A_113 = arith.constant 0 : index
      %get3A_114 = arith.constant 0 : index
      %get3A_115 = vector.load %arg2[%get3A_113, %get3A_114] : memref<128x128xf32, #tpu.memory_space<vmem>>, vector<128x128xf32>
      %jit3A_116 = arith.constant 3.000000e+38 : f32
      %broadcast_in_dim3A_117 = vector.broadcast %jit3A_116 : f32 to vector<128x128xf32>
      %select_n3A_118 = arith.select %eq3A_88, %get3A_115, %broadcast_in_dim3A_117 : vector<128x128xi1>, vector<128x128xf32>
      %reduce_min3A_119 = arith.constant dense<0x7F800000> : vector<128xf32>
      %reduce_min3A_120 = vector.multi_reduction <minimumf>, %select_n3A_118, %reduce_min3A_119 [0] : vector<128x128xf32> to vector<128xf32>
      %broadcast_in_dim3A_121 = vector.shape_cast %reduce_min3A_120 : vector<128xf32> to vector<1x128xf32>
      %reduce_min3A_122 = arith.constant dense<0x7F800000> : vector<1xf32>
      %reduce_min3A_123 = vector.multi_reduction <minimumf>, %broadcast_in_dim3A_121, %reduce_min3A_122 [1] : vector<1x128xf32> to vector<1xf32>
      %broadcast_in_dim3A_124 = vector.shape_cast %reduce_min3A_123 : vector<1xf32> to vector<1x1xf32>
      scf.yield %broadcast_in_dim3A_100, %broadcast_in_dim3A_112, %broadcast_in_dim3A_124 : vector<1x1xf32>, vector<1x1xf32>, vector<1x1xf32>
    }
    %scan3A_39 = arith.constant 4095 : i32
    return
  }
}

</mosaic_0001>

<sc_bundles>
// kernel: kernel.5.cloned.1.call-start
scs
__scs_entry_jumppad:
0x0: {  	(pc) =	sbr.rel $0x88, $3  }
0x1: {  	(tag) =	ssettag $0x0;
	lr =	simm.s32 $0x1  }
0x2: {  	[smem:$0x3F9D] =	sst lr;
	_ =	strace $0xD0000000  }
0x3: {  	_ = 	snop  }
0x4: {  	_ = 	snop  }
0x5: {  	_ = 	snop  }
0x6: {  	_ = 	snop  }
0x7: {  	_ = 	snop  }
__scs_overlays_trampoline_lowered:
0x8: {  	[smem:$0x3FAC] =	sst s0  }
0x9: {  	[smem:$0x3FAD] =	sst s1  }
0xa: {  	[smem:$0x3FAE] =	sst s2  }
0xb: {  	[smem:$0x3FAF] =	sst s3  }
0xc: {  	[smem:$0x3FB0] =	sst s4  }
0xd: {  	[smem:$0x3FB1] =	sst s5  }
0xe: {  	[smem:$0x3FB2] =	sst s6  }
0xf: {  	[smem:$0x3FB3] =	sst s7  }
0x10: {  	[smem:$0x3FB4] =	sst s8  }
0x11: {  	[smem:$0x3FB5] =	sst s9;
	s0 =	simm.s32 @!p0 $0x0  }
0x12: {  	s1 =	sld [smem:$0x3F9B];
	s0 =	simm.s32 @p0 $0x1  }
0x13: {  	[smem:$0x3FB6] =	sst s0;
	s0 =	simm.s32 @!p1 $0x0  }
0x14: {  	s2 =	sld [smem:$0x3F9A];
	s0 =	simm.s32 @p1 $0x1  }
0x15: {  	[smem:$0x3FB7] =	sst s0;
	s0 =	simm.s32 @!p2 $0x0  }
0x16: {  	s3 =	sld [smem:$0x3FDB];
	s0 =	simm.s32 @p2 $0x1  }
0x17: {  	s4 =	simm.s32 $0x1BF5;
	[smem:$0x3FB9] =	sst s0  }
0x18: {  	s0 =	sld [smem:$0x3F9C];
	_ =	swait.ge [sflag:s4], $0x0  }
0x19: {  	s7 =	sld [smem:$0x3F9D]  }
0x1a: {  	s8 =	sadd.s32 $0xFFFFE003, lr  }
0x1b: {  	s9 =	sadd.s32 $0xFFFFFEF7, lr;
	s5 =	simm.s32 $0xFFFFFFFF;
	p2 =	slt.u32 s8, $0xFFFFF086  }
0x1c: {  	p1 =	slt.u32 s9, $0xF7A;
	s5 =	simm.s32 @!p2 $0x0  }
0x1d: {  	s5 =	simm.s32 @p1 $0x1;
	p0 =	seq.s32 s7, s2  }
0x1e: {  	s7 =	smul.u32 @!p0 $0xF7A, s2;
	p2 =	seq.s32 @!p0 s5, $0x0  }
0x1f: {  	s9 =	smul.u32 $0xF7A, s1;
	s8 =	simm.s32 @!p0 $0x1BF5;
	p2 =	por !p2, p0  }
0x20: {  	[sflag:s8] =	ssyncset.s32 @!p0 $0xFFFFF086;
	s6 =	sadd.s32 @!p0 s3, s7;
	s7 =	simm.s32 @!p0 $0x108  }
0x21: {  	s3 =	sadd.s32 s3, s9;
	s6 =	sadd.s32 @!p0 $0x88, s6;
	s7 =	simm.s32 @p2 $0x1082  }
0x22: {  	[simem:s7], [sflag:s8] =	dma.local @!p0 [hbm:s6], $0xF7A  }
0x23: {  	s9 =	sor.u32 $0xD0000000, s2;
	s6 =	simm.s32 $0x108;
	_ =	swait.ge @!p0 [sflag:s8], $0x0  }
0x24: {  	s3 =	sadd.s32 $0x88, s3;
	s6 =	simm.s32 @!p1 $0x1082;
	[sflag:s4] =	ssyncset.s32 $0xFFFFF086  }
0x25: {  	[simem:s6], [sflag:s4] =	dma.local [hbm:s3], $0xF7A  }
0x26: {  	[smem:$0x3F9D] =	sst s1;
	(tag) =	ssettag s2;
	_ =	strace s9  }
0x27: {  	s1 =	sld [smem:$0x3FAD]  }
0x28: {  	s2 =	sld [smem:$0x3FAE]  }
0x29: {  	s4 =	sld [smem:$0x3FB0]  }
0x2a: {  	p0 =	seq.s32 s5, $0x0;
	s5 =	sld [smem:$0x3FB1]  }
0x2b: {  	s6 =	sld [smem:$0x3FB2]  }
0x2c: {  	s7 =	sld [smem:$0x3FB3]  }
0x2d: {  	s3 =	simm.s32 $0x108;
	s8 =	sld [smem:$0x3FB4]  }
0x2e: {  	s3 =	simm.s32 @!p0 $0x1082;
	s9 =	sld [smem:$0x3FB5]  }
0x2f: {  	lr =	sadd.s32 s0, s3;
	s0 =	sld [smem:$0x3FAC]  }
0x30: {  	s3 =	sld [smem:$0x3FAF]  }
0x31: {  	[smem:$0x3FB8] =	sst s10  }
0x32: {  	s10 =	sld [smem:$0x3FB6];
	_ =	sdelay $0x3  }
0x33: {  	p0 =	seq.s32 s10, $0x1;
	s10 =	sld [smem:$0x3FB8];
	_ =	sdelay $0x3  }
0x34: {  	[smem:$0x3FB8] =	sst s10  }
0x35: {  	s10 =	sld [smem:$0x3FB7];
	_ =	sdelay $0x3  }
0x36: {  	p1 =	seq.s32 s10, $0x1;
	s10 =	sld [smem:$0x3FB8];
	_ =	sdelay $0x3  }
0x37: {  	[smem:$0x3FB8] =	sst s10  }
0x38: {  	s10 =	sld [smem:$0x3FB9]  }
0x39: {  	_ = 	snop;
	(pc) =	sbr.ind lr, $3  }
0x3a: {  	_ = 	snop  }
0x3b: {  	_ = 	snop  }
0x3c: {  	p2 =	seq.s32 s10, $0x1;
	s10 =	sld [smem:$0x3FB8]  }
0x3d: {  	_ =	shalt  }
0x3e: {  	_ =	shalt  }
0x3f: {  	_ =	shalt  }
0x40: {  	_ =	shalt  }
0x41: {  	_ =	shalt  }
0x42: {  	_ =	shalt  }
0x43: {  	_ =	shalt  }
0x44: {  	_ =	shalt  }
0x45: {  	_ =	shalt  }
0x46: {  	_ =	shalt  }
0x47: {  	_ =	shalt  }
0x48: {  	_ =	shalt  }
0x49: {  	_ =	shalt  }
0x4a: {  	_ =	shalt  }
0x4b: {  	_ =	shalt  }
0x4c: {  	_ =	shalt  }
0x4d: {  	_ =	shalt  }
0x4e: {  	_ =	shalt  }
0x4f: {  	_ =	shalt  }
0x50: {  	_ =	shalt  }
0x51: {  	_ =	shalt  }
0x52: {  	_ =	shalt  }
0x53: {  	_ =	shalt  }
0x54: {  	_ =	shalt  }
0x55: {  	_ =	shalt  }
0x56: {  	_ =	shalt  }
0x57: {  	_ =	shalt  }
0x58: {  	_ =	shalt  }
0x59: {  	_ =	shalt  }
0x5a: {  	_ =	shalt  }
0x5b: {  	_ =	shalt  }
0x5c: {  	_ =	shalt  }
0x5d: {  	_ =	shalt  }
0x5e: {  	_ =	shalt  }
0x5f: {  	_ =	shalt  }
0x60: {  	_ =	shalt  }
0x61: {  	_ =	shalt  }
0x62: {  	_ =	shalt  }
0x63: {  	_ =	shalt  }
0x64: {  	_ =	shalt  }
0x65: {  	_ =	shalt  }
0x66: {  	_ =	shalt  }
0x67: {  	_ =	shalt  }
0x68: {  	_ =	shalt  }
0x69: {  	_ =	shalt  }
0x6a: {  	_ =	shalt  }
0x6b: {  	_ =	shalt  }
0x6c: {  	_ =	shalt  }
0x6d: {  	_ =	shalt  }
0x6e: {  	_ =	shalt  }
0x6f: {  	_ =	shalt  }
0x70: {  	_ =	shalt  }
0x71: {  	_ =	shalt  }
0x72: {  	_ =	shalt  }
0x73: {  	_ =	shalt  }
0x74: {  	_ =	shalt  }
0x75: {  	_ =	shalt  }
0x76: {  	_ =	shalt  }
0x77: {  	_ =	shalt  }
0x78: {  	_ =	shalt  }
0x79: {  	_ =	shalt  }
0x7a: {  	_ =	shalt  }
0x7b: {  	_ =	shalt  }
0x7c: {  	_ =	shalt  }
0x7d: {  	_ =	shalt  }
0x7e: {  	_ =	shalt  }
0x7f: {  	_ =	shalt  }
0x80: {  	_ =	shalt  }
0x81: {  	_ =	shalt  }
0x82: {  	_ =	shalt  }
0x83: {  	_ =	shalt  }
0x84: {  	_ =	shalt  }
0x85: {  	_ =	shalt  }
0x86: {  	_ =	shalt  }
0x87: {  	_ =	shalt  }
.Lfunc_end0:
.L_simem_size_0:
called_computation_lowered:
.L_overlay_start_0:
0x88: {  	s2 =	sld [smem:$0x3FD9]  }
0x89: {  	s3 =	sld [smem:$0x3FFE];
	_ =	sdelay $0x1  }
0x8a: {  	s1 =	srdreg.scid  }
0x8b: {  	s0 =	sand.u32 $0x1, s1  }
0x8c: {  	s14 =	sshll.u32 s0, $0xA;
	s2 =	sadd.s32 s3, s2  }
0x8d: {  	s2 =	sadd.s32 s2, s14  }
0x8e: {  	[smem:$0x3FC4] =	sst s2  }
0x8f: {  	_ = 	snop  }
0x90: {  	s2 =	sld [smem:$0x3FD0];
	_ =	sdelay $0x2  }
0x91: {  	s15 =	simm.s32 $0xA;
	s4 =	simm.s32 $0x10  }
0x92: {  	[smem:s4], [sflag:s15] =	dma.local [hbm:s2], $0x1  }
0x93: {  	_ =	swait.eq [sflag:s15], $0x1  }
0x94: {  	[sflag:s15] =	ssyncset.done $0x0  }
0x95: {  	s16 =	sld [smem:$0x10];
	[sflag:s15] =	ssyncadd.s32 $0xFFFFFFFF  }
0x96: {  	s17 =	sld [smem:$0x11];
	(tm) =	ssettm $0x1  }
0x97: {  	s18 =	sld [smem:$0x3FFB];
	_ =	sdelay $0x3  }
0x98: {  	_ =	strace s18  }
0x99: {  	s4 =	sld [smem:$0x3FFC];
	_ =	sdelay $0x3  }
0x9a: {  	_ =	strace s4  }
0x9b: {  	s4 =	sld [smem:$0x3FFD];
	_ =	sdelay $0x3  }
0x9c: {  	_ =	strace s4  }
0x9d: {  	_ =	strace $0x8FFFFFFF  }
0x9e: {  	s19 =	sld [smem:$0x3FDB];
	_ =	sdelay $0x1  }
0x9f: {  	s5 =	simm.s32 $_scs_section_size  }
0xa0: {  	s6 =	simm.s32 $_size__tile_overlayer_lowered;
	s7 =	simm.s32 $_tile_overlayer_lowered  }
0xa1: {  	s22 =	simm.s32 $0x1BFF;
	s21 =	sshll.u32 s7, $0x1;
	s4 =	sadd.s32 s5, s19  }
0xa2: {  	s8 =	simm.s32 $0x0;
	s20 =	sshll.u32 s6, $0x1;
	s6 =	sadd.s32 s21, s4  }
0xa3: {  	[timem:s8], [sflag:s22] =	dma.local [hbm:s6], s20  }
0xa4: {  	_ =	swait.ge [sflag:s22], s20  }
0xa5: {  	s5 =	ssub.s32 $0x0, s20;
	[sflag:s22] =	ssyncset.done $0x0  }
0xa6: {  	[sflag:s22] =	ssyncadd.s32 s5;
	_ =	sdelay $0x1  }
0xa7: {  	s23 =	simm.s32 $0x1B8B  }
0xa8: {  	_ =	swait.ge [sflag:s23], $0x1  }
0xa9: {  	[sflag:s23] =	ssyncset.done $0x0  }
0xaa: {  	s25 =	simm.s32 $0x1B8E;
	s24 =	sld [smem:$0x3FFE];
	[sflag:s23] =	ssyncadd.s32 $0xFFFFFFFF  }
0xab: {  	s26 =	simm.s32 $execute0_lowered;
	[smem:$0x3FD2] =	sst s25  }
0xac: {  	s6 =	sshll.u32 s26, $0x1;
	_ =	strace $0x80000046;
	[dreg:$0x1] =	wrdreg $0xFFFFFFFF  }
0xad: {  	s28 =	simm.s32 $_size_execute0_lowered;
	s4 =	sadd.s32 s4, s6;
	[dreg:$0x0] =	wrdreg $0x0  }
0xae: {  	s6 =	sshll.u32 s28, $0x1;
	[dreg:$0x2] =	wrdreg s4  }
0xaf: {  	[dreg:$0x3] =	wrdreg s6  }
0xb0: {  	[dreg:$0x4] =	wrdreg $0xC0  }
0xb1: {  	_ =	task [dreg:s8], $0x5FFFF  }
0xb2: {  	[dreg:$0x1] =	wrdreg $0xFFFFFFFF  }
0xb3: {  	[dreg:$0x0] =	wrdreg $0x60  }
0xb4: {  	[dreg:$0x2] =	wrdreg s17  }
0xb5: {  	[dreg:$0x3] =	wrdreg s24  }
0xb6: {  	[dreg:$0x4] =	wrdreg s16  }
0xb7: {  	[dreg:$0x5] =	wrdreg $0x9  }
0xb8: {  	_ =	task.clear_ibuf [dreg:s8], $0x6FFFF;
	_ =	strace $0x90000046  }
0xb9: {  	s29 =	simm.s32 $0x9;
	_ =	strace $0x80000048  }
0xba: {  	_ =	swait.ge [sflag:s29], $0x1  }
0xbb: {  	[sflag:s29] =	ssyncadd.s32 $0xFFFFFFFF  }
0xbc: {  	_ =	strace $0x90000048  }
0xbd: {  	_ =	sfence  }
0xbe: {  	s30 =	sld [smem:$0x0];
	_ =	sdelay $0x2  }
0xbf: {  	s31 =	sshll.u32 s1, $0xD;
	s1 =	sshrl.u32 s1, $0x2  }
0xc0: {  	s3 =	sand.u32 $0x4000, s31;
	s1 =	sadd.s32 s1, s30  }
0xc1: {  	s0 =	sor.u32 s3, s0;
	s1 =	sshll.u32 s1, $0x11  }
0xc2: {  	s0 =	sor.u32 s1, s0  }
0xc3: {  	s0 =	sadd.s32 $0x8F2B, s0  }
0xc4: {  	[sflag:s0] =	ssyncadd.remote.s32 $0x1  }
0xc5: {  	_ =	sfence.sel $0xFFFF  }
0xc6: {  	[dreg:$0x0] =	wrdreg $0xFFFFFFFF;
	(pc) =	sbr.abs _section_cstart, $3  }
0xc7: {  	[dreg:$0x1] =	wrdreg $0xFFFFFFFF  }
0xc8: {  	_ =	task.clear_ibuf [dreg:s8], $0x2FFFF;
	_ =	strace $0x9FFFFFFF  }
0xc9: {  	(tm) =	ssettm $0x7FFFFFFF  }
tec
execute0_lowered:
.L_overlay_start_1:
0x0: {  	(tag) =	ssettag $0x1  }
0x1: {  	s1 =	rddreg [dreg:$0x0]  }
0x2: {  	s0 =	rddreg [dreg:$0x1]  }
0x3: {  	s3 =	rddreg [dreg:$0x2];
	s2 =	simm.s32 $0x0;
	s7 =	srdreg.scid  }
0x4: {  	s9 =	stileid.u32;
	s18 =	simm.s32 $0x2;
	s24 =	simm.s32 $0x126C0  }
0x5: {  	s25 =	simm.s32 $0x1;
	s26 =	simm.s32 $0x7F61B1E6;
	s28 =	simm.s32 $0x10140  }
0x6: {  	[smem:$0x7FF] =	sst s2;
	s4 =	sadd.s32 $0x2400, s0;
	s5 =	sadd.s32 $0x1C00, s0  }
0x7: {  	s6 =	sadd.s32 $0x2C00, s0;
	s8 =	sand.u32 $0x1, s7;
	s9 =	sshll.u32 s9, $0x1  }
0x8: {  	s7 =	sadd.s32 $0x4C00, s0;
	_ =	strace $0x80000047;
	s12 =	sor.u32 s8, s9  }
0x9: {  	s30 =	ssub.s32 $0x2, s8;
	s8 =	sadd.s32 $0x42C00, s0;
	s9 =	sadd.s32 $0x3400, s0  }
.Ltmp0:
0xa: {  	s10 =	sshll.u32 s12, $0x4;
	s11 =	sshrl.u32 s30, $0x1;
	(pc) =	sbr.rel .LBB2_1-.Ltmp0, $4  }
0xb: {  	s31 =	sshll.u32 s12, $0xA;
	s16 =	sadd.s32 s10, s0;
	s17 =	ssub.s32 s30, s11  }
0xc: {  	s10 =	sadd.s32 $0x3C00, s0;
	s11 =	sadd.s32 $0x4400, s0;
	s13 =	sadd.s32 s3, s31  }
0xd: {  	vm0 =	vmmov $0xffff;
	v0 =	vlaneseq.u32;
	s3 =	simm.s32 $0x0;
	s12 =	sadd.s32 $0x24C00, s16;
	s14 =	sadd.s32 $0x24E00, s16  }
0xe: {  	v1 =	vimm.f32 $3.000000010e+38;
	v2 =	vimm.s32 $0x0;
	v3 =	vimm.f32 $0.0e+00;
	s15 =	sadd.s32 $0x25000, s16;
	s16 =	sadd.s32 $0x25200, s16;
	s17 =	smax.u32 s17, $0x1  }
.LBB2_9:
0xf: {  	s0 =	simm.s32 $0x10540  }
0x10: {  	[hbm4b:s13+s2] =	stream.linear.scatter [tilespmem:s0], [sflag:$0x2], $0x2000, $0x38;
	[tilespmem:$0x126F0] =	vst v63  }
0x11: {  	_ =	swait.ge [sflag:s18], $0x2000  }
0x12: {  	[sflag:s18] =	ssyncset.done $0x0  }
0x13: {  	s29 =	simm.s32 $0x12540;
	[sflag:s18] =	ssyncadd.s32 $0xFFFFE000  }
0x14: {  	[hbm4b:s14+s2] =	stream.linear.scatter [tilespmem:s29], [sflag:$0x2], $0x80, $0x38;
	[tilespmem:$0x126F0] =	vst v63  }
0x15: {  	_ =	swait.ge [sflag:s18], $0x80  }
0x16: {  	[sflag:s18] =	ssyncset.done $0x0  }
0x17: {  	s30 =	simm.s32 $0x125C0;
	[sflag:s18] =	ssyncadd.s32 $0xFFFFFF80  }
0x18: {  	[hbm4b:s15+s2] =	stream.linear.scatter [tilespmem:s30], [sflag:$0x2], $0x80, $0x38;
	[tilespmem:$0x126F0] =	vst v63  }
0x19: {  	s3 =	sadd.s32 $0x1, s3;
	_ =	swait.ge [sflag:s18], $0x80  }
0x1a: {  	p0 =	sne.s32 s3, s17;
	[sflag:s18] =	ssyncset.done $0x0  }
.Ltmp1:
0x1b: {  	s31 =	simm.s32 $0x12640;
	[sflag:s18] =	ssyncadd.s32 $0xFFFFFF80;
	(pc) =	sbr.rel @!p0 .LBB2_10-.Ltmp1, $4  }
0x1c: {  	[hbm4b:s16+s2] =	stream.linear.scatter [tilespmem:s31], [sflag:$0x2], $0x80, $0x38;
	[tilespmem:$0x126F0] =	vst v63  }
0x1d: {  	_ =	swait.ge [sflag:s18], $0x80  }
0x1e: {  	[sflag:s18] =	ssyncset.done $0x0  }
0x1f: {  	[sflag:s18] =	ssyncadd.s32 $0xFFFFFF80  }
.LBB2_1:
0x20: {  	[tilespmem:s2], [sflag:$0x2] =	stream.linear.gather [hbm4b:s6+s2], $0x4000, $0x38;
	[tilespmem:$0x126F0] =	vst v63  }
0x21: {  	_ =	swait.ge [sflag:s18], $0x4000  }
0x22: {  	[sflag:s18] =	ssyncset.done $0x0  }
0x23: {  	s0 =	simm.s32 $0x4000;
	[sflag:s18] =	ssyncadd.s32 $0xFFFFC000  }
0x24: {  	[tilespmem:s0], [sflag:$0x2] =	stream.linear.gather [hbm4b:s9+s2], $0x4000, $0x38;
	[tilespmem:$0x126F0] =	vst v63  }
0x25: {  	_ =	swait.ge [sflag:s18], $0x4000  }
0x26: {  	[sflag:s18] =	ssyncset.done $0x0  }
0x27: {  	s23 =	simm.s32 $0x8000;
	[sflag:s18] =	ssyncadd.s32 $0xFFFFC000  }
0x28: {  	[tilespmem:s23], [sflag:$0x2] =	stream.linear.gather [hbm4b:s10+s2], $0x4000, $0x38;
	[tilespmem:$0x126F0] =	vst v63  }
0x29: {  	_ =	swait.ge [sflag:s18], $0x4000  }
0x2a: {  	[sflag:s18] =	ssyncset.done $0x0  }
0x2b: {  	s29 =	simm.s32 $0xC000;
	[sflag:s18] =	ssyncadd.s32 $0xFFFFC000  }
0x2c: {  	[tilespmem:s29], [sflag:$0x2] =	stream.linear.gather [hbm4b:s11+s2], $0x4000, $0x38;
	[tilespmem:$0x126F0] =	vst v63  }
0x2d: {  	_ =	swait.ge [sflag:s18], $0x4000  }
0x2e: {  	[sflag:s18] =	ssyncset.done $0x0  }
0x2f: {  	s30 =	simm.s32 $0x10000;
	[sflag:s18] =	ssyncadd.s32 $0xFFFFC000  }
0x30: {  	[tilespmem:s30], [sflag:$0x2] =	stream.linear.gather [hbm4b:s12+s2], $0x80, $0x38;
	[tilespmem:$0x126F0] =	vst v63  }
0x31: {  	_ =	swait.ge [sflag:s18], $0x80  }
0x32: {  	[sflag:s18] =	ssyncset.done $0x0  }
.Ltmp2:
0x33: {  	s31 =	simm.s32 $0x10080;
	[sflag:s18] =	ssyncadd.s32 $0xFFFFFF80;
	(pc) =	sbr.rel .LBB2_2-.Ltmp2, $4  }
0x34: {  	[tilespmem:s31], [sflag:$0x2] =	stream.linear.gather [hbm4b:s8+s2], $0xC0, $0x38;
	[tilespmem:$0x126F0] =	vst v63  }
0x35: {  	_ =	swait.ge [sflag:s18], $0xC0  }
0x36: {  	[sflag:s18] =	ssyncset.done $0x0  }
0x37: {  	s19 =	simm.s32 $0x0;
	[sflag:s18] =	ssyncadd.s32 $0xFFFFFF40  }
.LBB2_8:
0x38: {  	s19 =	sadd.s32 $0x1, s19  }
0x39: {  	p0 =	sne.s32 s19, $0x8  }
.Ltmp3:
0x3a: {  	_ = 	snop;
	(pc) =	sbr.rel @!p0 .LBB2_9-.Ltmp3, $1  }
0x3b: {  	_ =	sdelay $0x3  }
.LBB2_2:
0x3c: {  	s21 =	sshll.u32 s19, $0x4  }
0x3d: {  	v8 =	vld [tilespmem:s21+$0x10000];
	_ =	sdelay $0x6  }
0x3e: {  	s20 =	simm.s32 $0x0  }
0x3f: {  	[tilespmem:s24], [sflag:$0x1] =	stream.indirect_vreg.gather [hbm4b:s1+s20], $0x1, v8, vm0, $0xb8;
	[tilespmem:$0x126F0] =	vst v63  }
0x40: {  	_ =	swait.ge [sflag:s25], $0x10  }
0x41: {  	[sflag:s25] =	ssyncset.done $0x0  }
0x42: {  	[sflag:s25] =	ssyncadd.s32 $0xFFFFFFF0  }
0x43: {  	v4 =	vld [tilespmem:$0x126C0];
	[tilespmem:s24], [sflag:$0x1] =	stream.indirect_vreg.gather [hbm4b:s4+s20], $0x1, v8, vm0, $0xb8  }
0x44: {  	_ =	swait.ge [sflag:s25], $0x10  }
0x45: {  	[sflag:s25] =	ssyncset.done $0x0  }
0x46: {  	[sflag:s25] =	ssyncadd.s32 $0xFFFFFFF0  }
0x47: {  	v5 =	vld [tilespmem:$0x126C0];
	[tilespmem:s24], [sflag:$0x1] =	stream.indirect_vreg.gather [hbm4b:s5+s20], $0x1, v8, vm0, $0xb8  }
0x48: {  	_ =	swait.ge [sflag:s25], $0x10  }
0x49: {  	[sflag:s25] =	ssyncset.done $0x0  }
0x4a: {  	[sflag:s25] =	ssyncadd.s32 $0xFFFFFFF0  }
0x4b: {  	v6 =	vld [tilespmem:$0x126C0];
	_ =	sdelay $0x2  }
0x4c: {  	[tilespmem:s21+$0x12540] =	vst v4  }
0x4d: {  	[tilespmem:s21+$0x125C0] =	vst v5  }
0x4e: {  	v9 =	vadd.s32 $0x4000, v8;
	[tilespmem:s21+$0x12640] =	vst v6  }
0x4f: {  	[tilespmem:s24], [sflag:$0x1] =	stream.indirect_vreg.gather [hbm4b:s6+s20], $0x1, v8, vm0, $0xb8;
	[tilespmem:$0x126F0] =	vst v63  }
0x50: {  	_ =	swait.ge [sflag:s25], $0x10  }
0x51: {  	[sflag:s25] =	ssyncset.done $0x0  }
0x52: {  	[sflag:s25] =	ssyncadd.s32 $0xFFFFFFF0  }
0x53: {  	v7 =	vld [tilespmem:$0x126C0];
	[tilespmem:s24], [sflag:$0x1] =	stream.indirect_vreg.gather [hbm4b:s6+s20], $0x1, v9, vm0, $0xb8;
	v9 =	vadd.s32 $0x8000, v8  }
0x54: {  	_ = 	snop  }
0x55: {  	_ =	swait.ge [sflag:s25], $0x10  }
0x56: {  	[sflag:s25] =	ssyncset.done $0x0  }
0x57: {  	[sflag:s25] =	ssyncadd.s32 $0xFFFFFFF0  }
0x58: {  	v8 =	vld [tilespmem:$0x126C0];
	[tilespmem:s24], [sflag:$0x1] =	stream.indirect_vreg.gather [hbm4b:s6+s20], $0x1, v9, vm0, $0xb8  }
.Ltmp4:
0x59: {  	_ = 	snop;
	(pc) =	sbr.rel .LBB2_3-.Ltmp4, $4  }
0x5a: {  	s31 =	sshll.u32 s19, $0xA;
	_ =	swait.ge [sflag:s25], $0x10  }
0x5b: {  	s21 =	sand.u32 $0x3FFFFC00, s31;
	[sflag:s25] =	ssyncset.done $0x0  }
0x5c: {  	s21 =	sadd.s32 $0x10540, s21;
	[sflag:s25] =	ssyncadd.s32 $0xFFFFFFF0  }
0x5d: {  	v10 =	vmov s21;
	v9 =	vld [tilespmem:$0x126C0]  }
.LBB2_7:
0x5e: {  	v14 =	vld [tilespmem:$0x126E0];
	_ =	sdelay $0x7  }
0x5f: {  	[tilespmem:s28], [sflag:$0x1] =	stream.indirect_vreg.gather [hbm4b:s7+s2], $0x40, v14, vm0, $0xb8;
	[tilespmem:$0x126F0] =	vst v63  }
0x60: {  	_ =	swait.ge [sflag:s25], $0x400  }
0x61: {  	[sflag:s25] =	ssyncset.done $0x0  }
0x62: {  	[sflag:s25] =	ssyncadd.s32 $0xFFFFFC00  }
0x63: {  	v28 =	vld [tilespmem:$0x10140]  }
0x64: {  	v15 =	vld [tilespmem:$0x10180]  }
0x65: {  	v16 =	vld [tilespmem:$0x101C0]  }
0x66: {  	v17 =	vld [tilespmem:$0x10200]  }
0x67: {  	v18 =	vld [tilespmem:$0x10240]  }
0x68: {  	v19 =	vld [tilespmem:$0x10280]  }
0x69: {  	v20 =	vld [tilespmem:$0x102C0]  }
0x6a: {  	v21 =	vld [tilespmem:$0x10300]  }
0x6b: {  	v22 =	vld [tilespmem:$0x10340]  }
0x6c: {  	v29 =	vld [tilespmem:$0x10380];
	v14 =	vmax.f32 v28, v15  }
0x6d: {  	v30 =	vld [tilespmem:$0x103C0];
	v14 =	vmax.f32 v14, v16  }
0x6e: {  	v31 =	vld [tilespmem:$0x10400];
	v14 =	vmax.f32 v14, v17  }
0x6f: {  	v32 =	vld [tilespmem:$0x10080];
	v14 =	vmax.f32 v14, v18  }
0x70: {  	v33 =	vld [tilespmem:$0x100C0];
	v14 =	vmax.f32 v14, v19  }
0x71: {  	v34 =	vld [tilespmem:$0x10440];
	v14 =	vmax.f32 v14, v20  }
0x72: {  	v35 =	vld [tilespmem:$0x10100];
	v14 =	vmax.f32 v14, v21  }
0x73: {  	v13 =	vbroadcast v13, $0xF;
	v12 =	vbroadcast v12, $0xF;
	v36 =	vld [tilespmem:$0x10480];
	v14 =	vmax.f32 v14, v22  }
0x74: {  	v11 =	vbroadcast v11, $0xF;
	v37 =	vld [tilespmem:$0x104C0];
	v14 =	vmax.f32 v14, v29  }
0x75: {  	v38 =	vld [tilespmem:$0x10500];
	v18 =	vmul.f32 v32, v13;
	v19 =	vmul.f32 v33, v12;
	v14 =	vmax.f32 v14, v30  }
0x76: {  	v14 =	vmax.f32 v14, v31  }
0x77: {  	v40 =	vmul.f32 v35, v11;
	v39 =	vadd.f32 v19, v18;
	v14 =	vmax.f32 v14, v34  }
0x78: {  	v14 =	vmax.f32 v14, v36  }
0x79: {  	v41 =	vadd.f32 v40, v39;
	v14 =	vmax.f32 v14, v37  }
0x7a: {  	v14 =	vmax.f32 v14, v38  }
0x7b: {  	v14 =	vsub.f32 v14, v41  }
0x7c: {  	s0 =	sshll.u32 s20, $0x6  }
0x7d: {  	s21 =	sand.u32 $0x3FFFFFC0, s0;
	v14 =	vmax.f32 v14, $0.0e+00  }
0x7e: {  	[tilespmem:v10+s21+$0x0 ss:$0x1] =	vst.idx.msk $0xffff, v14  }
0x7f: {  	v14 =	vld [tilespmem:$0x10150]  }
0x80: {  	v42 =	vld [tilespmem:$0x10190]  }
0x81: {  	v43 =	vld [tilespmem:$0x101D0]  }
0x82: {  	v44 =	vld [tilespmem:$0x10210]  }
0x83: {  	v45 =	vld [tilespmem:$0x10250]  }
0x84: {  	v46 =	vld [tilespmem:$0x10290]  }
0x85: {  	v47 =	vld [tilespmem:$0x102D0]  }
0x86: {  	v48 =	vld [tilespmem:$0x10310]  }
0x87: {  	v49 =	vld [tilespmem:$0x10350]  }
0x88: {  	v50 =	vld [tilespmem:$0x10390];
	v14 =	vmax.f32 v14, v42  }
0x89: {  	v51 =	vld [tilespmem:$0x103D0];
	v14 =	vmax.f32 v14, v43  }
0x8a: {  	v52 =	vld [tilespmem:$0x10410];
	v14 =	vmax.f32 v14, v44  }
0x8b: {  	v53 =	vld [tilespmem:$0x10090];
	v14 =	vmax.f32 v14, v45  }
0x8c: {  	v54 =	vld [tilespmem:$0x100D0];
	v14 =	vmax.f32 v14, v46  }
0x8d: {  	v55 =	vld [tilespmem:$0x10450];
	v14 =	vmax.f32 v14, v47  }
0x8e: {  	v56 =	vld [tilespmem:$0x10110];
	v14 =	vmax.f32 v14, v48  }
0x8f: {  	v57 =	vld [tilespmem:$0x10490];
	v14 =	vmax.f32 v14, v49  }
0x90: {  	v58 =	vld [tilespmem:$0x104D0];
	v14 =	vmax.f32 v14, v50  }
0x91: {  	v59 =	vld [tilespmem:$0x10510];
	v18 =	vmul.f32 v53, v13;
	v19 =	vmul.f32 v54, v12;
	v14 =	vmax.f32 v14, v51  }
0x92: {  	v14 =	vmax.f32 v14, v52  }
0x93: {  	v61 =	vmul.f32 v56, v11;
	v60 =	vadd.f32 v19, v18;
	v14 =	vmax.f32 v14, v55  }
0x94: {  	v14 =	vmax.f32 v14, v57  }
0x95: {  	v62 =	vadd.f32 v61, v60;
	v14 =	vmax.f32 v14, v58  }
0x96: {  	v14 =	vmax.f32 v14, v59  }
0x97: {  	v14 =	vsub.f32 v14, v62;
	_ =	sdelay $0x1  }
0x98: {  	v14 =	vmax.f32 v14, $0.0e+00  }
0x99: {  	[tilespmem:v10+s21+$0x10 ss:$0x1] =	vst.idx.msk $0xffff, v14  }
0x9a: {  	v14 =	vld [tilespmem:$0x10160]  }
0x9b: {  	v63 =	vld [tilespmem:$0x101A0]  }
0x9c: {  	v24 =	vld [tilespmem:$0x101E0]  }
0x9d: {  	v25 =	vld [tilespmem:$0x10220]  }
0x9e: {  	v26 =	vld [tilespmem:$0x10260]  }
0x9f: {  	v27 =	vld [tilespmem:$0x102A0]  }
0xa0: {  	v28 =	vld [tilespmem:$0x102E0]  }
0xa1: {  	v29 =	vld [tilespmem:$0x10320]  }
0xa2: {  	v30 =	vld [tilespmem:$0x10360]  }
0xa3: {  	v31 =	vld [tilespmem:$0x103A0];
	v14 =	vmax.f32 v14, v63  }
0xa4: {  	v32 =	vld [tilespmem:$0x103E0];
	v14 =	vmax.f32 v14, v24  }
0xa5: {  	v33 =	vld [tilespmem:$0x10420];
	v14 =	vmax.f32 v14, v25  }
0xa6: {  	v34 =	vld [tilespmem:$0x100A0];
	v14 =	vmax.f32 v14, v26  }
0xa7: {  	v35 =	vld [tilespmem:$0x100E0];
	v14 =	vmax.f32 v14, v27  }
0xa8: {  	v36 =	vld [tilespmem:$0x10460];
	v14 =	vmax.f32 v14, v28  }
0xa9: {  	v37 =	vld [tilespmem:$0x10120];
	v14 =	vmax.f32 v14, v29  }
0xaa: {  	v38 =	vld [tilespmem:$0x104A0];
	v14 =	vmax.f32 v14, v30  }
0xab: {  	v39 =	vld [tilespmem:$0x104E0];
	v14 =	vmax.f32 v14, v31  }
0xac: {  	v40 =	vld [tilespmem:$0x10520];
	v18 =	vmul.f32 v34, v13;
	v19 =	vmul.f32 v35, v12;
	v14 =	vmax.f32 v14, v32  }
0xad: {  	v14 =	vmax.f32 v14, v33  }
0xae: {  	v42 =	vmul.f32 v37, v11;
	v41 =	vadd.f32 v19, v18;
	v14 =	vmax.f32 v14, v36  }
0xaf: {  	v14 =	vmax.f32 v14, v38  }
0xb0: {  	v43 =	vadd.f32 v42, v41;
	v14 =	vmax.f32 v14, v39  }
0xb1: {  	v14 =	vmax.f32 v14, v40  }
0xb2: {  	v14 =	vsub.f32 v14, v43;
	_ =	sdelay $0x1  }
0xb3: {  	v14 =	vmax.f32 v14, $0.0e+00  }
0xb4: {  	[tilespmem:v10+s21+$0x20 ss:$0x1] =	vst.idx.msk $0xffff, v14  }
0xb5: {  	v14 =	vld [tilespmem:$0x10170]  }
0xb6: {  	v44 =	vld [tilespmem:$0x101B0]  }
0xb7: {  	v45 =	vld [tilespmem:$0x101F0]  }
0xb8: {  	v46 =	vld [tilespmem:$0x10230]  }
0xb9: {  	v47 =	vld [tilespmem:$0x10270]  }
0xba: {  	v48 =	vld [tilespmem:$0x102B0]  }
0xbb: {  	v49 =	vld [tilespmem:$0x102F0]  }
0xbc: {  	v50 =	vld [tilespmem:$0x10330]  }
0xbd: {  	v51 =	vld [tilespmem:$0x10370]  }
0xbe: {  	v52 =	vld [tilespmem:$0x103B0];
	v14 =	vmax.f32 v14, v44  }
0xbf: {  	v53 =	vld [tilespmem:$0x103F0];
	v14 =	vmax.f32 v14, v45  }
0xc0: {  	v54 =	vld [tilespmem:$0x10430];
	v14 =	vmax.f32 v14, v46  }
0xc1: {  	v55 =	vld [tilespmem:$0x100B0];
	v14 =	vmax.f32 v14, v47  }
0xc2: {  	v56 =	vld [tilespmem:$0x100F0];
	v14 =	vmax.f32 v14, v48  }
0xc3: {  	v57 =	vld [tilespmem:$0x10470];
	v14 =	vmax.f32 v14, v49  }
0xc4: {  	v58 =	vld [tilespmem:$0x10130];
	v14 =	vmax.f32 v14, v50  }
0xc5: {  	v59 =	vld [tilespmem:$0x104B0];
	v14 =	vmax.f32 v14, v51  }
0xc6: {  	v60 =	vld [tilespmem:$0x104F0];
	v14 =	vmax.f32 v14, v52  }
0xc7: {  	v61 =	vld [tilespmem:$0x10530];
	v13 =	vmul.f32 v55, v13;
	v12 =	vmul.f32 v56, v12;
	v14 =	vmax.f32 v14, v53  }
0xc8: {  	v14 =	vmax.f32 v14, v54  }
0xc9: {  	v11 =	vmul.f32 v58, v11;
	v12 =	vadd.f32 v12, v13;
	v14 =	vmax.f32 v14, v57  }
0xca: {  	s20 =	sadd.s32 $0x1, s20;
	v62 =	vmax.f32 v14, v59  }
0xcb: {  	p0 =	sne.s32 s20, $0x10;
	v11 =	vadd.f32 v11, v12;
	v13 =	vmax.f32 v62, v60  }
.Ltmp5:
0xcc: {  	v63 =	vmax.f32 v13, v61;
	(pc) =	sbr.rel @!p0 .LBB2_8-.Ltmp5, $3  }
0xcd: {  	v11 =	vsub.f32 v63, v11;
	_ =	sdelay $0x1  }
0xce: {  	v11 =	vmax.f32 v11, $0.0e+00  }
0xcf: {  	[tilespmem:v10+s21+$0x30 ss:$0x1] =	vst.idx.msk $0xffff, v11  }
.LBB2_3:
0xd0: {  	v11 =	vmov s20  }
0xd1: {  	vm1 =	veq.s32 v11, v0  }
0xd2: {  	v11 =	vnsel vm1, $0xFF61B1E6, v4  }
0xd3: {  	(xrf0) =	vmax.scan.msk.f32 $0xffff, v11;
	v11 =	vnsel vm1, $0xFF61B1E6, v5  }
0xd4: {  	(xrf0) =	vmax.scan.msk.f32 $0xffff, v11;
	v11 =	vnsel vm1, $0xFF61B1E6, v6  }
0xd5: {  	(xrf0) =	vmax.scan.msk.f32 $0xffff, v11;
	v11 =	vnsel vm1, $0xFF61B1E6, v7  }
0xd6: {  	(xrf0) =	vmax.scan.msk.f32 $0xffff, v11;
	v11 =	vnsel vm1, $0xFF61B1E6, v8  }
0xd7: {  	(xrf0) =	vmax.scan.msk.f32 $0xffff, v11  }
0xd8: {  	v11 =	vnsel vm1, $0xFF61B1E6, v9  }
0xd9: {  	v13, _, _ =	vpop (xrf0);
	(xrf0) =	vmax.scan.msk.f32 $0xffff, v11  }
0xda: {  	v12, _, _ =	vpop (xrf0);
	(v2sf) =	vpush v13, $0xF  }
0xdb: {  	v11, _, _ =	vpop (xrf0);
	(v2sf) =	vpush v12, $0xF  }
0xdc: {  	v14, _, _ =	vpop (xrf0);
	(v2sf) =	vpush v11, $0xF  }
0xdd: {  	v15, _, _ =	vpop (xrf0);
	(v2sf) =	vpush v14, $0xF  }
0xde: {  	(v2sf) =	vpush v15, $0xF  }
0xdf: {  	v14, _, _ =	vpop (xrf0)  }
0xe0: {  	(v2sf) =	vpush v14, $0xF;
	_ =	sdelay $0x8  }
0xe1: {  	[smem:$0x0] =	sst s26;
	s21 =	spop (v2sf)  }
0xe2: {  	s22 =	spop (v2sf);
	s21 =	smul.f32 s21, s21  }
0xe3: {  	s23 =	spop (v2sf);
	s22 =	smul.f32 s22, s22  }
0xe4: {  	s29 =	spop (v2sf);
	s0 =	smul.f32 s23, s23  }
0xe5: {  	s30 =	spop (v2sf);
	s29 =	smul.f32 $-2.000000000e+00, s29  }
.Ltmp6:
0xe6: {  	s21 =	sadd.f32 s22, s21;
	(pc) =	sbr.rel .LBB2_4-.Ltmp6, $4  }
0xe7: {  	s30 =	smul.f32 $-2.000000000e+00, s30;
	s23 =	spop (v2sf)  }
0xe8: {  	s0 =	sadd.f32 s21, s0;
	s23 =	smul.f32 $-2.000000000e+00, s23  }
0xe9: {  	[tilespmem:$0x126D0] =	vst v1;
	s31 =	simm.f32 $3.000000010e+38;
	s22 =	simm.s32 $0xC080;
	v14 =	vmov s29;
	s21 =	simm.s32 $0xF0  }
0xea: {  	[tilespmem:$0x126E0] =	vst v2;
	s29 =	simm.s32 $0x4080;
	v15 =	vmov s30;
	s30 =	simm.s32 $0x80;
	v17 =	vmov s0;
	v16 =	vmov s23;
	s23 =	simm.s32 $0x8080  }
.LBB2_6:
0xeb: {  	s21 =	sadd.s32 $0x100, s21  }
0xec: {  	p0 =	sne.s32 s21, $0x40F0  }
.Ltmp7:
0xed: {  	_ = 	snop;
	(pc) =	sbr.rel @!p0 .LBB2_7-.Ltmp7, $3  }
0xee: {  	_ =	sdelay $0x1  }
0xef: {  	s22 =	sadd.s32 $0x100, s22  }
0xf0: {  	s23 =	sadd.s32 $0x100, s23;
	s29 =	sadd.s32 $0x100, s29;
	s30 =	sadd.s32 $0x100, s30  }
.LBB2_4:
0xf1: {  	v18 =	vld [tilespmem:s30+$0xFFFFFF80]  }
0xf2: {  	v19 =	vld [tilespmem:s29+$0xFFFFFF80]  }
0xf3: {  	v20 =	vld [tilespmem:s23+$0xFFFFFF80]  }
0xf4: {  	v21 =	vld [tilespmem:s22+$0xFFFFFF80]  }
0xf5: {  	v22 =	vld [tilespmem:s30+$0xFFFFFF90]  }
0xf6: {  	v23 =	vld [tilespmem:s29+$0xFFFFFF90]  }
0xf7: {  	v24 =	vld [tilespmem:s23+$0xFFFFFF90]  }
0xf8: {  	v25 =	vld [tilespmem:s22+$0xFFFFFF90]  }
0xf9: {  	v26 =	vld [tilespmem:s30+$0xFFFFFFA0]  }
0xfa: {  	v27 =	vld [tilespmem:s29+$0xFFFFFFA0]  }
0xfb: {  	v28 =	vld [tilespmem:s23+$0xFFFFFFA0]  }
0xfc: {  	v29 =	vld [tilespmem:s22+$0xFFFFFFA0]  }
0xfd: {  	v30 =	vld [tilespmem:s30+$0xFFFFFFB0]  }
0xfe: {  	v31 =	vld [tilespmem:s29+$0xFFFFFFB0]  }
0xff: {  	v32 =	vld [tilespmem:s23+$0xFFFFFFB0]  }
0x100: {  	v33 =	vld [tilespmem:s22+$0xFFFFFFB0]  }
0x101: {  	v34 =	vld [tilespmem:s30+$0xFFFFFFC0]  }
0x102: {  	v35 =	vld [tilespmem:s29+$0xFFFFFFC0]  }
0x103: {  	v36 =	vld [tilespmem:s23+$0xFFFFFFC0]  }
0x104: {  	v37 =	vld [tilespmem:s22+$0xFFFFFFC0]  }
0x105: {  	v38 =	vld [tilespmem:s30+$0xFFFFFFD0]  }
0x106: {  	v39 =	vld [tilespmem:s29+$0xFFFFFFD0]  }
0x107: {  	v40 =	vld [tilespmem:s23+$0xFFFFFFD0]  }
0x108: {  	v41 =	vld [tilespmem:s22+$0xFFFFFFD0]  }
0x109: {  	v42 =	vld [tilespmem:s30+$0xFFFFFFE0]  }
0x10a: {  	v43 =	vld [tilespmem:s29+$0xFFFFFFE0]  }
0x10b: {  	v44 =	vld [tilespmem:s23+$0xFFFFFFE0]  }
0x10c: {  	v45 =	vld [tilespmem:s22+$0xFFFFFFE0];
	v18 =	vmul.f32 v18, v14;
	v19 =	vmul.f32 v19, v15  }
0x10d: {  	v62 =	vld [tilespmem:s30+$0x10];
	v22 =	vmul.f32 v22, v14;
	v23 =	vmul.f32 v23, v15  }
0x10e: {  	v63 =	vld [tilespmem:s29+$0x10];
	v18 =	vadd.f32 v19, v18;
	v19 =	vmul.f32 v20, v16  }
0x10f: {  	v60 =	vmul.f32 v38, v14;
	v20 =	vadd.f32 v23, v22;
	v22 =	vmul.f32 v24, v16;
	v23 =	vld [tilespmem:s30+$0xFFFFFFF0]  }
0x110: {  	v61 =	vmul.f32 v39, v15;
	v40 =	vmul.f32 v40, v16;
	v24 =	vld [tilespmem:s29+$0xFFFFFFF0];
	v18 =	vadd.f32 v19, v18  }
0x111: {  	v46 =	vld [tilespmem:s23+$0x10];
	v19 =	vadd.f32 v22, v20;
	v20 =	vmul.f32 v26, v14;
	v22 =	vmul.f32 v27, v15  }
0x112: {  	v49 =	vld [tilespmem:s30+$0x20];
	v47 =	vmul.f32 v42, v14;
	v48 =	vmul.f32 v43, v15  }
0x113: {  	v50 =	vld [tilespmem:s29+$0x20];
	v27 =	vmul.f32 v30, v14;
	v20 =	vadd.f32 v22, v20;
	v22 =	vmul.f32 v28, v16  }
0x114: {  	v26 =	vld [tilespmem:s23+$0xFFFFFFF0];
	v30 =	vmul.f32 v31, v15;
	v18 =	vadd.f32 v18, v17;
	v19 =	vadd.f32 v19, v17  }
0x115: {  	v52 =	vld [tilespmem:s23+$0x20];
	v23 =	vmul.f32 v23, v14;
	v24 =	vmul.f32 v24, v15;
	v20 =	vadd.f32 v22, v20  }
0x116: {  	v53 =	vld [tilespmem:s30+$0x30];
	v18 =	vadd.f32 v18, v21;
	v21 =	vadd.f32 v30, v27;
	v27 =	vmul.f32 v32, v16  }
0x117: {  	v51 =	vmul.f32 v44, v16;
	v28 =	vld [tilespmem:s30+$0x0];
	v19 =	vadd.f32 v19, v25;
	v20 =	vadd.f32 v20, v17  }
0x118: {  	v55 =	vld [tilespmem:s23+$0x30];
	v54 =	vmul.f32 v62, v14;
	v24 =	vadd.f32 v24, v23;
	v21 =	vadd.f32 v27, v21  }
0x119: {  	v57 =	vld [tilespmem:s22+$0x30];
	v26 =	vmul.f32 v26, v16;
	v20 =	vadd.f32 v20, v29;
	v29 =	vadd.f32 v61, v60  }
0x11a: {  	v30 =	vld [tilespmem:s29+$0x0];
	v22 =	vmul.f32 v34, v14;
	v27 =	vmul.f32 v35, v15;
	v21 =	vadd.f32 v21, v17  }
0x11b: {  	v58 =	vmul.f32 v46, v16;
	v62 =	vld [tilespmem:s29+$0x50];
	v24 =	vadd.f32 v26, v24;
	v29 =	vadd.f32 v40, v29  }
0x11c: {  	v31 =	vld [tilespmem:s22+$0xFFFFFFF0];
	v26 =	vmul.f32 v28, v14;
	v22 =	vadd.f32 v27, v22;
	v21 =	vadd.f32 v21, v33  }
0x11d: {  	v25 =	vld [tilespmem:s23+$0x0];
	v27 =	vmul.f32 v36, v16;
	v33 =	vadd.f32 v48, v47;
	v29 =	vadd.f32 v29, v17  }
0x11e: {  	v59 =	vld [tilespmem:s30+$0x40];
	v36 =	vmul.f32 v63, v15;
	v60 =	vmul.f32 v50, v15  }
0x11f: {  	v28 =	vmul.f32 v30, v15;
	v30 =	vld [tilespmem:s29+$0x30];
	v23 =	vadd.f32 v29, v41;
	v29 =	vadd.f32 v51, v33  }
0x120: {  	v61 =	vld [tilespmem:s30+$0x50];
	v63 =	vmul.f32 v52, v16;
	v56 =	vadd.f32 v24, v17;
	v22 =	vadd.f32 v27, v22  }
0x121: {  	v44 =	vld [tilespmem:s23+$0x40];
	v50 =	vmul.f32 v62, v15;
	v26 =	vadd.f32 v28, v26;
	v29 =	vadd.f32 v29, v17  }
0x122: {  	v46 =	vld [tilespmem:s23+$0x50];
	v28 =	vmul.f32 v25, v16;
	v25 =	vadd.f32 v56, v31;
	v22 =	vadd.f32 v22, v17  }
0x123: {  	v32 =	vld [tilespmem:s22+$0x0];
	v31 =	vmul.f32 v49, v14;
	v24 =	vadd.f32 v29, v45;
	v29 =	vadd.f32 v36, v54  }
0x124: {  	v27 =	vld [tilespmem:s22+$0x10];
	v26 =	vadd.f32 v28, v26;
	v33 =	vmul.f32 v53, v14;
	v30 =	vmul.f32 v30, v15  }
0x125: {  	v28 =	vld [tilespmem:s29+$0x40];
	v31 =	vadd.f32 v60, v31;
	v49 =	vmul.f32 v61, v14;
	v29 =	vadd.f32 v58, v29  }
0x126: {  	v22 =	vadd.f32 v22, v37;
	v51 =	vld [tilespmem:s30+$0x70];
	v30 =	vadd.f32 v30, v33;
	v45 =	vmul.f32 v55, v16  }
0x127: {  	v52 =	vmul.f32 v44, v16;
	v53 =	vld [tilespmem:s29+$0x70];
	v26 =	vadd.f32 v26, v17;
	v29 =	vadd.f32 v29, v17  }
0x128: {  	v47 =	vmul.f32 v59, v14;
	v48 =	vld [tilespmem:s29+$0x60];
	v35 =	vadd.f32 v50, v49;
	v30 =	vadd.f32 v45, v30  }
0x129: {  	v33 =	vmul.f32 v46, v16;
	v27 =	vadd.f32 v29, v27;
	v29 =	vadd.f32 v63, v31;
	v31 =	vld [tilespmem:s30+$0x60]  }
0x12a: {  	v28 =	vmul.f32 v28, v15;
	v54 =	vld [tilespmem:s23+$0x60];
	v55 =	vmin.f32 v18, v19;
	v30 =	vadd.f32 v30, v17  }
0x12b: {  	v26 =	vadd.f32 v26, v32;
	v56 =	vmin.f32 v55, v20;
	v38 =	vmul.f32 v51, v14  }
0x12c: {  	v59 =	vmul.f32 v53, v15;
	v32 =	vadd.f32 v28, v47;
	v28 =	vadd.f32 v30, v57;
	v30 =	vld [tilespmem:s23+$0x70]  }
0x12d: {  	v37 =	vld [tilespmem:s22+$0x20];
	v34 =	vmul.f32 v48, v15;
	v33 =	vadd.f32 v33, v35;
	v57 =	vmin.f32 v56, v21  }
0x12e: {  	v38 =	vadd.f32 v59, v38;
	v35 =	vmin.f32 v57, v22;
	v31 =	vmul.f32 v31, v14  }
0x12f: {  	v58 =	vld [tilespmem:s22+$0x40];
	v32 =	vadd.f32 v52, v32;
	v36 =	vmul.f32 v54, v16;
	v35 =	vmin.f32 v35, v23  }
0x130: {  	v60 =	vld [tilespmem:s22+$0x50];
	v29 =	vadd.f32 v29, v17;
	v35 =	vmin.f32 v35, v24;
	v31 =	vadd.f32 v34, v31  }
0x131: {  	v61 =	vld [tilespmem:s22+$0x60];
	v32 =	vadd.f32 v32, v17;
	v35 =	vmin.f32 v35, v25;
	v30 =	vmul.f32 v30, v16  }
0x132: {  	v62 =	vld [tilespmem:s22+$0x70];
	v29 =	vadd.f32 v29, v37;
	v36 =	vadd.f32 v36, v31;
	v31 =	vmin.f32 v35, v26  }
0x133: {  	v33 =	vadd.f32 v33, v17;
	v30 =	vadd.f32 v30, v38;
	v35 =	vmin.f32 v31, v27  }
0x134: {  	v31 =	vadd.f32 v32, v58;
	v36 =	vadd.f32 v36, v17;
	v35 =	vmin.f32 v35, v29  }
0x135: {  	v30 =	vadd.f32 v30, v17;
	v32 =	vadd.f32 v33, v60;
	v63 =	vmin.f32 v35, v28  }
0x136: {  	v33 =	vadd.f32 v36, v61;
	v34 =	vmin.f32 v63, v31  }
0x137: {  	v30 =	vadd.f32 v30, v62;
	v34 =	vmin.f32 v34, v32  }
0x138: {  	v34 =	vmin.f32 v34, v33  }
0x139: {  	v34 =	vmin.f32 v34, v30  }
0x13a: {  	vm1 =	vlt.f32 v34, s31  }
0x13b: {  	v34 =	vsel vm1, $0x3F800000, v3  }
0x13c: {  	(xrf0) =	vmax.scan.msk.f32 $0xffff, v34;
	_ =	sdelay $0x5  }
0x13d: {  	v34, _, _ =	vpop (xrf0)  }
0x13e: {  	(v2sf) =	vpush v34, $0xF;
	_ =	sdelay $0xe  }
0x13f: {  	s0 =	spop (v2sf)  }
0x140: {  	p0 =	sgt.f32 s0, $0.0e+00  }
.Ltmp8:
0x141: {  	_ = 	snop;
	(pc) =	sbr.rel @!p0 .LBB2_6-.Ltmp8, $1  }
0x142: {  	_ =	sdelay $0x3  }
0x143: {  	s0 =	sadd.s32 $0xFFFFFF10, s21  }
0x144: {  	v34 =	vor.u32 s0, v0  }
0x145: {  	s0 =	sadd.s32 $0xFFFFFF20, s21;
	(xrf1) =	vsort.ascd.msk.f32 $0xffff, v18, v34  }
0x146: {  	s31 =	sadd.s32 $0xFFFFFF30, s21;
	v18 =	vor.u32 s0, v0  }
0x147: {  	s0 =	sadd.s32 $0xFFFFFF40, s21;
	(xrf1) =	vsort.ascd.msk.f32 $0xffff, v19, v18;
	v18 =	vor.u32 s31, v0  }
0x148: {  	s31 =	sadd.s32 $0xFFFFFF50, s21;
	(xrf1) =	vsort.ascd.msk.f32 $0xffff, v20, v18;
	v18 =	vor.u32 s0, v0  }
0x149: {  	s0 =	sadd.s32 $0xFFFFFF60, s21;
	(xrf1) =	vsort.ascd.msk.f32 $0xffff, v21, v18;
	v18 =	vor.u32 s31, v0  }
0x14a: {  	s31 =	sadd.s32 $0xFFFFFF70, s21;
	(xrf1) =	vsort.ascd.msk.f32 $0xffff, v22, v18;
	v18 =	vor.u32 s0, v0  }
0x14b: {  	s0 =	sadd.s32 $0xFFFFFF80, s21;
	(xrf1) =	vsort.ascd.msk.f32 $0xffff, v23, v18;
	v18 =	vor.u32 s31, v0  }
0x14c: {  	s31 =	sadd.s32 $0xFFFFFF90, s21;
	(xrf1) =	vsort.ascd.msk.f32 $0xffff, v24, v18;
	v18 =	vor.u32 s0, v0  }
0x14d: {  	s0 =	sadd.s32 $0xFFFFFFA0, s21;
	(xrf1) =	vsort.ascd.msk.f32 $0xffff, v25, v18;
	v18 =	vor.u32 s31, v0  }
0x14e: {  	s31 =	sadd.s32 $0xFFFFFFB0, s21;
	(xrf1) =	vsort.ascd.msk.f32 $0xffff, v26, v18;
	v18 =	vor.u32 s0, v0  }
0x14f: {  	v19 =	vld [tilespmem:$0x126D0];
	s0 =	sadd.s32 $0xFFFFFFC0, s21;
	(xrf1) =	vsort.ascd.msk.f32 $0xffff, v27, v18;
	v18 =	vor.u32 s31, v0  }
0x150: {  	v60 =	vld [tilespmem:$0x126E0];
	s31 =	sadd.s32 $0xFFFFFFD0, s21;
	(xrf1) =	vsort.ascd.msk.f32 $0xffff, v29, v18;
	v18 =	vor.u32 s0, v0  }
0x151: {  	s0 =	sadd.s32 $0xFFFFFFE0, s21;
	(xrf1) =	vsort.ascd.msk.f32 $0xffff, v28, v18;
	v18 =	vor.u32 s31, v0  }
0x152: {  	s31 =	sadd.s32 $0xFFFFFFF0, s21;
	(xrf1) =	vsort.ascd.msk.f32 $0xffff, v31, v18;
	v18 =	vor.u32 s0, v0  }
0x153: {  	v61, v62, _ =	vpop (xrf1);
	(xrf1) =	vsort.ascd.msk.f32 $0xffff, v32, v18;
	v18 =	vor.u32 s31, v0  }
0x154: {  	(xrf1) =	vsort.ascd.msk.f32 $0xffff, v33, v18;
	v18 =	vor.u32 s21, v0;
	vm1 =	vlt.f32 v61, v19  }
0x155: {  	v23, v24, _ =	vpop (xrf1);
	(xrf1) =	vsort.ascd.msk.f32 $0xffff, v30, v18;
	v18 =	vsel vm1, v61, v19;
	v19 =	vsel vm1, v62, v60;
	_ =	sdelay $0x2  }
0x156: {  	v63, v21, _ =	vpop (xrf1);
	(xrf1) =	vsort.dscd.msk.f32 $0xffff, v18, v19  }
0x157: {  	v18, v19, _ =	vpop (xrf1)  }
0x158: {  	v53, v52, _ =	vpop (xrf1)  }
0x159: {  	v54, v55, _ =	vpop (xrf1)  }
0x15a: {  	v57, v56, _ =	vpop (xrf1)  }
0x15b: {  	v59, v58, _ =	vpop (xrf1)  }
0x15c: {  	v60, v61, _ =	vpop (xrf1)  }
0x15d: {  	v62, v35, _ =	vpop (xrf1)  }
0x15e: {  	v36, v37, _ =	vpop (xrf1)  }
0x15f: {  	v38, v39, _ =	vpop (xrf1)  }
0x160: {  	v40, v41, _ =	vpop (xrf1)  }
0x161: {  	v42, v43, _ =	vpop (xrf1)  }
0x162: {  	v44, v45, _ =	vpop (xrf1)  }
0x163: {  	v46, v47, _ =	vpop (xrf1)  }
0x164: {  	v48, v49, _ =	vpop (xrf1)  }
0x165: {  	vm1 =	vlt.f32 v23, v48  }
0x166: {  	v23 =	vsel vm1, v23, v48;
	v24 =	vsel vm1, v24, v49  }
0x167: {  	(xrf1) =	vsort.dscd.msk.f32 $0xffff, v23, v24;
	_ =	sdelay $0xd  }
0x168: {  	v23, v24, _ =	vpop (xrf1)  }
0x169: {  	vm1 =	vlt.f32 v63, v23  }
0x16a: {  	v20 =	vsel vm1, v63, v23;
	v21 =	vsel vm1, v21, v24  }
0x16b: {  	(xrf1) =	vsort.dscd.msk.f32 $0xffff, v20, v21;
	_ =	sdelay $0xd  }
0x16c: {  	v20, v21, _ =	vpop (xrf1)  }
0x16d: {  	vm1 =	vlt.f32 v18, v20  }
0x16e: {  	v18 =	vsel vm1, v18, v20;
	v19 =	vsel vm1, v19, v21  }
0x16f: {  	(xrf1) =	vsort.dscd.msk.f32 $0xffff, v18, v19;
	_ =	sdelay $0xd  }
0x170: {  	v18, v19, _ =	vpop (xrf1)  }
0x171: {  	vm1 =	vlt.f32 v53, v18  }
0x172: {  	v18 =	vsel vm1, v53, v18;
	v19 =	vsel vm1, v52, v19  }
0x173: {  	(xrf1) =	vsort.dscd.msk.f32 $0xffff, v18, v19;
	_ =	sdelay $0xd  }
0x174: {  	v18, v19, _ =	vpop (xrf1)  }
0x175: {  	vm1 =	vlt.f32 v54, v18  }
0x176: {  	v18 =	vsel vm1, v54, v18;
	v19 =	vsel vm1, v55, v19  }
0x177: {  	(xrf1) =	vsort.dscd.msk.f32 $0xffff, v18, v19;
	_ =	sdelay $0xd  }
0x178: {  	v18, v19, _ =	vpop (xrf1)  }
0x179: {  	vm1 =	vlt.f32 v57, v18  }
0x17a: {  	v18 =	vsel vm1, v57, v18;
	v19 =	vsel vm1, v56, v19  }
0x17b: {  	(xrf1) =	vsort.dscd.msk.f32 $0xffff, v18, v19;
	_ =	sdelay $0xd  }
0x17c: {  	v18, v19, _ =	vpop (xrf1)  }
0x17d: {  	vm1 =	vlt.f32 v59, v18  }
0x17e: {  	v18 =	vsel vm1, v59, v18;
	v19 =	vsel vm1, v58, v19  }
0x17f: {  	(xrf1) =	vsort.dscd.msk.f32 $0xffff, v18, v19;
	_ =	sdelay $0xd  }
0x180: {  	v18, v19, _ =	vpop (xrf1)  }
0x181: {  	vm1 =	vlt.f32 v60, v18  }
0x182: {  	v18 =	vsel vm1, v60, v18;
	v19 =	vsel vm1, v61, v19  }
0x183: {  	(xrf1) =	vsort.dscd.msk.f32 $0xffff, v18, v19;
	_ =	sdelay $0xd  }
0x184: {  	v18, v19, _ =	vpop (xrf1)  }
0x185: {  	vm1 =	vlt.f32 v62, v18  }
0x186: {  	v18 =	vsel vm1, v62, v18;
	v19 =	vsel vm1, v35, v19  }
0x187: {  	(xrf1) =	vsort.dscd.msk.f32 $0xffff, v18, v19;
	_ =	sdelay $0xd  }
0x188: {  	v18, v19, _ =	vpop (xrf1)  }
0x189: {  	vm1 =	vlt.f32 v36, v18  }
0x18a: {  	v18 =	vsel vm1, v36, v18;
	v19 =	vsel vm1, v37, v19  }
0x18b: {  	(xrf1) =	vsort.dscd.msk.f32 $0xffff, v18, v19;
	_ =	sdelay $0xd  }
0x18c: {  	v18, v19, _ =	vpop (xrf1)  }
0x18d: {  	vm1 =	vlt.f32 v38, v18  }
0x18e: {  	v18 =	vsel vm1, v38, v18;
	v19 =	vsel vm1, v39, v19  }
0x18f: {  	(xrf1) =	vsort.dscd.msk.f32 $0xffff, v18, v19;
	_ =	sdelay $0xd  }
0x190: {  	v18, v19, _ =	vpop (xrf1)  }
0x191: {  	vm1 =	vlt.f32 v40, v18  }
0x192: {  	v18 =	vsel vm1, v40, v18;
	v19 =	vsel vm1, v41, v19  }
0x193: {  	(xrf1) =	vsort.dscd.msk.f32 $0xffff, v18, v19;
	_ =	sdelay $0xd  }
0x194: {  	v18, v19, _ =	vpop (xrf1)  }
0x195: {  	vm1 =	vlt.f32 v42, v18  }
0x196: {  	v18 =	vsel vm1, v42, v18;
	v19 =	vsel vm1, v43, v19  }
0x197: {  	(xrf1) =	vsort.dscd.msk.f32 $0xffff, v18, v19;
	_ =	sdelay $0xd  }
0x198: {  	v18, v19, _ =	vpop (xrf1)  }
0x199: {  	vm1 =	vlt.f32 v44, v18  }
0x19a: {  	v18 =	vsel vm1, v44, v18;
	v19 =	vsel vm1, v45, v19  }
0x19b: {  	(xrf1) =	vsort.dscd.msk.f32 $0xffff, v18, v19;
	_ =	sdelay $0xd  }
0x19c: {  	v18, v19, _ =	vpop (xrf1)  }
0x19d: {  	vm1 =	vlt.f32 v46, v18  }
0x19e: {  	v18 =	vsel vm1, v46, v18;
	v19 =	vsel vm1, v47, v19  }
0x19f: {  	(xrf1) =	vsort.dscd.msk.f32 $0xffff, v18, v19;
	_ =	sdelay $0xd  }
0x1a0: {  	v18, v19, _ =	vpop (xrf1)  }
0x1a1: {  	(xrf0) =	vmax.scan.msk.f32 $0xffff, v18;
	_ =	sdelay $0x5  }
0x1a2: {  	v63, _, _ =	vpop (xrf0)  }
0x1a3: {  	(v2sf) =	vpush v63, $0xF;
	_ =	sdelay $0xb  }
.Ltmp9:
0x1a4: {  	_ = 	snop;
	(pc) =	sbr.rel .LBB2_6-.Ltmp9, $3  }
0x1a5: {  	_ =	sdelay $0x1  }
0x1a6: {  	[tilespmem:$0x126D0] =	vst v18;
	s31 =	spop (v2sf)  }
0x1a7: {  	[tilespmem:$0x126E0] =	vst v19;
	[smem:$0x0] =	sst s31  }
.LBB2_10:
0x1a8: {  	_ =	sfence.sel $0x180000  }
0x1a9: {  	[bflag:$0x0] =	sbarrier.arrive $0xFFFF  }
0x1aa: {  	_ =	strace $0x90000047  }
0x1ab: {  	s0 =	stileid.u32;
	[bflag:$0x2] =	sbarrier.arrive $0xFFFF  }
0x1ac: {  	p0 =	sne.s32 s0, $0x0;
	s0 =	rddreg [dreg:$0x3]  }
0x1ad: {  	s0 =	sadd.s32 @!p0 $0x100000, s0  }
0x1ae: {  	[sflag:s0] =	ssyncadd.tile.s32 @!p0 $0x1;
	_ =	shalt  }
.Lfunc_end2:
_tile_overlayer_lowered:
.L_overlay_start_2:
0x1af: {  	(tag) =	ssettag $0x2  }
0x1b0: {  	s0 =	rddreg [dreg:$0x0];
	s2 =	stileid.u32  }
0x1b1: {  	s1 =	rddreg [dreg:$0x1];
	p0 =	sne.s32 s2, $0x0  }
0x1b2: {  	s3 =	rddreg [dreg:$0x2];
	[bflag:$0x3] =	sbarrier.arrive $0xFFFF;
	s2 =	simm.s32 @!p0 $0x1C02  }
0x1b3: {  	[timem:s3], [sflag:s2] =	dma.local @!p0 [hbm:s0], s1  }
0x1b4: {  	s0 =	simm.s32 @!p0 $0x2  }
0x1b5: {  	_ =	swait.ge @!p0 [sflag:s0], s1  }
0x1b6: {  	s1 =	ssub.s32 @!p0 $0x0, s1;
	[sflag:s0] =	ssyncset.done @!p0 $0x0  }
0x1b7: {  	[sflag:s0] =	ssyncadd.s32 @!p0 s1  }
0x1b8: {  	[bflag:$0x3] =	sbarrier.arrive $0xFFFF  }
0x1b9: {  	_ =	shalt  }

</sc_bundles>
